<compile_context>
chip_gen: v7x
topology: tpu7x:2x2x1
jax: 0.10.2.dev20260603
libtpu: 0.0.44.dev20260713+nightly
codegen_flags: <defaults>
</compile_context>

<pallas_src>
import jax
import jax.numpy as jnp
from jax import lax
from jax.experimental import pallas as pl
from jax.experimental.pallas import tpu as pltpu
from jax.experimental.pallas import tpu_sc as plsc

_NC, _NS = 2, 16
_NW = _NC * _NS
_C, _J, _K = 3, 144, 118
_ROWS = _C * _K
_RPW = -(-_ROWS // _NW)
_SLOTS = 4
_LOOK = 2


def _sc_body(x3, maps_hbm, out3, maps_v, bufs, *sems):
    w = lax.axis_index("sub") * _NC + lax.axis_index("core")
    pltpu.sync_copy(maps_hbm, maps_v.at[pl.ds(0, _K)])
    sems_in, sems_out = sems[:_SLOTS], sems[_SLOTS:]

    def row_coords(t):
        r = w + _NW * t
        valid = r < _ROWS
        rc = jnp.where(valid, r, 0)
        ci = rc // _K
        j = rc - ci * _K
        base = (j // 16) * 16
        m_vec = maps_v[pl.ds(base, 16)]
        lane = lax.broadcasted_iota(jnp.int32, (16,), 0)
        m = jnp.max(jnp.where(lane == j - base, m_vec, -1))
        return valid, ci, j, m

    coords = [row_coords(t) for t in range(_RPW)]

    def in_src(t):
        _, ci, _, m = coords[t]
        return x3.at[ci, m, :]

    def out_dst(t):
        _, ci, j, _ = coords[t]
        return out3.at[ci, j, :]

    def buf(t):
        return bufs.at[t % _SLOTS]

    def fire_in(t):
        @pl.when(coords[t][0])
        def _():
            pltpu.async_copy(in_src(t), buf(t), sems_in[t % _SLOTS])

    def wait_in(t):
        @pl.when(coords[t][0])
        def _():
            pltpu.make_async_copy(in_src(t), buf(t),
                                  sems_in[t % _SLOTS]).wait()

    def fire_out(t):
        @pl.when(coords[t][0])
        def _():
            pltpu.async_copy(buf(t), out_dst(t), sems_out[t % _SLOTS])

    def wait_out(t):
        @pl.when(coords[t][0])
        def _():
            pltpu.make_async_copy(buf(t), out_dst(t),
                                  sems_out[t % _SLOTS]).wait()

    for t in range(min(_LOOK, _RPW)):
        fire_in(t)
    for t in range(_RPW):
        nt = t + _LOOK
        if nt < _RPW:
            if nt - _SLOTS >= 0:
                wait_out(nt - _SLOTS)
            fire_in(nt)
        wait_in(t)
        fire_out(t)
    for t in range(max(0, _RPW - _SLOTS), _RPW):
        wait_out(t)


def _sc_gather(x3, maps):
    mesh = plsc.VectorSubcoreMesh(
        core_axis_name="core", subcore_axis_name="sub",
        num_cores=_NC, num_subcores=_NS,
    )
    return pl.kernel(
        _sc_body,
        out_type=jax.ShapeDtypeStruct((_C, _K, 16384), jnp.float32),
        mesh=mesh,
        compiler_params=pltpu.CompilerParams(
            needs_layout_passes=False, use_tc_tiling_on_sc=True,
        ),
        scratch_types=(
            [pltpu.VMEM((128,), jnp.int32),
             pltpu.VMEM((_SLOTS, 16384), jnp.float32)]
            + [pltpu.SemaphoreType.DMA] * (2 * _SLOTS)
        ),
    )(x3, maps)


def kernel(joints, joint_maps):
    b, j, c = joints.shape
    x3 = jnp.transpose(joints, (2, 1, 0))
    out3 = _sc_gather(x3, joint_maps)
    return jnp.transpose(out3, (2, 1, 0))

# --- scband reference (transcript-rebuilt; emitter-appended) ---
"""Pipeline reference for scband-joint-mapper-8177617732259 (READ-ONLY COPY).

The authoritative reference and input builder live on the scoring server;
editing this copy changes nothing except your own understanding.
"""

import jax, jax.numpy as jnp
import numpy as np

JOINT_MAPS = [0, 17, 34, 51, 68, 85, 102, 119, 136, 9, 26, 43, 60, 77, 94, 111, 128, 1, 18, 35, 52, 69, 86, 103, 120, 137, 10, 27, 44, 61, 78, 95, 112, 129, 2, 19, 36, 53, 70, 87, 104, 121, 138, 11, 28, 45, 62, 79, 96, 113, 130, 3, 20, 37, 54, 71, 88, 105, 122, 139, 12, 29, 46, 63, 80, 97, 114, 131, 4, 21, 38, 55, 72, 89, 106, 123, 140, 13, 30, 47, 64, 81, 98, 115, 132, 5, 22, 39, 56, 73, 90, 107, 124, 141, 14, 31, 48, 65, 82, 99, 116, 133, 6, 23, 40, 57, 74, 91, 108, 125, 142, 15, 32, 49, 66, 83, 100, 117]


def setup_inputs(seed: int = 0) -> dict:
    key = jax.random.key(seed)
    joints = jax.random.normal(key, (16384, 144, 3), dtype=jnp.float32)
    joint_maps = jnp.array(JOINT_MAPS, dtype=jnp.int32)
    return {"joints": joints, "joint_maps": joint_maps}


def reference(joints, joint_maps):
    # torch.index_select(joints, 1, joint_maps) -> gather along axis 1
    return jnp.take(joints, joint_maps, axis=1)

if __name__ == "__main__":
    import jax
    _d = setup_inputs()
    print(jax.jit(kernel)(*tuple(_d.values())))

</pallas_src>

<mosaic_0001>
#map = affine_map<(d0, d1) -> (0, 0, 0)>
#map1 = affine_map<(d0, d1) -> (0)>
module attributes {stable_mosaic.version = 14 : i64} {
  func.func @_sc_body(%arg0: i32, %arg1: i32, %arg2: memref<3x144x16384xf32, #tpu.memory_space<hbm>>, %arg3: memref<118xi32, #tpu.memory_space<hbm>>, %arg4: memref<3x118x16384xf32, #tpu.memory_space<hbm>>, %arg5: memref<128xi32, #tpu.memory_space<vmem>>, %arg6: memref<4x16384xf32, #tpu.memory_space<vmem>>, %arg7: memref<!tpu.dma_semaphore, #tpu.memory_space<semaphore_mem>>, %arg8: memref<!tpu.dma_semaphore, #tpu.memory_space<semaphore_mem>>, %arg9: memref<!tpu.dma_semaphore, #tpu.memory_space<semaphore_mem>>, %arg10: memref<!tpu.dma_semaphore, #tpu.memory_space<semaphore_mem>>, %arg11: memref<!tpu.dma_semaphore, #tpu.memory_space<semaphore_mem>>, %arg12: memref<!tpu.dma_semaphore, #tpu.memory_space<semaphore_mem>>, %arg13: memref<!tpu.dma_semaphore, #tpu.memory_space<semaphore_mem>>, %arg14: memref<!tpu.dma_semaphore, #tpu.memory_space<semaphore_mem>>) attributes {dimension_semantics = [#tpu.dimension_semantics<core_parallel>, #tpu.dimension_semantics<subcore_parallel>], iteration_bounds = array<i64: 2, 16>, scalar_prefetch = 0 : i64, scratch_operands = 10 : i64, tpu.core_type = #tpu.core_type<sc_vector_subcore>, window_params = [{transform_indices = #map}, {transform_indices = #map1}, {transform_indices = #map}]} {
    %mul3A = arith.constant 2 : i32
    %mul3A_0 = arith.muli %arg1, %mul3A : i32
    %add3A = arith.addi %mul3A_0, %arg0 : i32
    "tpu.region"() ({
      %run_scoped3A = tpu.sem_alloc : memref<!tpu.dma_semaphore, #tpu.memory_space<semaphore_mem>>
      %dma_start3A = arith.constant 0 : i32
      %dma_start3A_1041 = tpu.memref_slice %arg5[%dma_start3A] : memref<128xi32, #tpu.memory_space<vmem>> -> memref<118xi32, #tpu.memory_space<vmem>>
      %dma_start3A_1042 = arith.constant 0 : i32
      %dma_start3A_1043 = tpu.memref_slice %arg5[%dma_start3A_1042] : memref<128xi32, #tpu.memory_space<vmem>> -> memref<118xi32, #tpu.memory_space<vmem>>
      tpu.enqueue_dma source(%arg3 : memref<118xi32, #tpu.memory_space<hbm>>) target(%dma_start3A_1043 : memref<118xi32, #tpu.memory_space<vmem>>) target_semaphore(%run_scoped3A : memref<!tpu.dma_semaphore, #tpu.memory_space<semaphore_mem>>)
      %dma_wait3A = arith.constant 0 : i32
      %dma_wait3A_1044 = tpu.memref_slice %arg5[%dma_wait3A] : memref<128xi32, #tpu.memory_space<vmem>> -> memref<118xi32, #tpu.memory_space<vmem>>
      %dma_wait3A_1045 = arith.constant 0 : i32
      %dma_wait3A_1046 = tpu.memref_slice %arg5[%dma_wait3A_1045] : memref<128xi32, #tpu.memory_space<vmem>> -> memref<118xi32, #tpu.memory_space<vmem>>
      tpu.wait_dma2 semaphore(%run_scoped3A : memref<!tpu.dma_semaphore, #tpu.memory_space<semaphore_mem>>) src(%arg3 : memref<118xi32, #tpu.memory_space<hbm>>) dst(%dma_wait3A_1046 : memref<118xi32, #tpu.memory_space<vmem>>)
      tpu.yield
    }) : () -> ()
    %add3A_1 = arith.constant 0 : i32
    %add3A_2 = arith.addi %add3A, %add3A_1 : i32
    %lt3A = arith.constant 354 : i32
    %lt3A_3 = arith.cmpi slt, %add3A_2, %lt3A : i32
    %jit3A = arith.constant 0 : i32
    %select_n3A = arith.select %lt3A_3, %add3A_2, %jit3A : i32
    %jit3A_4 = arith.constant 118 : i32
    %div3A = arith.divsi %select_n3A, %jit3A_4 : i32
    %sign3A = arith.constant 0 : i32
    %sign3A_5 = arith.cmpi sgt, %select_n3A, %sign3A : i32
    %sign3A_6 = arith.extui %sign3A_5 : i1 to i32
    %sign3A_7 = arith.constant 0 : i32
    %sign3A_8 = arith.cmpi slt, %select_n3A, %sign3A_7 : i32
    %sign3A_9 = arith.extui %sign3A_8 : i1 to i32
    %sign3A_10 = arith.subi %sign3A_6, %sign3A_9 : i32
    %sign3A_11 = arith.constant 0 : i32
    %sign3A_12 = arith.cmpi sgt, %jit3A_4, %sign3A_11 : i32
    %sign3A_13 = arith.extui %sign3A_12 : i1 to i32
    %sign3A_14 = arith.constant 0 : i32
    %sign3A_15 = arith.cmpi slt, %jit3A_4, %sign3A_14 : i32
    %sign3A_16 = arith.extui %sign3A_15 : i1 to i32
    %sign3A_17 = arith.subi %sign3A_13, %sign3A_16 : i32
    %ne3A = arith.cmpi ne, %sign3A_10, %sign3A_17 : i32
    %rem3A = arith.remsi %select_n3A, %jit3A_4 : i32
    %ne3A_18 = arith.constant 0 : i32
    %ne3A_19 = arith.cmpi ne, %rem3A, %ne3A_18 : i32
    %and3A = arith.andi %ne3A, %ne3A_19 : i1
    %sub3A = arith.constant 1 : i32
    %sub3A_20 = arith.subi %div3A, %sub3A : i32
    %select_n3A_21 = arith.select %and3A, %sub3A_20, %div3A : i32
    %mul3A_22 = arith.constant 118 : i32
    %mul3A_23 = arith.muli %select_n3A_21, %mul3A_22 : i32
    %sub3A_24 = arith.subi %select_n3A, %mul3A_23 : i32
    %jit3A_25 = arith.constant 16 : i32
    %div3A_26 = arith.divsi %sub3A_24, %jit3A_25 : i32
    %sign3A_27 = arith.constant 0 : i32
    %sign3A_28 = arith.cmpi sgt, %sub3A_24, %sign3A_27 : i32
    %sign3A_29 = arith.extui %sign3A_28 : i1 to i32
    %sign3A_30 = arith.constant 0 : i32
    %sign3A_31 = arith.cmpi slt, %sub3A_24, %sign3A_30 : i32
    %sign3A_32 = arith.extui %sign3A_31 : i1 to i32
    %sign3A_33 = arith.subi %sign3A_29, %sign3A_32 : i32
    %sign3A_34 = arith.constant 0 : i32
    %sign3A_35 = arith.cmpi sgt, %jit3A_25, %sign3A_34 : i32
    %sign3A_36 = arith.extui %sign3A_35 : i1 to i32
    %sign3A_37 = arith.constant 0 : i32
    %sign3A_38 = arith.cmpi slt, %jit3A_25, %sign3A_37 : i32
    %sign3A_39 = arith.extui %sign3A_38 : i1 to i32
    %sign3A_40 = arith.subi %sign3A_36, %sign3A_39 : i32
    %ne3A_41 = arith.cmpi ne, %sign3A_33, %sign3A_40 : i32
    %rem3A_42 = arith.remsi %sub3A_24, %jit3A_25 : i32
    %ne3A_43 = arith.constant 0 : i32
    %ne3A_44 = arith.cmpi ne, %rem3A_42, %ne3A_43 : i32
    %and3A_45 = arith.andi %ne3A_41, %ne3A_44 : i1
    %sub3A_46 = arith.constant 1 : i32
    %sub3A_47 = arith.subi %div3A_26, %sub3A_46 : i32
    %select_n3A_48 = arith.select %and3A_45, %sub3A_47, %div3A_26 : i32
    %mul3A_49 = arith.constant 16 : i32
    %mul3A_50 = arith.muli %select_n3A_48, %mul3A_49 : i32
    %get3A = arith.index_cast %mul3A_50 : i32 to index
    %get3A_51 = tpu.vector_load %arg5[%get3A] {strides = array<i32>} : memref<128xi32, #tpu.memory_space<vmem>>, vector<16xi32>,
    %iota3A = tpu.iota {dimensions = array<i32: 0>} : vector<16xi32>
    %sub3A_52 = arith.subi %sub3A_24, %mul3A_50 : i32
    %eq3A = vector.broadcast %sub3A_52 : i32 to vector<16xi32>
    %eq3A_53 = arith.cmpi eq, %iota3A, %eq3A : vector<16xi32>
    %jit3A_54 = arith.constant -1 : i32
    %broadcast_in_dim3A = vector.broadcast %jit3A_54 : i32 to vector<16xi32>
    %select_n3A_55 = arith.select %eq3A_53, %get3A_51, %broadcast_in_dim3A : vector<16xi1>, vector<16xi32>
    %reduce_max3A = arith.constant true
    %reduce_max3A_56 = vector.broadcast %reduce_max3A : i1 to vector<16xi1>
    %reduce_max3A_57 = arith.constant -2147483648 : i32
    %reduce_max3A_58 = vector.broadcast %reduce_max3A_57 : i32 to vector<16xi32>
    %reduce_max3A_59 = arith.xori %select_n3A_55, %reduce_max3A_58 : vector<16xi32>
    %reduce_max3A_60 = tpu.scan <max>, %reduce_max3A_59 masked %reduce_max3A_56 : vector<16xi32>, vector<16xi1> -> vector<16xi32>
    %reduce_max3A_61 = arith.xori %reduce_max3A_60, %reduce_max3A_58 : vector<16xi32>
    %reduce_max3A_62 = vector.extract %reduce_max3A_61[15] : i32 from vector<16xi32>
    %add3A_63 = arith.constant 32 : i32
    %add3A_64 = arith.addi %add3A, %add3A_63 : i32
    %lt3A_65 = arith.constant 354 : i32
    %lt3A_66 = arith.cmpi slt, %add3A_64, %lt3A_65 : i32
    %jit3A_67 = arith.constant 0 : i32
    %select_n3A_68 = arith.select %lt3A_66, %add3A_64, %jit3A_67 : i32
    %jit3A_69 = arith.constant 118 : i32
    %div3A_70 = arith.divsi %select_n3A_68, %jit3A_69 : i32
    %sign3A_71 = arith.constant 0 : i32
    %sign3A_72 = arith.cmpi sgt, %select_n3A_68, %sign3A_71 : i32
    %sign3A_73 = arith.extui %sign3A_72 : i1 to i32
    %sign3A_74 = arith.constant 0 : i32
    %sign3A_75 = arith.cmpi slt, %select_n3A_68, %sign3A_74 : i32
    %sign3A_76 = arith.extui %sign3A_75 : i1 to i32
    %sign3A_77 = arith.subi %sign3A_73, %sign3A_76 : i32
    %sign3A_78 = arith.constant 0 : i32
    %sign3A_79 = arith.cmpi sgt, %jit3A_69, %sign3A_78 : i32
    %sign3A_80 = arith.extui %sign3A_79 : i1 to i32
    %sign3A_81 = arith.constant 0 : i32
    %sign3A_82 = arith.cmpi slt, %jit3A_69, %sign3A_81 : i32
    %sign3A_83 = arith.extui %sign3A_82 : i1 to i32
    %sign3A_84 = arith.subi %sign3A_80, %sign3A_83 : i32
    %ne3A_85 = arith.cmpi ne, %sign3A_77, %sign3A_84 : i32
    %rem3A_86 = arith.remsi %select_n3A_68, %jit3A_69 : i32
    %ne3A_87 = arith.constant 0 : i32
    %ne3A_88 = arith.cmpi ne, %rem3A_86, %ne3A_87 : i32
    %and3A_89 = arith.andi %ne3A_85, %ne3A_88 : i1
    %sub3A_90 = arith.constant 1 : i32
    %sub3A_91 = arith.subi %div3A_70, %sub3A_90 : i32
    %select_n3A_92 = arith.select %and3A_89, %sub3A_91, %div3A_70 : i32
    %mul3A_93 = arith.constant 118 : i32
    %mul3A_94 = arith.muli %select_n3A_92, %mul3A_93 : i32
    %sub3A_95 = arith.subi %select_n3A_68, %mul3A_94 : i32
    %jit3A_96 = arith.constant 16 : i32
    %div3A_97 = arith.divsi %sub3A_95, %jit3A_96 : i32
    %sign3A_98 = arith.constant 0 : i32
    %sign3A_99 = arith.cmpi sgt, %sub3A_95, %sign3A_98 : i32
    %sign3A_100 = arith.extui %sign3A_99 : i1 to i32
    %sign3A_101 = arith.constant 0 : i32
    %sign3A_102 = arith.cmpi slt, %sub3A_95, %sign3A_101 : i32
    %sign3A_103 = arith.extui %sign3A_102 : i1 to i32
    %sign3A_104 = arith.subi %sign3A_100, %sign3A_103 : i32
    %sign3A_105 = arith.constant 0 : i32
    %sign3A_106 = arith.cmpi sgt, %jit3A_96, %sign3A_105 : i32
    %sign3A_107 = arith.extui %sign3A_106 : i1 to i32
    %sign3A_108 = arith.constant 0 : i32
    %sign3A_109 = arith.cmpi slt, %jit3A_96, %sign3A_108 : i32
    %sign3A_110 = arith.extui %sign3A_109 : i1 to i32
    %sign3A_111 = arith.subi %sign3A_107, %sign3A_110 : i32
    %ne3A_112 = arith.cmpi ne, %sign3A_104, %sign3A_111 : i32
    %rem3A_113 = arith.remsi %sub3A_95, %jit3A_96 : i32
    %ne3A_114 = arith.constant 0 : i32
    %ne3A_115 = arith.cmpi ne, %rem3A_113, %ne3A_114 : i32
    %and3A_116 = arith.andi %ne3A_112, %ne3A_115 : i1
    %sub3A_117 = arith.constant 1 : i32
    %sub3A_118 = arith.subi %div3A_97, %sub3A_117 : i32
    %select_n3A_119 = arith.select %and3A_116, %sub3A_118, %div3A_97 : i32
    %mul3A_120 = arith.constant 16 : i32
    %mul3A_121 = arith.muli %select_n3A_119, %mul3A_120 : i32
    %get3A_122 = arith.index_cast %mul3A_121 : i32 to index
    %get3A_123 = tpu.vector_load %arg5[%get3A_122] {strides = array<i32>} : memref<128xi32, #tpu.memory_space<vmem>>, vector<16xi32>,
    %iota3A_124 = tpu.iota {dimensions = array<i32: 0>} : vector<16xi32>
    %sub3A_125 = arith.subi %sub3A_95, %mul3A_121 : i32
    %eq3A_126 = vector.broadcast %sub3A_125 : i32 to vector<16xi32>
    %eq3A_127 = arith.cmpi eq, %iota3A_124, %eq3A_126 : vector<16xi32>
    %jit3A_128 = arith.constant -1 : i32
    %broadcast_in_dim3A_129 = vector.broadcast %jit3A_128 : i32 to vector<16xi32>
    %select_n3A_130 = arith.select %eq3A_127, %get3A_123, %broadcast_in_dim3A_129 : vector<16xi1>, vector<16xi32>
    %reduce_max3A_131 = arith.constant true
    %reduce_max3A_132 = vector.broadcast %reduce_max3A_131 : i1 to vector<16xi1>
    %reduce_max3A_133 = arith.constant -2147483648 : i32
    %reduce_max3A_134 = vector.broadcast %reduce_max3A_133 : i32 to vector<16xi32>
    %reduce_max3A_135 = arith.xori %select_n3A_130, %reduce_max3A_134 : vector<16xi32>
    %reduce_max3A_136 = tpu.scan <max>, %reduce_max3A_135 masked %reduce_max3A_132 : vector<16xi32>, vector<16xi1> -> vector<16xi32>
    %reduce_max3A_137 = arith.xori %reduce_max3A_136, %reduce_max3A_134 : vector<16xi32>
    %reduce_max3A_138 = vector.extract %reduce_max3A_137[15] : i32 from vector<16xi32>
    %add3A_139 = arith.constant 64 : i32
    %add3A_140 = arith.addi %add3A, %add3A_139 : i32
    %lt3A_141 = arith.constant 354 : i32
    %lt3A_142 = arith.cmpi slt, %add3A_140, %lt3A_141 : i32
    %jit3A_143 = arith.constant 0 : i32
    %select_n3A_144 = arith.select %lt3A_142, %add3A_140, %jit3A_143 : i32
    %jit3A_145 = arith.constant 118 : i32
    %div3A_146 = arith.divsi %select_n3A_144, %jit3A_145 : i32
    %sign3A_147 = arith.constant 0 : i32
    %sign3A_148 = arith.cmpi sgt, %select_n3A_144, %sign3A_147 : i32
    %sign3A_149 = arith.extui %sign3A_148 : i1 to i32
    %sign3A_150 = arith.constant 0 : i32
    %sign3A_151 = arith.cmpi slt, %select_n3A_144, %sign3A_150 : i32
    %sign3A_152 = arith.extui %sign3A_151 : i1 to i32
    %sign3A_153 = arith.subi %sign3A_149, %sign3A_152 : i32
    %sign3A_154 = arith.constant 0 : i32
    %sign3A_155 = arith.cmpi sgt, %jit3A_145, %sign3A_154 : i32
    %sign3A_156 = arith.extui %sign3A_155 : i1 to i32
    %sign3A_157 = arith.constant 0 : i32
    %sign3A_158 = arith.cmpi slt, %jit3A_145, %sign3A_157 : i32
    %sign3A_159 = arith.extui %sign3A_158 : i1 to i32
    %sign3A_160 = arith.subi %sign3A_156, %sign3A_159 : i32
    %ne3A_161 = arith.cmpi ne, %sign3A_153, %sign3A_160 : i32
    %rem3A_162 = arith.remsi %select_n3A_144, %jit3A_145 : i32
    %ne3A_163 = arith.constant 0 : i32
    %ne3A_164 = arith.cmpi ne, %rem3A_162, %ne3A_163 : i32
    %and3A_165 = arith.andi %ne3A_161, %ne3A_164 : i1
    %sub3A_166 = arith.constant 1 : i32
    %sub3A_167 = arith.subi %div3A_146, %sub3A_166 : i32
    %select_n3A_168 = arith.select %and3A_165, %sub3A_167, %div3A_146 : i32
    %mul3A_169 = arith.constant 118 : i32
    %mul3A_170 = arith.muli %select_n3A_168, %mul3A_169 : i32
    %sub3A_171 = arith.subi %select_n3A_144, %mul3A_170 : i32
    %jit3A_172 = arith.constant 16 : i32
    %div3A_173 = arith.divsi %sub3A_171, %jit3A_172 : i32
    %sign3A_174 = arith.constant 0 : i32
    %sign3A_175 = arith.cmpi sgt, %sub3A_171, %sign3A_174 : i32
    %sign3A_176 = arith.extui %sign3A_175 : i1 to i32
    %sign3A_177 = arith.constant 0 : i32
    %sign3A_178 = arith.cmpi slt, %sub3A_171, %sign3A_177 : i32
    %sign3A_179 = arith.extui %sign3A_178 : i1 to i32
    %sign3A_180 = arith.subi %sign3A_176, %sign3A_179 : i32
    %sign3A_181 = arith.constant 0 : i32
    %sign3A_182 = arith.cmpi sgt, %jit3A_172, %sign3A_181 : i32
    %sign3A_183 = arith.extui %sign3A_182 : i1 to i32
    %sign3A_184 = arith.constant 0 : i32
    %sign3A_185 = arith.cmpi slt, %jit3A_172, %sign3A_184 : i32
    %sign3A_186 = arith.extui %sign3A_185 : i1 to i32
    %sign3A_187 = arith.subi %sign3A_183, %sign3A_186 : i32
    %ne3A_188 = arith.cmpi ne, %sign3A_180, %sign3A_187 : i32
    %rem3A_189 = arith.remsi %sub3A_171, %jit3A_172 : i32
    %ne3A_190 = arith.constant 0 : i32
    %ne3A_191 = arith.cmpi ne, %rem3A_189, %ne3A_190 : i32
    %and3A_192 = arith.andi %ne3A_188, %ne3A_191 : i1
    %sub3A_193 = arith.constant 1 : i32
    %sub3A_194 = arith.subi %div3A_173, %sub3A_193 : i32
    %select_n3A_195 = arith.select %and3A_192, %sub3A_194, %div3A_173 : i32
    %mul3A_196 = arith.constant 16 : i32
    %mul3A_197 = arith.muli %select_n3A_195, %mul3A_196 : i32
    %get3A_198 = arith.index_cast %mul3A_197 : i32 to index
    %get3A_199 = tpu.vector_load %arg5[%get3A_198] {strides = array<i32>} : memref<128xi32, #tpu.memory_space<vmem>>, vector<16xi32>,
    %iota3A_200 = tpu.iota {dimensions = array<i32: 0>} : vector<16xi32>
    %sub3A_201 = arith.subi %sub3A_171, %mul3A_197 : i32
    %eq3A_202 = vector.broadcast %sub3A_201 : i32 to vector<16xi32>
    %eq3A_203 = arith.cmpi eq, %iota3A_200, %eq3A_202 : vector<16xi32>
    %jit3A_204 = arith.constant -1 : i32
    %broadcast_in_dim3A_205 = vector.broadcast %jit3A_204 : i32 to vector<16xi32>
    %select_n3A_206 = arith.select %eq3A_203, %get3A_199, %broadcast_in_dim3A_205 : vector<16xi1>, vector<16xi32>
    %reduce_max3A_207 = arith.constant true
    %reduce_max3A_208 = vector.broadcast %reduce_max3A_207 : i1 to vector<16xi1>
    %reduce_max3A_209 = arith.constant -2147483648 : i32
    %reduce_max3A_210 = vector.broadcast %reduce_max3A_209 : i32 to vector<16xi32>
    %reduce_max3A_211 = arith.xori %select_n3A_206, %reduce_max3A_210 : vector<16xi32>
    %reduce_max3A_212 = tpu.scan <max>, %reduce_max3A_211 masked %reduce_max3A_208 : vector<16xi32>, vector<16xi1> -> vector<16xi32>
    %reduce_max3A_213 = arith.xori %reduce_max3A_212, %reduce_max3A_210 : vector<16xi32>
    %reduce_max3A_214 = vector.extract %reduce_max3A_213[15] : i32 from vector<16xi32>
    %add3A_215 = arith.constant 96 : i32
    %add3A_216 = arith.addi %add3A, %add3A_215 : i32
    %lt3A_217 = arith.constant 354 : i32
    %lt3A_218 = arith.cmpi slt, %add3A_216, %lt3A_217 : i32
    %jit3A_219 = arith.constant 0 : i32
    %select_n3A_220 = arith.select %lt3A_218, %add3A_216, %jit3A_219 : i32
    %jit3A_221 = arith.constant 118 : i32
    %div3A_222 = arith.divsi %select_n3A_220, %jit3A_221 : i32
    %sign3A_223 = arith.constant 0 : i32
    %sign3A_224 = arith.cmpi sgt, %select_n3A_220, %sign3A_223 : i32
    %sign3A_225 = arith.extui %sign3A_224 : i1 to i32
    %sign3A_226 = arith.constant 0 : i32
    %sign3A_227 = arith.cmpi slt, %select_n3A_220, %sign3A_226 : i32
    %sign3A_228 = arith.extui %sign3A_227 : i1 to i32
    %sign3A_229 = arith.subi %sign3A_225, %sign3A_228 : i32
    %sign3A_230 = arith.constant 0 : i32
    %sign3A_231 = arith.cmpi sgt, %jit3A_221, %sign3A_230 : i32
    %sign3A_232 = arith.extui %sign3A_231 : i1 to i32
    %sign3A_233 = arith.constant 0 : i32
    %sign3A_234 = arith.cmpi slt, %jit3A_221, %sign3A_233 : i32
    %sign3A_235 = arith.extui %sign3A_234 : i1 to i32
    %sign3A_236 = arith.subi %sign3A_232, %sign3A_235 : i32
    %ne3A_237 = arith.cmpi ne, %sign3A_229, %sign3A_236 : i32
    %rem3A_238 = arith.remsi %select_n3A_220, %jit3A_221 : i32
    %ne3A_239 = arith.constant 0 : i32
    %ne3A_240 = arith.cmpi ne, %rem3A_238, %ne3A_239 : i32
    %and3A_241 = arith.andi %ne3A_237, %ne3A_240 : i1
    %sub3A_242 = arith.constant 1 : i32
    %sub3A_243 = arith.subi %div3A_222, %sub3A_242 : i32
    %select_n3A_244 = arith.select %and3A_241, %sub3A_243, %div3A_222 : i32
    %mul3A_245 = arith.constant 118 : i32
    %mul3A_246 = arith.muli %select_n3A_244, %mul3A_245 : i32
    %sub3A_247 = arith.subi %select_n3A_220, %mul3A_246 : i32
    %jit3A_248 = arith.constant 16 : i32
    %div3A_249 = arith.divsi %sub3A_247, %jit3A_248 : i32
    %sign3A_250 = arith.constant 0 : i32
    %sign3A_251 = arith.cmpi sgt, %sub3A_247, %sign3A_250 : i32
    %sign3A_252 = arith.extui %sign3A_251 : i1 to i32
    %sign3A_253 = arith.constant 0 : i32
    %sign3A_254 = arith.cmpi slt, %sub3A_247, %sign3A_253 : i32
    %sign3A_255 = arith.extui %sign3A_254 : i1 to i32
    %sign3A_256 = arith.subi %sign3A_252, %sign3A_255 : i32
    %sign3A_257 = arith.constant 0 : i32
    %sign3A_258 = arith.cmpi sgt, %jit3A_248, %sign3A_257 : i32
    %sign3A_259 = arith.extui %sign3A_258 : i1 to i32
    %sign3A_260 = arith.constant 0 : i32
    %sign3A_261 = arith.cmpi slt, %jit3A_248, %sign3A_260 : i32
    %sign3A_262 = arith.extui %sign3A_261 : i1 to i32
    %sign3A_263 = arith.subi %sign3A_259, %sign3A_262 : i32
    %ne3A_264 = arith.cmpi ne, %sign3A_256, %sign3A_263 : i32
    %rem3A_265 = arith.remsi %sub3A_247, %jit3A_248 : i32
    %ne3A_266 = arith.constant 0 : i32
    %ne3A_267 = arith.cmpi ne, %rem3A_265, %ne3A_266 : i32
    %and3A_268 = arith.andi %ne3A_264, %ne3A_267 : i1
    %sub3A_269 = arith.constant 1 : i32
    %sub3A_270 = arith.subi %div3A_249, %sub3A_269 : i32
    %select_n3A_271 = arith.select %and3A_268, %sub3A_270, %div3A_249 : i32
    %mul3A_272 = arith.constant 16 : i32
    %mul3A_273 = arith.muli %select_n3A_271, %mul3A_272 : i32
    %get3A_274 = arith.index_cast %mul3A_273 : i32 to index
    %get3A_275 = tpu.vector_load %arg5[%get3A_274] {strides = array<i32>} : memref<128xi32, #tpu.memory_space<vmem>>, vector<16xi32>,
    %iota3A_276 = tpu.iota {dimensions = array<i32: 0>} : vector<16xi32>
    %sub3A_277 = arith.subi %sub3A_247, %mul3A_273 : i32
    %eq3A_278 = vector.broadcast %sub3A_277 : i32 to vector<16xi32>
    %eq3A_279 = arith.cmpi eq, %iota3A_276, %eq3A_278 : vector<16xi32>
    %jit3A_280 = arith.constant -1 : i32
    %broadcast_in_dim3A_281 = vector.broadcast %jit3A_280 : i32 to vector<16xi32>
    %select_n3A_282 = arith.select %eq3A_279, %get3A_275, %broadcast_in_dim3A_281 : vector<16xi1>, vector<16xi32>
    %reduce_max3A_283 = arith.constant true
    %reduce_max3A_284 = vector.broadcast %reduce_max3A_283 : i1 to vector<16xi1>
    %reduce_max3A_285 = arith.constant -2147483648 : i32
    %reduce_max3A_286 = vector.broadcast %reduce_max3A_285 : i32 to vector<16xi32>
    %reduce_max3A_287 = arith.xori %select_n3A_282, %reduce_max3A_286 : vector<16xi32>
    %reduce_max3A_288 = tpu.scan <max>, %reduce_max3A_287 masked %reduce_max3A_284 : vector<16xi32>, vector<16xi1> -> vector<16xi32>
    %reduce_max3A_289 = arith.xori %reduce_max3A_288, %reduce_max3A_286 : vector<16xi32>
    %reduce_max3A_290 = vector.extract %reduce_max3A_289[15] : i32 from vector<16xi32>
    %add3A_291 = arith.constant 128 : i32
    %add3A_292 = arith.addi %add3A, %add3A_291 : i32
    %lt3A_293 = arith.constant 354 : i32
    %lt3A_294 = arith.cmpi slt, %add3A_292, %lt3A_293 : i32
    %jit3A_295 = arith.constant 0 : i32
    %select_n3A_296 = arith.select %lt3A_294, %add3A_292, %jit3A_295 : i32
    %jit3A_297 = arith.constant 118 : i32
    %div3A_298 = arith.divsi %select_n3A_296, %jit3A_297 : i32
    %sign3A_299 = arith.constant 0 : i32
    %sign3A_300 = arith.cmpi sgt, %select_n3A_296, %sign3A_299 : i32
    %sign3A_301 = arith.extui %sign3A_300 : i1 to i32
    %sign3A_302 = arith.constant 0 : i32
    %sign3A_303 = arith.cmpi slt, %select_n3A_296, %sign3A_302 : i32
    %sign3A_304 = arith.extui %sign3A_303 : i1 to i32
    %sign3A_305 = arith.subi %sign3A_301, %sign3A_304 : i32
    %sign3A_306 = arith.constant 0 : i32
    %sign3A_307 = arith.cmpi sgt, %jit3A_297, %sign3A_306 : i32
    %sign3A_308 = arith.extui %sign3A_307 : i1 to i32
    %sign3A_309 = arith.constant 0 : i32
    %sign3A_310 = arith.cmpi slt, %jit3A_297, %sign3A_309 : i32
    %sign3A_311 = arith.extui %sign3A_310 : i1 to i32
    %sign3A_312 = arith.subi %sign3A_308, %sign3A_311 : i32
    %ne3A_313 = arith.cmpi ne, %sign3A_305, %sign3A_312 : i32
    %rem3A_314 = arith.remsi %select_n3A_296, %jit3A_297 : i32
    %ne3A_315 = arith.constant 0 : i32
    %ne3A_316 = arith.cmpi ne, %rem3A_314, %ne3A_315 : i32
    %and3A_317 = arith.andi %ne3A_313, %ne3A_316 : i1
    %sub3A_318 = arith.constant 1 : i32
    %sub3A_319 = arith.subi %div3A_298, %sub3A_318 : i32
    %select_n3A_320 = arith.select %and3A_317, %sub3A_319, %div3A_298 : i32
    %mul3A_321 = arith.constant 118 : i32
    %mul3A_322 = arith.muli %select_n3A_320, %mul3A_321 : i32
    %sub3A_323 = arith.subi %select_n3A_296, %mul3A_322 : i32
    %jit3A_324 = arith.constant 16 : i32
    %div3A_325 = arith.divsi %sub3A_323, %jit3A_324 : i32
    %sign3A_326 = arith.constant 0 : i32
    %sign3A_327 = arith.cmpi sgt, %sub3A_323, %sign3A_326 : i32
    %sign3A_328 = arith.extui %sign3A_327 : i1 to i32
    %sign3A_329 = arith.constant 0 : i32
    %sign3A_330 = arith.cmpi slt, %sub3A_323, %sign3A_329 : i32
    %sign3A_331 = arith.extui %sign3A_330 : i1 to i32
    %sign3A_332 = arith.subi %sign3A_328, %sign3A_331 : i32
    %sign3A_333 = arith.constant 0 : i32
    %sign3A_334 = arith.cmpi sgt, %jit3A_324, %sign3A_333 : i32
    %sign3A_335 = arith.extui %sign3A_334 : i1 to i32
    %sign3A_336 = arith.constant 0 : i32
    %sign3A_337 = arith.cmpi slt, %jit3A_324, %sign3A_336 : i32
    %sign3A_338 = arith.extui %sign3A_337 : i1 to i32
    %sign3A_339 = arith.subi %sign3A_335, %sign3A_338 : i32
    %ne3A_340 = arith.cmpi ne, %sign3A_332, %sign3A_339 : i32
    %rem3A_341 = arith.remsi %sub3A_323, %jit3A_324 : i32
    %ne3A_342 = arith.constant 0 : i32
    %ne3A_343 = arith.cmpi ne, %rem3A_341, %ne3A_342 : i32
    %and3A_344 = arith.andi %ne3A_340, %ne3A_343 : i1
    %sub3A_345 = arith.constant 1 : i32
    %sub3A_346 = arith.subi %div3A_325, %sub3A_345 : i32
    %select_n3A_347 = arith.select %and3A_344, %sub3A_346, %div3A_325 : i32
    %mul3A_348 = arith.constant 16 : i32
    %mul3A_349 = arith.muli %select_n3A_347, %mul3A_348 : i32
    %get3A_350 = arith.index_cast %mul3A_349 : i32 to index
    %get3A_351 = tpu.vector_load %arg5[%get3A_350] {strides = array<i32>} : memref<128xi32, #tpu.memory_space<vmem>>, vector<16xi32>,
    %iota3A_352 = tpu.iota {dimensions = array<i32: 0>} : vector<16xi32>
    %sub3A_353 = arith.subi %sub3A_323, %mul3A_349 : i32
    %eq3A_354 = vector.broadcast %sub3A_353 : i32 to vector<16xi32>
    %eq3A_355 = arith.cmpi eq, %iota3A_352, %eq3A_354 : vector<16xi32>
    %jit3A_356 = arith.constant -1 : i32
    %broadcast_in_dim3A_357 = vector.broadcast %jit3A_356 : i32 to vector<16xi32>
    %select_n3A_358 = arith.select %eq3A_355, %get3A_351, %broadcast_in_dim3A_357 : vector<16xi1>, vector<16xi32>
    %reduce_max3A_359 = arith.constant true
    %reduce_max3A_360 = vector.broadcast %reduce_max3A_359 : i1 to vector<16xi1>
    %reduce_max3A_361 = arith.constant -2147483648 : i32
    %reduce_max3A_362 = vector.broadcast %reduce_max3A_361 : i32 to vector<16xi32>
    %reduce_max3A_363 = arith.xori %select_n3A_358, %reduce_max3A_362 : vector<16xi32>
    %reduce_max3A_364 = tpu.scan <max>, %reduce_max3A_363 masked %reduce_max3A_360 : vector<16xi32>, vector<16xi1> -> vector<16xi32>
    %reduce_max3A_365 = arith.xori %reduce_max3A_364, %reduce_max3A_362 : vector<16xi32>
    %reduce_max3A_366 = vector.extract %reduce_max3A_365[15] : i32 from vector<16xi32>
    %add3A_367 = arith.constant 160 : i32
    %add3A_368 = arith.addi %add3A, %add3A_367 : i32
    %lt3A_369 = arith.constant 354 : i32
    %lt3A_370 = arith.cmpi slt, %add3A_368, %lt3A_369 : i32
    %jit3A_371 = arith.constant 0 : i32
    %select_n3A_372 = arith.select %lt3A_370, %add3A_368, %jit3A_371 : i32
    %jit3A_373 = arith.constant 118 : i32
    %div3A_374 = arith.divsi %select_n3A_372, %jit3A_373 : i32
    %sign3A_375 = arith.constant 0 : i32
    %sign3A_376 = arith.cmpi sgt, %select_n3A_372, %sign3A_375 : i32
    %sign3A_377 = arith.extui %sign3A_376 : i1 to i32
    %sign3A_378 = arith.constant 0 : i32
    %sign3A_379 = arith.cmpi slt, %select_n3A_372, %sign3A_378 : i32
    %sign3A_380 = arith.extui %sign3A_379 : i1 to i32
    %sign3A_381 = arith.subi %sign3A_377, %sign3A_380 : i32
    %sign3A_382 = arith.constant 0 : i32
    %sign3A_383 = arith.cmpi sgt, %jit3A_373, %sign3A_382 : i32
    %sign3A_384 = arith.extui %sign3A_383 : i1 to i32
    %sign3A_385 = arith.constant 0 : i32
    %sign3A_386 = arith.cmpi slt, %jit3A_373, %sign3A_385 : i32
    %sign3A_387 = arith.extui %sign3A_386 : i1 to i32
    %sign3A_388 = arith.subi %sign3A_384, %sign3A_387 : i32
    %ne3A_389 = arith.cmpi ne, %sign3A_381, %sign3A_388 : i32
    %rem3A_390 = arith.remsi %select_n3A_372, %jit3A_373 : i32
    %ne3A_391 = arith.constant 0 : i32
    %ne3A_392 = arith.cmpi ne, %rem3A_390, %ne3A_391 : i32
    %and3A_393 = arith.andi %ne3A_389, %ne3A_392 : i1
    %sub3A_394 = arith.constant 1 : i32
    %sub3A_395 = arith.subi %div3A_374, %sub3A_394 : i32
    %select_n3A_396 = arith.select %and3A_393, %sub3A_395, %div3A_374 : i32
    %mul3A_397 = arith.constant 118 : i32
    %mul3A_398 = arith.muli %select_n3A_396, %mul3A_397 : i32
    %sub3A_399 = arith.subi %select_n3A_372, %mul3A_398 : i32
    %jit3A_400 = arith.constant 16 : i32
    %div3A_401 = arith.divsi %sub3A_399, %jit3A_400 : i32
    %sign3A_402 = arith.constant 0 : i32
    %sign3A_403 = arith.cmpi sgt, %sub3A_399, %sign3A_402 : i32
    %sign3A_404 = arith.extui %sign3A_403 : i1 to i32
    %sign3A_405 = arith.constant 0 : i32
    %sign3A_406 = arith.cmpi slt, %sub3A_399, %sign3A_405 : i32
    %sign3A_407 = arith.extui %sign3A_406 : i1 to i32
    %sign3A_408 = arith.subi %sign3A_404, %sign3A_407 : i32
    %sign3A_409 = arith.constant 0 : i32
    %sign3A_410 = arith.cmpi sgt, %jit3A_400, %sign3A_409 : i32
    %sign3A_411 = arith.extui %sign3A_410 : i1 to i32
    %sign3A_412 = arith.constant 0 : i32
    %sign3A_413 = arith.cmpi slt, %jit3A_400, %sign3A_412 : i32
    %sign3A_414 = arith.extui %sign3A_413 : i1 to i32
    %sign3A_415 = arith.subi %sign3A_411, %sign3A_414 : i32
    %ne3A_416 = arith.cmpi ne, %sign3A_408, %sign3A_415 : i32
    %rem3A_417 = arith.remsi %sub3A_399, %jit3A_400 : i32
    %ne3A_418 = arith.constant 0 : i32
    %ne3A_419 = arith.cmpi ne, %rem3A_417, %ne3A_418 : i32
    %and3A_420 = arith.andi %ne3A_416, %ne3A_419 : i1
    %sub3A_421 = arith.constant 1 : i32
    %sub3A_422 = arith.subi %div3A_401, %sub3A_421 : i32
    %select_n3A_423 = arith.select %and3A_420, %sub3A_422, %div3A_401 : i32
    %mul3A_424 = arith.constant 16 : i32
    %mul3A_425 = arith.muli %select_n3A_423, %mul3A_424 : i32
    %get3A_426 = arith.index_cast %mul3A_425 : i32 to index
    %get3A_427 = tpu.vector_load %arg5[%get3A_426] {strides = array<i32>} : memref<128xi32, #tpu.memory_space<vmem>>, vector<16xi32>,
    %iota3A_428 = tpu.iota {dimensions = array<i32: 0>} : vector<16xi32>
    %sub3A_429 = arith.subi %sub3A_399, %mul3A_425 : i32
    %eq3A_430 = vector.broadcast %sub3A_429 : i32 to vector<16xi32>
    %eq3A_431 = arith.cmpi eq, %iota3A_428, %eq3A_430 : vector<16xi32>
    %jit3A_432 = arith.constant -1 : i32
    %broadcast_in_dim3A_433 = vector.broadcast %jit3A_432 : i32 to vector<16xi32>
    %select_n3A_434 = arith.select %eq3A_431, %get3A_427, %broadcast_in_dim3A_433 : vector<16xi1>, vector<16xi32>
    %reduce_max3A_435 = arith.constant true
    %reduce_max3A_436 = vector.broadcast %reduce_max3A_435 : i1 to vector<16xi1>
    %reduce_max3A_437 = arith.constant -2147483648 : i32
    %reduce_max3A_438 = vector.broadcast %reduce_max3A_437 : i32 to vector<16xi32>
    %reduce_max3A_439 = arith.xori %select_n3A_434, %reduce_max3A_438 : vector<16xi32>
    %reduce_max3A_440 = tpu.scan <max>, %reduce_max3A_439 masked %reduce_max3A_436 : vector<16xi32>, vector<16xi1> -> vector<16xi32>
    %reduce_max3A_441 = arith.xori %reduce_max3A_440, %reduce_max3A_438 : vector<16xi32>
    %reduce_max3A_442 = vector.extract %reduce_max3A_441[15] : i32 from vector<16xi32>
    %add3A_443 = arith.constant 192 : i32
    %add3A_444 = arith.addi %add3A, %add3A_443 : i32
    %lt3A_445 = arith.constant 354 : i32
    %lt3A_446 = arith.cmpi slt, %add3A_444, %lt3A_445 : i32
    %jit3A_447 = arith.constant 0 : i32
    %select_n3A_448 = arith.select %lt3A_446, %add3A_444, %jit3A_447 : i32
    %jit3A_449 = arith.constant 118 : i32
    %div3A_450 = arith.divsi %select_n3A_448, %jit3A_449 : i32
    %sign3A_451 = arith.constant 0 : i32
    %sign3A_452 = arith.cmpi sgt, %select_n3A_448, %sign3A_451 : i32
    %sign3A_453 = arith.extui %sign3A_452 : i1 to i32
    %sign3A_454 = arith.constant 0 : i32
    %sign3A_455 = arith.cmpi slt, %select_n3A_448, %sign3A_454 : i32
    %sign3A_456 = arith.extui %sign3A_455 : i1 to i32
    %sign3A_457 = arith.subi %sign3A_453, %sign3A_456 : i32
    %sign3A_458 = arith.constant 0 : i32
    %sign3A_459 = arith.cmpi sgt, %jit3A_449, %sign3A_458 : i32
    %sign3A_460 = arith.extui %sign3A_459 : i1 to i32
    %sign3A_461 = arith.constant 0 : i32
    %sign3A_462 = arith.cmpi slt, %jit3A_449, %sign3A_461 : i32
    %sign3A_463 = arith.extui %sign3A_462 : i1 to i32
    %sign3A_464 = arith.subi %sign3A_460, %sign3A_463 : i32
    %ne3A_465 = arith.cmpi ne, %sign3A_457, %sign3A_464 : i32
    %rem3A_466 = arith.remsi %select_n3A_448, %jit3A_449 : i32
    %ne3A_467 = arith.constant 0 : i32
    %ne3A_468 = arith.cmpi ne, %rem3A_466, %ne3A_467 : i32
    %and3A_469 = arith.andi %ne3A_465, %ne3A_468 : i1
    %sub3A_470 = arith.constant 1 : i32
    %sub3A_471 = arith.subi %div3A_450, %sub3A_470 : i32
    %select_n3A_472 = arith.select %and3A_469, %sub3A_471, %div3A_450 : i32
    %mul3A_473 = arith.constant 118 : i32
    %mul3A_474 = arith.muli %select_n3A_472, %mul3A_473 : i32
    %sub3A_475 = arith.subi %select_n3A_448, %mul3A_474 : i32
    %jit3A_476 = arith.constant 16 : i32
    %div3A_477 = arith.divsi %sub3A_475, %jit3A_476 : i32
    %sign3A_478 = arith.constant 0 : i32
    %sign3A_479 = arith.cmpi sgt, %sub3A_475, %sign3A_478 : i32
    %sign3A_480 = arith.extui %sign3A_479 : i1 to i32
    %sign3A_481 = arith.constant 0 : i32
    %sign3A_482 = arith.cmpi slt, %sub3A_475, %sign3A_481 : i32
    %sign3A_483 = arith.extui %sign3A_482 : i1 to i32
    %sign3A_484 = arith.subi %sign3A_480, %sign3A_483 : i32
    %sign3A_485 = arith.constant 0 : i32
    %sign3A_486 = arith.cmpi sgt, %jit3A_476, %sign3A_485 : i32
    %sign3A_487 = arith.extui %sign3A_486 : i1 to i32
    %sign3A_488 = arith.constant 0 : i32
    %sign3A_489 = arith.cmpi slt, %jit3A_476, %sign3A_488 : i32
    %sign3A_490 = arith.extui %sign3A_489 : i1 to i32
    %sign3A_491 = arith.subi %sign3A_487, %sign3A_490 : i32
    %ne3A_492 = arith.cmpi ne, %sign3A_484, %sign3A_491 : i32
    %rem3A_493 = arith.remsi %sub3A_475, %jit3A_476 : i32
    %ne3A_494 = arith.constant 0 : i32
    %ne3A_495 = arith.cmpi ne, %rem3A_493, %ne3A_494 : i32
    %and3A_496 = arith.andi %ne3A_492, %ne3A_495 : i1
    %sub3A_497 = arith.constant 1 : i32
    %sub3A_498 = arith.subi %div3A_477, %sub3A_497 : i32
    %select_n3A_499 = arith.select %and3A_496, %sub3A_498, %div3A_477 : i32
    %mul3A_500 = arith.constant 16 : i32
    %mul3A_501 = arith.muli %select_n3A_499, %mul3A_500 : i32
    %get3A_502 = arith.index_cast %mul3A_501 : i32 to index
    %get3A_503 = tpu.vector_load %arg5[%get3A_502] {strides = array<i32>} : memref<128xi32, #tpu.memory_space<vmem>>, vector<16xi32>,
    %iota3A_504 = tpu.iota {dimensions = array<i32: 0>} : vector<16xi32>
    %sub3A_505 = arith.subi %sub3A_475, %mul3A_501 : i32
    %eq3A_506 = vector.broadcast %sub3A_505 : i32 to vector<16xi32>
    %eq3A_507 = arith.cmpi eq, %iota3A_504, %eq3A_506 : vector<16xi32>
    %jit3A_508 = arith.constant -1 : i32
    %broadcast_in_dim3A_509 = vector.broadcast %jit3A_508 : i32 to vector<16xi32>
    %select_n3A_510 = arith.select %eq3A_507, %get3A_503, %broadcast_in_dim3A_509 : vector<16xi1>, vector<16xi32>
    %reduce_max3A_511 = arith.constant true
    %reduce_max3A_512 = vector.broadcast %reduce_max3A_511 : i1 to vector<16xi1>
    %reduce_max3A_513 = arith.constant -2147483648 : i32
    %reduce_max3A_514 = vector.broadcast %reduce_max3A_513 : i32 to vector<16xi32>
    %reduce_max3A_515 = arith.xori %select_n3A_510, %reduce_max3A_514 : vector<16xi32>
    %reduce_max3A_516 = tpu.scan <max>, %reduce_max3A_515 masked %reduce_max3A_512 : vector<16xi32>, vector<16xi1> -> vector<16xi32>
    %reduce_max3A_517 = arith.xori %reduce_max3A_516, %reduce_max3A_514 : vector<16xi32>
    %reduce_max3A_518 = vector.extract %reduce_max3A_517[15] : i32 from vector<16xi32>
    %add3A_519 = arith.constant 224 : i32
    %add3A_520 = arith.addi %add3A, %add3A_519 : i32
    %lt3A_521 = arith.constant 354 : i32
    %lt3A_522 = arith.cmpi slt, %add3A_520, %lt3A_521 : i32
    %jit3A_523 = arith.constant 0 : i32
    %select_n3A_524 = arith.select %lt3A_522, %add3A_520, %jit3A_523 : i32
    %jit3A_525 = arith.constant 118 : i32
    %div3A_526 = arith.divsi %select_n3A_524, %jit3A_525 : i32
    %sign3A_527 = arith.constant 0 : i32
    %sign3A_528 = arith.cmpi sgt, %select_n3A_524, %sign3A_527 : i32
    %sign3A_529 = arith.extui %sign3A_528 : i1 to i32
    %sign3A_530 = arith.constant 0 : i32
    %sign3A_531 = arith.cmpi slt, %select_n3A_524, %sign3A_530 : i32
    %sign3A_532 = arith.extui %sign3A_531 : i1 to i32
    %sign3A_533 = arith.subi %sign3A_529, %sign3A_532 : i32
    %sign3A_534 = arith.constant 0 : i32
    %sign3A_535 = arith.cmpi sgt, %jit3A_525, %sign3A_534 : i32
    %sign3A_536 = arith.extui %sign3A_535 : i1 to i32
    %sign3A_537 = arith.constant 0 : i32
    %sign3A_538 = arith.cmpi slt, %jit3A_525, %sign3A_537 : i32
    %sign3A_539 = arith.extui %sign3A_538 : i1 to i32
    %sign3A_540 = arith.subi %sign3A_536, %sign3A_539 : i32
    %ne3A_541 = arith.cmpi ne, %sign3A_533, %sign3A_540 : i32
    %rem3A_542 = arith.remsi %select_n3A_524, %jit3A_525 : i32
    %ne3A_543 = arith.constant 0 : i32
    %ne3A_544 = arith.cmpi ne, %rem3A_542, %ne3A_543 : i32
    %and3A_545 = arith.andi %ne3A_541, %ne3A_544 : i1
    %sub3A_546 = arith.constant 1 : i32
    %sub3A_547 = arith.subi %div3A_526, %sub3A_546 : i32
    %select_n3A_548 = arith.select %and3A_545, %sub3A_547, %div3A_526 : i32
    %mul3A_549 = arith.constant 118 : i32
    %mul3A_550 = arith.muli %select_n3A_548, %mul3A_549 : i32
    %sub3A_551 = arith.subi %select_n3A_524, %mul3A_550 : i32
    %jit3A_552 = arith.constant 16 : i32
    %div3A_553 = arith.divsi %sub3A_551, %jit3A_552 : i32
    %sign3A_554 = arith.constant 0 : i32
    %sign3A_555 = arith.cmpi sgt, %sub3A_551, %sign3A_554 : i32
    %sign3A_556 = arith.extui %sign3A_555 : i1 to i32
    %sign3A_557 = arith.constant 0 : i32
    %sign3A_558 = arith.cmpi slt, %sub3A_551, %sign3A_557 : i32
    %sign3A_559 = arith.extui %sign3A_558 : i1 to i32
    %sign3A_560 = arith.subi %sign3A_556, %sign3A_559 : i32
    %sign3A_561 = arith.constant 0 : i32
    %sign3A_562 = arith.cmpi sgt, %jit3A_552, %sign3A_561 : i32
    %sign3A_563 = arith.extui %sign3A_562 : i1 to i32
    %sign3A_564 = arith.constant 0 : i32
    %sign3A_565 = arith.cmpi slt, %jit3A_552, %sign3A_564 : i32
    %sign3A_566 = arith.extui %sign3A_565 : i1 to i32
    %sign3A_567 = arith.subi %sign3A_563, %sign3A_566 : i32
    %ne3A_568 = arith.cmpi ne, %sign3A_560, %sign3A_567 : i32
    %rem3A_569 = arith.remsi %sub3A_551, %jit3A_552 : i32
    %ne3A_570 = arith.constant 0 : i32
    %ne3A_571 = arith.cmpi ne, %rem3A_569, %ne3A_570 : i32
    %and3A_572 = arith.andi %ne3A_568, %ne3A_571 : i1
    %sub3A_573 = arith.constant 1 : i32
    %sub3A_574 = arith.subi %div3A_553, %sub3A_573 : i32
    %select_n3A_575 = arith.select %and3A_572, %sub3A_574, %div3A_553 : i32
    %mul3A_576 = arith.constant 16 : i32
    %mul3A_577 = arith.muli %select_n3A_575, %mul3A_576 : i32
    %get3A_578 = arith.index_cast %mul3A_577 : i32 to index
    %get3A_579 = tpu.vector_load %arg5[%get3A_578] {strides = array<i32>} : memref<128xi32, #tpu.memory_space<vmem>>, vector<16xi32>,
    %iota3A_580 = tpu.iota {dimensions = array<i32: 0>} : vector<16xi32>
    %sub3A_581 = arith.subi %sub3A_551, %mul3A_577 : i32
    %eq3A_582 = vector.broadcast %sub3A_581 : i32 to vector<16xi32>
    %eq3A_583 = arith.cmpi eq, %iota3A_580, %eq3A_582 : vector<16xi32>
    %jit3A_584 = arith.constant -1 : i32
    %broadcast_in_dim3A_585 = vector.broadcast %jit3A_584 : i32 to vector<16xi32>
    %select_n3A_586 = arith.select %eq3A_583, %get3A_579, %broadcast_in_dim3A_585 : vector<16xi1>, vector<16xi32>
    %reduce_max3A_587 = arith.constant true
    %reduce_max3A_588 = vector.broadcast %reduce_max3A_587 : i1 to vector<16xi1>
    %reduce_max3A_589 = arith.constant -2147483648 : i32
    %reduce_max3A_590 = vector.broadcast %reduce_max3A_589 : i32 to vector<16xi32>
    %reduce_max3A_591 = arith.xori %select_n3A_586, %reduce_max3A_590 : vector<16xi32>
    %reduce_max3A_592 = tpu.scan <max>, %reduce_max3A_591 masked %reduce_max3A_588 : vector<16xi32>, vector<16xi1> -> vector<16xi32>
    %reduce_max3A_593 = arith.xori %reduce_max3A_592, %reduce_max3A_590 : vector<16xi32>
    %reduce_max3A_594 = vector.extract %reduce_max3A_593[15] : i32 from vector<16xi32>
    %add3A_595 = arith.constant 256 : i32
    %add3A_596 = arith.addi %add3A, %add3A_595 : i32
    %lt3A_597 = arith.constant 354 : i32
    %lt3A_598 = arith.cmpi slt, %add3A_596, %lt3A_597 : i32
    %jit3A_599 = arith.constant 0 : i32
    %select_n3A_600 = arith.select %lt3A_598, %add3A_596, %jit3A_599 : i32
    %jit3A_601 = arith.constant 118 : i32
    %div3A_602 = arith.divsi %select_n3A_600, %jit3A_601 : i32
    %sign3A_603 = arith.constant 0 : i32
    %sign3A_604 = arith.cmpi sgt, %select_n3A_600, %sign3A_603 : i32
    %sign3A_605 = arith.extui %sign3A_604 : i1 to i32
    %sign3A_606 = arith.constant 0 : i32
    %sign3A_607 = arith.cmpi slt, %select_n3A_600, %sign3A_606 : i32
    %sign3A_608 = arith.extui %sign3A_607 : i1 to i32
    %sign3A_609 = arith.subi %sign3A_605, %sign3A_608 : i32
    %sign3A_610 = arith.constant 0 : i32
    %sign3A_611 = arith.cmpi sgt, %jit3A_601, %sign3A_610 : i32
    %sign3A_612 = arith.extui %sign3A_611 : i1 to i32
    %sign3A_613 = arith.constant 0 : i32
    %sign3A_614 = arith.cmpi slt, %jit3A_601, %sign3A_613 : i32
    %sign3A_615 = arith.extui %sign3A_614 : i1 to i32
    %sign3A_616 = arith.subi %sign3A_612, %sign3A_615 : i32
    %ne3A_617 = arith.cmpi ne, %sign3A_609, %sign3A_616 : i32
    %rem3A_618 = arith.remsi %select_n3A_600, %jit3A_601 : i32
    %ne3A_619 = arith.constant 0 : i32
    %ne3A_620 = arith.cmpi ne, %rem3A_618, %ne3A_619 : i32
    %and3A_621 = arith.andi %ne3A_617, %ne3A_620 : i1
    %sub3A_622 = arith.constant 1 : i32
    %sub3A_623 = arith.subi %div3A_602, %sub3A_622 : i32
    %select_n3A_624 = arith.select %and3A_621, %sub3A_623, %div3A_602 : i32
    %mul3A_625 = arith.constant 118 : i32
    %mul3A_626 = arith.muli %select_n3A_624, %mul3A_625 : i32
    %sub3A_627 = arith.subi %select_n3A_600, %mul3A_626 : i32
    %jit3A_628 = arith.constant 16 : i32
    %div3A_629 = arith.divsi %sub3A_627, %jit3A_628 : i32
    %sign3A_630 = arith.constant 0 : i32
    %sign3A_631 = arith.cmpi sgt, %sub3A_627, %sign3A_630 : i32
    %sign3A_632 = arith.extui %sign3A_631 : i1 to i32
    %sign3A_633 = arith.constant 0 : i32
    %sign3A_634 = arith.cmpi slt, %sub3A_627, %sign3A_633 : i32
    %sign3A_635 = arith.extui %sign3A_634 : i1 to i32
    %sign3A_636 = arith.subi %sign3A_632, %sign3A_635 : i32
    %sign3A_637 = arith.constant 0 : i32
    %sign3A_638 = arith.cmpi sgt, %jit3A_628, %sign3A_637 : i32
    %sign3A_639 = arith.extui %sign3A_638 : i1 to i32
    %sign3A_640 = arith.constant 0 : i32
    %sign3A_641 = arith.cmpi slt, %jit3A_628, %sign3A_640 : i32
    %sign3A_642 = arith.extui %sign3A_641 : i1 to i32
    %sign3A_643 = arith.subi %sign3A_639, %sign3A_642 : i32
    %ne3A_644 = arith.cmpi ne, %sign3A_636, %sign3A_643 : i32
    %rem3A_645 = arith.remsi %sub3A_627, %jit3A_628 : i32
    %ne3A_646 = arith.constant 0 : i32
    %ne3A_647 = arith.cmpi ne, %rem3A_645, %ne3A_646 : i32
    %and3A_648 = arith.andi %ne3A_644, %ne3A_647 : i1
    %sub3A_649 = arith.constant 1 : i32
    %sub3A_650 = arith.subi %div3A_629, %sub3A_649 : i32
    %select_n3A_651 = arith.select %and3A_648, %sub3A_650, %div3A_629 : i32
    %mul3A_652 = arith.constant 16 : i32
    %mul3A_653 = arith.muli %select_n3A_651, %mul3A_652 : i32
    %get3A_654 = arith.index_cast %mul3A_653 : i32 to index
    %get3A_655 = tpu.vector_load %arg5[%get3A_654] {strides = array<i32>} : memref<128xi32, #tpu.memory_space<vmem>>, vector<16xi32>,
    %iota3A_656 = tpu.iota {dimensions = array<i32: 0>} : vector<16xi32>
    %sub3A_657 = arith.subi %sub3A_627, %mul3A_653 : i32
    %eq3A_658 = vector.broadcast %sub3A_657 : i32 to vector<16xi32>
    %eq3A_659 = arith.cmpi eq, %iota3A_656, %eq3A_658 : vector<16xi32>
    %jit3A_660 = arith.constant -1 : i32
    %broadcast_in_dim3A_661 = vector.broadcast %jit3A_660 : i32 to vector<16xi32>
    %select_n3A_662 = arith.select %eq3A_659, %get3A_655, %broadcast_in_dim3A_661 : vector<16xi1>, vector<16xi32>
    %reduce_max3A_663 = arith.constant true
    %reduce_max3A_664 = vector.broadcast %reduce_max3A_663 : i1 to vector<16xi1>
    %reduce_max3A_665 = arith.constant -2147483648 : i32
    %reduce_max3A_666 = vector.broadcast %reduce_max3A_665 : i32 to vector<16xi32>
    %reduce_max3A_667 = arith.xori %select_n3A_662, %reduce_max3A_666 : vector<16xi32>
    %reduce_max3A_668 = tpu.scan <max>, %reduce_max3A_667 masked %reduce_max3A_664 : vector<16xi32>, vector<16xi1> -> vector<16xi32>
    %reduce_max3A_669 = arith.xori %reduce_max3A_668, %reduce_max3A_666 : vector<16xi32>
    %reduce_max3A_670 = vector.extract %reduce_max3A_669[15] : i32 from vector<16xi32>
    %add3A_671 = arith.constant 288 : i32
    %add3A_672 = arith.addi %add3A, %add3A_671 : i32
    %lt3A_673 = arith.constant 354 : i32
    %lt3A_674 = arith.cmpi slt, %add3A_672, %lt3A_673 : i32
    %jit3A_675 = arith.constant 0 : i32
    %select_n3A_676 = arith.select %lt3A_674, %add3A_672, %jit3A_675 : i32
    %jit3A_677 = arith.constant 118 : i32
    %div3A_678 = arith.divsi %select_n3A_676, %jit3A_677 : i32
    %sign3A_679 = arith.constant 0 : i32
    %sign3A_680 = arith.cmpi sgt, %select_n3A_676, %sign3A_679 : i32
    %sign3A_681 = arith.extui %sign3A_680 : i1 to i32
    %sign3A_682 = arith.constant 0 : i32
    %sign3A_683 = arith.cmpi slt, %select_n3A_676, %sign3A_682 : i32
    %sign3A_684 = arith.extui %sign3A_683 : i1 to i32
    %sign3A_685 = arith.subi %sign3A_681, %sign3A_684 : i32
    %sign3A_686 = arith.constant 0 : i32
    %sign3A_687 = arith.cmpi sgt, %jit3A_677, %sign3A_686 : i32
    %sign3A_688 = arith.extui %sign3A_687 : i1 to i32
    %sign3A_689 = arith.constant 0 : i32
    %sign3A_690 = arith.cmpi slt, %jit3A_677, %sign3A_689 : i32
    %sign3A_691 = arith.extui %sign3A_690 : i1 to i32
    %sign3A_692 = arith.subi %sign3A_688, %sign3A_691 : i32
    %ne3A_693 = arith.cmpi ne, %sign3A_685, %sign3A_692 : i32
    %rem3A_694 = arith.remsi %select_n3A_676, %jit3A_677 : i32
    %ne3A_695 = arith.constant 0 : i32
    %ne3A_696 = arith.cmpi ne, %rem3A_694, %ne3A_695 : i32
    %and3A_697 = arith.andi %ne3A_693, %ne3A_696 : i1
    %sub3A_698 = arith.constant 1 : i32
    %sub3A_699 = arith.subi %div3A_678, %sub3A_698 : i32
    %select_n3A_700 = arith.select %and3A_697, %sub3A_699, %div3A_678 : i32
    %mul3A_701 = arith.constant 118 : i32
    %mul3A_702 = arith.muli %select_n3A_700, %mul3A_701 : i32
    %sub3A_703 = arith.subi %select_n3A_676, %mul3A_702 : i32
    %jit3A_704 = arith.constant 16 : i32
    %div3A_705 = arith.divsi %sub3A_703, %jit3A_704 : i32
    %sign3A_706 = arith.constant 0 : i32
    %sign3A_707 = arith.cmpi sgt, %sub3A_703, %sign3A_706 : i32
    %sign3A_708 = arith.extui %sign3A_707 : i1 to i32
    %sign3A_709 = arith.constant 0 : i32
    %sign3A_710 = arith.cmpi slt, %sub3A_703, %sign3A_709 : i32
    %sign3A_711 = arith.extui %sign3A_710 : i1 to i32
    %sign3A_712 = arith.subi %sign3A_708, %sign3A_711 : i32
    %sign3A_713 = arith.constant 0 : i32
    %sign3A_714 = arith.cmpi sgt, %jit3A_704, %sign3A_713 : i32
    %sign3A_715 = arith.extui %sign3A_714 : i1 to i32
    %sign3A_716 = arith.constant 0 : i32
    %sign3A_717 = arith.cmpi slt, %jit3A_704, %sign3A_716 : i32
    %sign3A_718 = arith.extui %sign3A_717 : i1 to i32
    %sign3A_719 = arith.subi %sign3A_715, %sign3A_718 : i32
    %ne3A_720 = arith.cmpi ne, %sign3A_712, %sign3A_719 : i32
    %rem3A_721 = arith.remsi %sub3A_703, %jit3A_704 : i32
    %ne3A_722 = arith.constant 0 : i32
    %ne3A_723 = arith.cmpi ne, %rem3A_721, %ne3A_722 : i32
    %and3A_724 = arith.andi %ne3A_720, %ne3A_723 : i1
    %sub3A_725 = arith.constant 1 : i32
    %sub3A_726 = arith.subi %div3A_705, %sub3A_725 : i32
    %select_n3A_727 = arith.select %and3A_724, %sub3A_726, %div3A_705 : i32
    %mul3A_728 = arith.constant 16 : i32
    %mul3A_729 = arith.muli %select_n3A_727, %mul3A_728 : i32
    %get3A_730 = arith.index_cast %mul3A_729 : i32 to index
    %get3A_731 = tpu.vector_load %arg5[%get3A_730] {strides = array<i32>} : memref<128xi32, #tpu.memory_space<vmem>>, vector<16xi32>,
    %iota3A_732 = tpu.iota {dimensions = array<i32: 0>} : vector<16xi32>
    %sub3A_733 = arith.subi %sub3A_703, %mul3A_729 : i32
    %eq3A_734 = vector.broadcast %sub3A_733 : i32 to vector<16xi32>
    %eq3A_735 = arith.cmpi eq, %iota3A_732, %eq3A_734 : vector<16xi32>
    %jit3A_736 = arith.constant -1 : i32
    %broadcast_in_dim3A_737 = vector.broadcast %jit3A_736 : i32 to vector<16xi32>
    %select_n3A_738 = arith.select %eq3A_735, %get3A_731, %broadcast_in_dim3A_737 : vector<16xi1>, vector<16xi32>
    %reduce_max3A_739 = arith.constant true
    %reduce_max3A_740 = vector.broadcast %reduce_max3A_739 : i1 to vector<16xi1>
    %reduce_max3A_741 = arith.constant -2147483648 : i32
    %reduce_max3A_742 = vector.broadcast %reduce_max3A_741 : i32 to vector<16xi32>
    %reduce_max3A_743 = arith.xori %select_n3A_738, %reduce_max3A_742 : vector<16xi32>
    %reduce_max3A_744 = tpu.scan <max>, %reduce_max3A_743 masked %reduce_max3A_740 : vector<16xi32>, vector<16xi1> -> vector<16xi32>
    %reduce_max3A_745 = arith.xori %reduce_max3A_744, %reduce_max3A_742 : vector<16xi32>
    %reduce_max3A_746 = vector.extract %reduce_max3A_745[15] : i32 from vector<16xi32>
    %add3A_747 = arith.constant 320 : i32
    %add3A_748 = arith.addi %add3A, %add3A_747 : i32
    %lt3A_749 = arith.constant 354 : i32
    %lt3A_750 = arith.cmpi slt, %add3A_748, %lt3A_749 : i32
    %jit3A_751 = arith.constant 0 : i32
    %select_n3A_752 = arith.select %lt3A_750, %add3A_748, %jit3A_751 : i32
    %jit3A_753 = arith.constant 118 : i32
    %div3A_754 = arith.divsi %select_n3A_752, %jit3A_753 : i32
    %sign3A_755 = arith.constant 0 : i32
    %sign3A_756 = arith.cmpi sgt, %select_n3A_752, %sign3A_755 : i32
    %sign3A_757 = arith.extui %sign3A_756 : i1 to i32
    %sign3A_758 = arith.constant 0 : i32
    %sign3A_759 = arith.cmpi slt, %select_n3A_752, %sign3A_758 : i32
    %sign3A_760 = arith.extui %sign3A_759 : i1 to i32
    %sign3A_761 = arith.subi %sign3A_757, %sign3A_760 : i32
    %sign3A_762 = arith.constant 0 : i32
    %sign3A_763 = arith.cmpi sgt, %jit3A_753, %sign3A_762 : i32
    %sign3A_764 = arith.extui %sign3A_763 : i1 to i32
    %sign3A_765 = arith.constant 0 : i32
    %sign3A_766 = arith.cmpi slt, %jit3A_753, %sign3A_765 : i32
    %sign3A_767 = arith.extui %sign3A_766 : i1 to i32
    %sign3A_768 = arith.subi %sign3A_764, %sign3A_767 : i32
    %ne3A_769 = arith.cmpi ne, %sign3A_761, %sign3A_768 : i32
    %rem3A_770 = arith.remsi %select_n3A_752, %jit3A_753 : i32
    %ne3A_771 = arith.constant 0 : i32
    %ne3A_772 = arith.cmpi ne, %rem3A_770, %ne3A_771 : i32
    %and3A_773 = arith.andi %ne3A_769, %ne3A_772 : i1
    %sub3A_774 = arith.constant 1 : i32
    %sub3A_775 = arith.subi %div3A_754, %sub3A_774 : i32
    %select_n3A_776 = arith.select %and3A_773, %sub3A_775, %div3A_754 : i32
    %mul3A_777 = arith.constant 118 : i32
    %mul3A_778 = arith.muli %select_n3A_776, %mul3A_777 : i32
    %sub3A_779 = arith.subi %select_n3A_752, %mul3A_778 : i32
    %jit3A_780 = arith.constant 16 : i32
    %div3A_781 = arith.divsi %sub3A_779, %jit3A_780 : i32
    %sign3A_782 = arith.constant 0 : i32
    %sign3A_783 = arith.cmpi sgt, %sub3A_779, %sign3A_782 : i32
    %sign3A_784 = arith.extui %sign3A_783 : i1 to i32
    %sign3A_785 = arith.constant 0 : i32
    %sign3A_786 = arith.cmpi slt, %sub3A_779, %sign3A_785 : i32
    %sign3A_787 = arith.extui %sign3A_786 : i1 to i32
    %sign3A_788 = arith.subi %sign3A_784, %sign3A_787 : i32
    %sign3A_789 = arith.constant 0 : i32
    %sign3A_790 = arith.cmpi sgt, %jit3A_780, %sign3A_789 : i32
    %sign3A_791 = arith.extui %sign3A_790 : i1 to i32
    %sign3A_792 = arith.constant 0 : i32
    %sign3A_793 = arith.cmpi slt, %jit3A_780, %sign3A_792 : i32
    %sign3A_794 = arith.extui %sign3A_793 : i1 to i32
    %sign3A_795 = arith.subi %sign3A_791, %sign3A_794 : i32
    %ne3A_796 = arith.cmpi ne, %sign3A_788, %sign3A_795 : i32
    %rem3A_797 = arith.remsi %sub3A_779, %jit3A_780 : i32
    %ne3A_798 = arith.constant 0 : i32
    %ne3A_799 = arith.cmpi ne, %rem3A_797, %ne3A_798 : i32
    %and3A_800 = arith.andi %ne3A_796, %ne3A_799 : i1
    %sub3A_801 = arith.constant 1 : i32
    %sub3A_802 = arith.subi %div3A_781, %sub3A_801 : i32
    %select_n3A_803 = arith.select %and3A_800, %sub3A_802, %div3A_781 : i32
    %mul3A_804 = arith.constant 16 : i32
    %mul3A_805 = arith.muli %select_n3A_803, %mul3A_804 : i32
    %get3A_806 = arith.index_cast %mul3A_805 : i32 to index
    %get3A_807 = tpu.vector_load %arg5[%get3A_806] {strides = array<i32>} : memref<128xi32, #tpu.memory_space<vmem>>, vector<16xi32>,
    %iota3A_808 = tpu.iota {dimensions = array<i32: 0>} : vector<16xi32>
    %sub3A_809 = arith.subi %sub3A_779, %mul3A_805 : i32
    %eq3A_810 = vector.broadcast %sub3A_809 : i32 to vector<16xi32>
    %eq3A_811 = arith.cmpi eq, %iota3A_808, %eq3A_810 : vector<16xi32>
    %jit3A_812 = arith.constant -1 : i32
    %broadcast_in_dim3A_813 = vector.broadcast %jit3A_812 : i32 to vector<16xi32>
    %select_n3A_814 = arith.select %eq3A_811, %get3A_807, %broadcast_in_dim3A_813 : vector<16xi1>, vector<16xi32>
    %reduce_max3A_815 = arith.constant true
    %reduce_max3A_816 = vector.broadcast %reduce_max3A_815 : i1 to vector<16xi1>
    %reduce_max3A_817 = arith.constant -2147483648 : i32
    %reduce_max3A_818 = vector.broadcast %reduce_max3A_817 : i32 to vector<16xi32>
    %reduce_max3A_819 = arith.xori %select_n3A_814, %reduce_max3A_818 : vector<16xi32>
    %reduce_max3A_820 = tpu.scan <max>, %reduce_max3A_819 masked %reduce_max3A_816 : vector<16xi32>, vector<16xi1> -> vector<16xi32>
    %reduce_max3A_821 = arith.xori %reduce_max3A_820, %reduce_max3A_818 : vector<16xi32>
    %reduce_max3A_822 = vector.extract %reduce_max3A_821[15] : i32 from vector<16xi32>
    %add3A_823 = arith.constant 352 : i32
    %add3A_824 = arith.addi %add3A, %add3A_823 : i32
    %lt3A_825 = arith.constant 354 : i32
    %lt3A_826 = arith.cmpi slt, %add3A_824, %lt3A_825 : i32
    %jit3A_827 = arith.constant 0 : i32
    %select_n3A_828 = arith.select %lt3A_826, %add3A_824, %jit3A_827 : i32
    %jit3A_829 = arith.constant 118 : i32
    %div3A_830 = arith.divsi %select_n3A_828, %jit3A_829 : i32
    %sign3A_831 = arith.constant 0 : i32
    %sign3A_832 = arith.cmpi sgt, %select_n3A_828, %sign3A_831 : i32
    %sign3A_833 = arith.extui %sign3A_832 : i1 to i32
    %sign3A_834 = arith.constant 0 : i32
    %sign3A_835 = arith.cmpi slt, %select_n3A_828, %sign3A_834 : i32
    %sign3A_836 = arith.extui %sign3A_835 : i1 to i32
    %sign3A_837 = arith.subi %sign3A_833, %sign3A_836 : i32
    %sign3A_838 = arith.constant 0 : i32
    %sign3A_839 = arith.cmpi sgt, %jit3A_829, %sign3A_838 : i32
    %sign3A_840 = arith.extui %sign3A_839 : i1 to i32
    %sign3A_841 = arith.constant 0 : i32
    %sign3A_842 = arith.cmpi slt, %jit3A_829, %sign3A_841 : i32
    %sign3A_843 = arith.extui %sign3A_842 : i1 to i32
    %sign3A_844 = arith.subi %sign3A_840, %sign3A_843 : i32
    %ne3A_845 = arith.cmpi ne, %sign3A_837, %sign3A_844 : i32
    %rem3A_846 = arith.remsi %select_n3A_828, %jit3A_829 : i32
    %ne3A_847 = arith.constant 0 : i32
    %ne3A_848 = arith.cmpi ne, %rem3A_846, %ne3A_847 : i32
    %and3A_849 = arith.andi %ne3A_845, %ne3A_848 : i1
    %sub3A_850 = arith.constant 1 : i32
    %sub3A_851 = arith.subi %div3A_830, %sub3A_850 : i32
    %select_n3A_852 = arith.select %and3A_849, %sub3A_851, %div3A_830 : i32
    %mul3A_853 = arith.constant 118 : i32
    %mul3A_854 = arith.muli %select_n3A_852, %mul3A_853 : i32
    %sub3A_855 = arith.subi %select_n3A_828, %mul3A_854 : i32
    %jit3A_856 = arith.constant 16 : i32
    %div3A_857 = arith.divsi %sub3A_855, %jit3A_856 : i32
    %sign3A_858 = arith.constant 0 : i32
    %sign3A_859 = arith.cmpi sgt, %sub3A_855, %sign3A_858 : i32
    %sign3A_860 = arith.extui %sign3A_859 : i1 to i32
    %sign3A_861 = arith.constant 0 : i32
    %sign3A_862 = arith.cmpi slt, %sub3A_855, %sign3A_861 : i32
    %sign3A_863 = arith.extui %sign3A_862 : i1 to i32
    %sign3A_864 = arith.subi %sign3A_860, %sign3A_863 : i32
    %sign3A_865 = arith.constant 0 : i32
    %sign3A_866 = arith.cmpi sgt, %jit3A_856, %sign3A_865 : i32
    %sign3A_867 = arith.extui %sign3A_866 : i1 to i32
    %sign3A_868 = arith.constant 0 : i32
    %sign3A_869 = arith.cmpi slt, %jit3A_856, %sign3A_868 : i32
    %sign3A_870 = arith.extui %sign3A_869 : i1 to i32
    %sign3A_871 = arith.subi %sign3A_867, %sign3A_870 : i32
    %ne3A_872 = arith.cmpi ne, %sign3A_864, %sign3A_871 : i32
    %rem3A_873 = arith.remsi %sub3A_855, %jit3A_856 : i32
    %ne3A_874 = arith.constant 0 : i32
    %ne3A_875 = arith.cmpi ne, %rem3A_873, %ne3A_874 : i32
    %and3A_876 = arith.andi %ne3A_872, %ne3A_875 : i1
    %sub3A_877 = arith.constant 1 : i32
    %sub3A_878 = arith.subi %div3A_857, %sub3A_877 : i32
    %select_n3A_879 = arith.select %and3A_876, %sub3A_878, %div3A_857 : i32
    %mul3A_880 = arith.constant 16 : i32
    %mul3A_881 = arith.muli %select_n3A_879, %mul3A_880 : i32
    %get3A_882 = arith.index_cast %mul3A_881 : i32 to index
    %get3A_883 = tpu.vector_load %arg5[%get3A_882] {strides = array<i32>} : memref<128xi32, #tpu.memory_space<vmem>>, vector<16xi32>,
    %iota3A_884 = tpu.iota {dimensions = array<i32: 0>} : vector<16xi32>
    %sub3A_885 = arith.subi %sub3A_855, %mul3A_881 : i32
    %eq3A_886 = vector.broadcast %sub3A_885 : i32 to vector<16xi32>
    %eq3A_887 = arith.cmpi eq, %iota3A_884, %eq3A_886 : vector<16xi32>
    %jit3A_888 = arith.constant -1 : i32
    %broadcast_in_dim3A_889 = vector.broadcast %jit3A_888 : i32 to vector<16xi32>
    %select_n3A_890 = arith.select %eq3A_887, %get3A_883, %broadcast_in_dim3A_889 : vector<16xi1>, vector<16xi32>
    %reduce_max3A_891 = arith.constant true
    %reduce_max3A_892 = vector.broadcast %reduce_max3A_891 : i1 to vector<16xi1>
    %reduce_max3A_893 = arith.constant -2147483648 : i32
    %reduce_max3A_894 = vector.broadcast %reduce_max3A_893 : i32 to vector<16xi32>
    %reduce_max3A_895 = arith.xori %select_n3A_890, %reduce_max3A_894 : vector<16xi32>
    %reduce_max3A_896 = tpu.scan <max>, %reduce_max3A_895 masked %reduce_max3A_892 : vector<16xi32>, vector<16xi1> -> vector<16xi32>
    %reduce_max3A_897 = arith.xori %reduce_max3A_896, %reduce_max3A_894 : vector<16xi32>
    %reduce_max3A_898 = vector.extract %reduce_max3A_897[15] : i32 from vector<16xi32>
    %convert_element_type3A = arith.extui %lt3A_3 : i1 to i32
    %cond3A = arith.constant 0 : i32
    %cond3A_899 = arith.cmpi ne, %convert_element_type3A, %cond3A : i32
    scf.if %cond3A_899 {
      %dma_start3A = arith.constant 0 : i32
      %dma_start3A_1041 = arith.constant 0 : i32
      %dma_start3A_1042 = tpu.memref_slice %arg6[%dma_start3A, %dma_start3A_1041] : memref<4x16384xf32, #tpu.memory_space<vmem>> -> memref<1x16384xf32, #tpu.memory_space<vmem>>
      %dma_start3A_1043 = tpu.memref_squeeze %dma_start3A_1042 : memref<1x16384xf32, #tpu.memory_space<vmem>> -> memref<16384xf32, #tpu.memory_space<vmem>>
      %dma_start3A_1044 = arith.constant 0 : i32
      %dma_start3A_1045 = tpu.memref_slice %arg2[%select_n3A_21, %reduce_max3A_62, %dma_start3A_1044] : memref<3x144x16384xf32, #tpu.memory_space<hbm>> -> memref<1x1x16384xf32, #tpu.memory_space<hbm>>
      %dma_start3A_1046 = tpu.memref_squeeze %dma_start3A_1045 : memref<1x1x16384xf32, #tpu.memory_space<hbm>> -> memref<16384xf32, #tpu.memory_space<hbm>>
      %dma_start3A_1047 = arith.constant 0 : i32
      %dma_start3A_1048 = tpu.memref_slice %arg6[%dma_start3A, %dma_start3A_1047] : memref<4x16384xf32, #tpu.memory_space<vmem>> -> memref<1x16384xf32, #tpu.memory_space<vmem>>
      %dma_start3A_1049 = tpu.memref_squeeze %dma_start3A_1048 : memref<1x16384xf32, #tpu.memory_space<vmem>> -> memref<16384xf32, #tpu.memory_space<vmem>>
      %dma_start3A_1050 = arith.constant 0 : i32
      %dma_start3A_1051 = tpu.memref_slice %arg2[%select_n3A_21, %reduce_max3A_62, %dma_start3A_1050] : memref<3x144x16384xf32, #tpu.memory_space<hbm>> -> memref<1x1x16384xf32, #tpu.memory_space<hbm>>
      %dma_start3A_1052 = tpu.memref_squeeze %dma_start3A_1051 : memref<1x1x16384xf32, #tpu.memory_space<hbm>> -> memref<16384xf32, #tpu.memory_space<hbm>>
      tpu.enqueue_dma source(%dma_start3A_1052 : memref<16384xf32, #tpu.memory_space<hbm>>) target(%dma_start3A_1049 : memref<16384xf32, #tpu.memory_space<vmem>>) target_semaphore(%arg7 : memref<!tpu.dma_semaphore, #tpu.memory_space<semaphore_mem>>)
    } else {
    }
    %convert_element_type3A_900 = arith.extui %lt3A_66 : i1 to i32
    %cond3A_901 = arith.constant 0 : i32
    %cond3A_902 = arith.cmpi ne, %convert_element_type3A_900, %cond3A_901 : i32
    scf.if %cond3A_902 {
      %dma_start3A = arith.constant 1 : i32
      %dma_start3A_1041 = arith.constant 0 : i32
      %dma_start3A_1042 = tpu.memref_slice %arg6[%dma_start3A, %dma_start3A_1041] : memref<4x16384xf32, #tpu.memory_space<vmem>> -> memref<1x16384xf32, #tpu.memory_space<vmem>>
      %dma_start3A_1043 = tpu.memref_squeeze %dma_start3A_1042 : memref<1x16384xf32, #tpu.memory_space<vmem>> -> memref<16384xf32, #tpu.memory_space<vmem>>
      %dma_start3A_1044 = arith.constant 0 : i32
      %dma_start3A_1045 = tpu.memref_slice %arg2[%select_n3A_92, %reduce_max3A_138, %dma_start3A_1044] : memref<3x144x16384xf32, #tpu.memory_space<hbm>> -> memref<1x1x16384xf32, #tpu.memory_space<hbm>>
      %dma_start3A_1046 = tpu.memref_squeeze %dma_start3A_1045 : memref<1x1x16384xf32, #tpu.memory_space<hbm>> -> memref<16384xf32, #tpu.memory_space<hbm>>
      %dma_start3A_1047 = arith.constant 0 : i32
      %dma_start3A_1048 = tpu.memref_slice %arg6[%dma_start3A, %dma_start3A_1047] : memref<4x16384xf32, #tpu.memory_space<vmem>> -> memref<1x16384xf32, #tpu.memory_space<vmem>>
      %dma_start3A_1049 = tpu.memref_squeeze %dma_start3A_1048 : memref<1x16384xf32, #tpu.memory_space<vmem>> -> memref<16384xf32, #tpu.memory_space<vmem>>
      %dma_start3A_1050 = arith.constant 0 : i32
      %dma_start3A_1051 = tpu.memref_slice %arg2[%select_n3A_92, %reduce_max3A_138, %dma_start3A_1050] : memref<3x144x16384xf32, #tpu.memory_space<hbm>> -> memref<1x1x16384xf32, #tpu.memory_space<hbm>>
      %dma_start3A_1052 = tpu.memref_squeeze %dma_start3A_1051 : memref<1x1x16384xf32, #tpu.memory_space<hbm>> -> memref<16384xf32, #tpu.memory_space<hbm>>
      tpu.enqueue_dma source(%dma_start3A_1052 : memref<16384xf32, #tpu.memory_space<hbm>>) target(%dma_start3A_1049 : memref<16384xf32, #tpu.memory_space<vmem>>) target_semaphore(%arg8 : memref<!tpu.dma_semaphore, #tpu.memory_space<semaphore_mem>>)
    } else {
    }
    %convert_element_type3A_903 = arith.extui %lt3A_142 : i1 to i32
    %cond3A_904 = arith.constant 0 : i32
    %cond3A_905 = arith.cmpi ne, %convert_element_type3A_903, %cond3A_904 : i32
    scf.if %cond3A_905 {
      %dma_start3A = arith.constant 2 : i32
      %dma_start3A_1041 = arith.constant 0 : i32
      %dma_start3A_1042 = tpu.memref_slice %arg6[%dma_start3A, %dma_start3A_1041] : memref<4x16384xf32, #tpu.memory_space<vmem>> -> memref<1x16384xf32, #tpu.memory_space<vmem>>
      %dma_start3A_1043 = tpu.memref_squeeze %dma_start3A_1042 : memref<1x16384xf32, #tpu.memory_space<vmem>> -> memref<16384xf32, #tpu.memory_space<vmem>>
      %dma_start3A_1044 = arith.constant 0 : i32
      %dma_start3A_1045 = tpu.memref_slice %arg2[%select_n3A_168, %reduce_max3A_214, %dma_start3A_1044] : memref<3x144x16384xf32, #tpu.memory_space<hbm>> -> memref<1x1x16384xf32, #tpu.memory_space<hbm>>
      %dma_start3A_1046 = tpu.memref_squeeze %dma_start3A_1045 : memref<1x1x16384xf32, #tpu.memory_space<hbm>> -> memref<16384xf32, #tpu.memory_space<hbm>>
      %dma_start3A_1047 = arith.constant 0 : i32
      %dma_start3A_1048 = tpu.memref_slice %arg6[%dma_start3A, %dma_start3A_1047] : memref<4x16384xf32, #tpu.memory_space<vmem>> -> memref<1x16384xf32, #tpu.memory_space<vmem>>
      %dma_start3A_1049 = tpu.memref_squeeze %dma_start3A_1048 : memref<1x16384xf32, #tpu.memory_space<vmem>> -> memref<16384xf32, #tpu.memory_space<vmem>>
      %dma_start3A_1050 = arith.constant 0 : i32
      %dma_start3A_1051 = tpu.memref_slice %arg2[%select_n3A_168, %reduce_max3A_214, %dma_start3A_1050] : memref<3x144x16384xf32, #tpu.memory_space<hbm>> -> memref<1x1x16384xf32, #tpu.memory_space<hbm>>
      %dma_start3A_1052 = tpu.memref_squeeze %dma_start3A_1051 : memref<1x1x16384xf32, #tpu.memory_space<hbm>> -> memref<16384xf32, #tpu.memory_space<hbm>>
      tpu.enqueue_dma source(%dma_start3A_1052 : memref<16384xf32, #tpu.memory_space<hbm>>) target(%dma_start3A_1049 : memref<16384xf32, #tpu.memory_space<vmem>>) target_semaphore(%arg9 : memref<!tpu.dma_semaphore, #tpu.memory_space<semaphore_mem>>)
    } else {
    }
    %convert_element_type3A_906 = arith.extui %lt3A_3 : i1 to i32
    %cond3A_907 = arith.constant 0 : i32
    %cond3A_908 = arith.cmpi ne, %convert_element_type3A_906, %cond3A_907 : i32
    scf.if %cond3A_908 {
      %dma_wait3A = arith.constant 0 : i32
      %dma_wait3A_1041 = arith.constant 0 : i32
      %dma_wait3A_1042 = tpu.memref_slice %arg6[%dma_wait3A, %dma_wait3A_1041] : memref<4x16384xf32, #tpu.memory_space<vmem>> -> memref<1x16384xf32, #tpu.memory_space<vmem>>
      %dma_wait3A_1043 = tpu.memref_squeeze %dma_wait3A_1042 : memref<1x16384xf32, #tpu.memory_space<vmem>> -> memref<16384xf32, #tpu.memory_space<vmem>>
      %dma_wait3A_1044 = arith.constant 0 : i32
      %dma_wait3A_1045 = tpu.memref_slice %arg2[%select_n3A_21, %reduce_max3A_62, %dma_wait3A_1044] : memref<3x144x16384xf32, #tpu.memory_space<hbm>> -> memref<1x1x16384xf32, #tpu.memory_space<hbm>>
      %dma_wait3A_1046 = tpu.memref_squeeze %dma_wait3A_1045 : memref<1x1x16384xf32, #tpu.memory_space<hbm>> -> memref<16384xf32, #tpu.memory_space<hbm>>
      %dma_wait3A_1047 = arith.constant 0 : i32
      %dma_wait3A_1048 = tpu.memref_slice %arg6[%dma_wait3A, %dma_wait3A_1047] : memref<4x16384xf32, #tpu.memory_space<vmem>> -> memref<1x16384xf32, #tpu.memory_space<vmem>>
      %dma_wait3A_1049 = tpu.memref_squeeze %dma_wait3A_1048 : memref<1x16384xf32, #tpu.memory_space<vmem>> -> memref<16384xf32, #tpu.memory_space<vmem>>
      %dma_wait3A_1050 = arith.constant 0 : i32
      %dma_wait3A_1051 = tpu.memref_slice %arg2[%select_n3A_21, %reduce_max3A_62, %dma_wait3A_1050] : memref<3x144x16384xf32, #tpu.memory_space<hbm>> -> memref<1x1x16384xf32, #tpu.memory_space<hbm>>
      %dma_wait3A_1052 = tpu.memref_squeeze %dma_wait3A_1051 : memref<1x1x16384xf32, #tpu.memory_space<hbm>> -> memref<16384xf32, #tpu.memory_space<hbm>>
      tpu.wait_dma2 semaphore(%arg7 : memref<!tpu.dma_semaphore, #tpu.memory_space<semaphore_mem>>) src(%dma_wait3A_1052 : memref<16384xf32, #tpu.memory_space<hbm>>) dst(%dma_wait3A_1049 : memref<16384xf32, #tpu.memory_space<vmem>>)
    } else {
    }
    %convert_element_type3A_909 = arith.extui %lt3A_3 : i1 to i32
    %cond3A_910 = arith.constant 0 : i32
    %cond3A_911 = arith.cmpi ne, %convert_element_type3A_909, %cond3A_910 : i32
    scf.if %cond3A_911 {
      %dma_start3A = arith.constant 0 : i32
      %dma_start3A_1041 = arith.constant 0 : i32
      %dma_start3A_1042 = tpu.memref_slice %arg6[%dma_start3A, %dma_start3A_1041] : memref<4x16384xf32, #tpu.memory_space<vmem>> -> memref<1x16384xf32, #tpu.memory_space<vmem>>
      %dma_start3A_1043 = tpu.memref_squeeze %dma_start3A_1042 : memref<1x16384xf32, #tpu.memory_space<vmem>> -> memref<16384xf32, #tpu.memory_space<vmem>>
      %dma_start3A_1044 = arith.constant 0 : i32
      %dma_start3A_1045 = tpu.memref_slice %arg4[%select_n3A_21, %sub3A_24, %dma_start3A_1044] : memref<3x118x16384xf32, #tpu.memory_space<hbm>> -> memref<1x1x16384xf32, #tpu.memory_space<hbm>>
      %dma_start3A_1046 = tpu.memref_squeeze %dma_start3A_1045 : memref<1x1x16384xf32, #tpu.memory_space<hbm>> -> memref<16384xf32, #tpu.memory_space<hbm>>
      %dma_start3A_1047 = arith.constant 0 : i32
      %dma_start3A_1048 = tpu.memref_slice %arg4[%select_n3A_21, %sub3A_24, %dma_start3A_1047] : memref<3x118x16384xf32, #tpu.memory_space<hbm>> -> memref<1x1x16384xf32, #tpu.memory_space<hbm>>
      %dma_start3A_1049 = tpu.memref_squeeze %dma_start3A_1048 : memref<1x1x16384xf32, #tpu.memory_space<hbm>> -> memref<16384xf32, #tpu.memory_space<hbm>>
      %dma_start3A_1050 = arith.constant 0 : i32
      %dma_start3A_1051 = tpu.memref_slice %arg6[%dma_start3A, %dma_start3A_1050] : memref<4x16384xf32, #tpu.memory_space<vmem>> -> memref<1x16384xf32, #tpu.memory_space<vmem>>
      %dma_start3A_1052 = tpu.memref_squeeze %dma_start3A_1051 : memref<1x16384xf32, #tpu.memory_space<vmem>> -> memref<16384xf32, #tpu.memory_space<vmem>>
      tpu.enqueue_dma source(%dma_start3A_1052 : memref<16384xf32, #tpu.memory_space<vmem>>) target(%dma_start3A_1049 : memref<16384xf32, #tpu.memory_space<hbm>>) target_semaphore(%arg11 : memref<!tpu.dma_semaphore, #tpu.memory_space<semaphore_mem>>)
    } else {
    }
    %convert_element_type3A_912 = arith.extui %lt3A_218 : i1 to i32
    %cond3A_913 = arith.constant 0 : i32
    %cond3A_914 = arith.cmpi ne, %convert_element_type3A_912, %cond3A_913 : i32
    scf.if %cond3A_914 {
      %dma_start3A = arith.constant 3 : i32
      %dma_start3A_1041 = arith.constant 0 : i32
      %dma_start3A_1042 = tpu.memref_slice %arg6[%dma_start3A, %dma_start3A_1041] : memref<4x16384xf32, #tpu.memory_space<vmem>> -> memref<1x16384xf32, #tpu.memory_space<vmem>>
      %dma_start3A_1043 = tpu.memref_squeeze %dma_start3A_1042 : memref<1x16384xf32, #tpu.memory_space<vmem>> -> memref<16384xf32, #tpu.memory_space<vmem>>
      %dma_start3A_1044 = arith.constant 0 : i32
      %dma_start3A_1045 = tpu.memref_slice %arg2[%select_n3A_244, %reduce_max3A_290, %dma_start3A_1044] : memref<3x144x16384xf32, #tpu.memory_space<hbm>> -> memref<1x1x16384xf32, #tpu.memory_space<hbm>>
      %dma_start3A_1046 = tpu.memref_squeeze %dma_start3A_1045 : memref<1x1x16384xf32, #tpu.memory_space<hbm>> -> memref<16384xf32, #tpu.memory_space<hbm>>
      %dma_start3A_1047 = arith.constant 0 : i32
      %dma_start3A_1048 = tpu.memref_slice %arg6[%dma_start3A, %dma_start3A_1047] : memref<4x16384xf32, #tpu.memory_space<vmem>> -> memref<1x16384xf32, #tpu.memory_space<vmem>>
      %dma_start3A_1049 = tpu.memref_squeeze %dma_start3A_1048 : memref<1x16384xf32, #tpu.memory_space<vmem>> -> memref<16384xf32, #tpu.memory_space<vmem>>
      %dma_start3A_1050 = arith.constant 0 : i32
      %dma_start3A_1051 = tpu.memref_slice %arg2[%select_n3A_244, %reduce_max3A_290, %dma_start3A_1050] : memref<3x144x16384xf32, #tpu.memory_space<hbm>> -> memref<1x1x16384xf32, #tpu.memory_space<hbm>>
      %dma_start3A_1052 = tpu.memref_squeeze %dma_start3A_1051 : memref<1x1x16384xf32, #tpu.memory_space<hbm>> -> memref<16384xf32, #tpu.memory_space<hbm>>
      tpu.enqueue_dma source(%dma_start3A_1052 : memref<16384xf32, #tpu.memory_space<hbm>>) target(%dma_start3A_1049 : memref<16384xf32, #tpu.memory_space<vmem>>) target_semaphore(%arg10 : memref<!tpu.dma_semaphore, #tpu.memory_space<semaphore_mem>>)
    } else {
    }
    %convert_element_type3A_915 = arith.extui %lt3A_66 : i1 to i32
    %cond3A_916 = arith.constant 0 : i32
    %cond3A_917 = arith.cmpi ne, %convert_element_type3A_915, %cond3A_916 : i32
    scf.if %cond3A_917 {
      %dma_wait3A = arith.constant 1 : i32
      %dma_wait3A_1041 = arith.constant 0 : i32
      %dma_wait3A_1042 = tpu.memref_slice %arg6[%dma_wait3A, %dma_wait3A_1041] : memref<4x16384xf32, #tpu.memory_space<vmem>> -> memref<1x16384xf32, #tpu.memory_space<vmem>>
      %dma_wait3A_1043 = tpu.memref_squeeze %dma_wait3A_1042 : memref<1x16384xf32, #tpu.memory_space<vmem>> -> memref<16384xf32, #tpu.memory_space<vmem>>
      %dma_wait3A_1044 = arith.constant 0 : i32
      %dma_wait3A_1045 = tpu.memref_slice %arg2[%select_n3A_92, %reduce_max3A_138, %dma_wait3A_1044] : memref<3x144x16384xf32, #tpu.memory_space<hbm>> -> memref<1x1x16384xf32, #tpu.memory_space<hbm>>
      %dma_wait3A_1046 = tpu.memref_squeeze %dma_wait3A_1045 : memref<1x1x16384xf32, #tpu.memory_space<hbm>> -> memref<16384xf32, #tpu.memory_space<hbm>>
      %dma_wait3A_1047 = arith.constant 0 : i32
      %dma_wait3A_1048 = tpu.memref_slice %arg6[%dma_wait3A, %dma_wait3A_1047] : memref<4x16384xf32, #tpu.memory_space<vmem>> -> memref<1x16384xf32, #tpu.memory_space<vmem>>
      %dma_wait3A_1049 = tpu.memref_squeeze %dma_wait3A_1048 : memref<1x16384xf32, #tpu.memory_space<vmem>> -> memref<16384xf32, #tpu.memory_space<vmem>>
      %dma_wait3A_1050 = arith.constant 0 : i32
      %dma_wait3A_1051 = tpu.memref_slice %arg2[%select_n3A_92, %reduce_max3A_138, %dma_wait3A_1050] : memref<3x144x16384xf32, #tpu.memory_space<hbm>> -> memref<1x1x16384xf32, #tpu.memory_space<hbm>>
      %dma_wait3A_1052 = tpu.memref_squeeze %dma_wait3A_1051 : memref<1x1x16384xf32, #tpu.memory_space<hbm>> -> memref<16384xf32, #tpu.memory_space<hbm>>
      tpu.wait_dma2 semaphore(%arg8 : memref<!tpu.dma_semaphore, #tpu.memory_space<semaphore_mem>>) src(%dma_wait3A_1052 : memref<16384xf32, #tpu.memory_space<hbm>>) dst(%dma_wait3A_1049 : memref<16384xf32, #tpu.memory_space<vmem>>)
    } else {
    }
    %convert_element_type3A_918 = arith.extui %lt3A_66 : i1 to i32
    %cond3A_919 = arith.constant 0 : i32
    %cond3A_920 = arith.cmpi ne, %convert_element_type3A_918, %cond3A_919 : i32
    scf.if %cond3A_920 {
      %dma_start3A = arith.constant 1 : i32
      %dma_start3A_1041 = arith.constant 0 : i32
      %dma_start3A_1042 = tpu.memref_slice %arg6[%dma_start3A, %dma_start3A_1041] : memref<4x16384xf32, #tpu.memory_space<vmem>> -> memref<1x16384xf32, #tpu.memory_space<vmem>>
      %dma_start3A_1043 = tpu.memref_squeeze %dma_start3A_1042 : memref<1x16384xf32, #tpu.memory_space<vmem>> -> memref<16384xf32, #tpu.memory_space<vmem>>
      %dma_start3A_1044 = arith.constant 0 : i32
      %dma_start3A_1045 = tpu.memref_slice %arg4[%select_n3A_92, %sub3A_95, %dma_start3A_1044] : memref<3x118x16384xf32, #tpu.memory_space<hbm>> -> memref<1x1x16384xf32, #tpu.memory_space<hbm>>
      %dma_start3A_1046 = tpu.memref_squeeze %dma_start3A_1045 : memref<1x1x16384xf32, #tpu.memory_space<hbm>> -> memref<16384xf32, #tpu.memory_space<hbm>>
      %dma_start3A_1047 = arith.constant 0 : i32
      %dma_start3A_1048 = tpu.memref_slice %arg4[%select_n3A_92, %sub3A_95, %dma_start3A_1047] : memref<3x118x16384xf32, #tpu.memory_space<hbm>> -> memref<1x1x16384xf32, #tpu.memory_space<hbm>>
      %dma_start3A_1049 = tpu.memref_squeeze %dma_start3A_1048 : memref<1x1x16384xf32, #tpu.memory_space<hbm>> -> memref<16384xf32, #tpu.memory_space<hbm>>
      %dma_start3A_1050 = arith.constant 0 : i32
      %dma_start3A_1051 = tpu.memref_slice %arg6[%dma_start3A, %dma_start3A_1050] : memref<4x16384xf32, #tpu.memory_space<vmem>> -> memref<1x16384xf32, #tpu.memory_space<vmem>>
      %dma_start3A_1052 = tpu.memref_squeeze %dma_start3A_1051 : memref<1x16384xf32, #tpu.memory_space<vmem>> -> memref<16384xf32, #tpu.memory_space<vmem>>
      tpu.enqueue_dma source(%dma_start3A_1052 : memref<16384xf32, #tpu.memory_space<vmem>>) target(%dma_start3A_1049 : memref<16384xf32, #tpu.memory_space<hbm>>) target_semaphore(%arg12 : memref<!tpu.dma_semaphore, #tpu.memory_space<semaphore_mem>>)
    } else {
    }
    %convert_element_type3A_921 = arith.extui %lt3A_3 : i1 to i32
    %cond3A_922 = arith.constant 0 : i32
    %cond3A_923 = arith.cmpi ne, %convert_element_type3A_921, %cond3A_922 : i32
    scf.if %cond3A_923 {
      %dma_wait3A = arith.constant 0 : i32
      %dma_wait3A_1041 = arith.constant 0 : i32
      %dma_wait3A_1042 = tpu.memref_slice %arg6[%dma_wait3A, %dma_wait3A_1041] : memref<4x16384xf32, #tpu.memory_space<vmem>> -> memref<1x16384xf32, #tpu.memory_space<vmem>>
      %dma_wait3A_1043 = tpu.memref_squeeze %dma_wait3A_1042 : memref<1x16384xf32, #tpu.memory_space<vmem>> -> memref<16384xf32, #tpu.memory_space<vmem>>
      %dma_wait3A_1044 = arith.constant 0 : i32
      %dma_wait3A_1045 = tpu.memref_slice %arg4[%select_n3A_21, %sub3A_24, %dma_wait3A_1044] : memref<3x118x16384xf32, #tpu.memory_space<hbm>> -> memref<1x1x16384xf32, #tpu.memory_space<hbm>>
      %dma_wait3A_1046 = tpu.memref_squeeze %dma_wait3A_1045 : memref<1x1x16384xf32, #tpu.memory_space<hbm>> -> memref<16384xf32, #tpu.memory_space<hbm>>
      %dma_wait3A_1047 = arith.constant 0 : i32
      %dma_wait3A_1048 = tpu.memref_slice %arg4[%select_n3A_21, %sub3A_24, %dma_wait3A_1047] : memref<3x118x16384xf32, #tpu.memory_space<hbm>> -> memref<1x1x16384xf32, #tpu.memory_space<hbm>>
      %dma_wait3A_1049 = tpu.memref_squeeze %dma_wait3A_1048 : memref<1x1x16384xf32, #tpu.memory_space<hbm>> -> memref<16384xf32, #tpu.memory_space<hbm>>
      %dma_wait3A_1050 = arith.constant 0 : i32
      %dma_wait3A_1051 = tpu.memref_slice %arg6[%dma_wait3A, %dma_wait3A_1050] : memref<4x16384xf32, #tpu.memory_space<vmem>> -> memref<1x16384xf32, #tpu.memory_space<vmem>>
      %dma_wait3A_1052 = tpu.memref_squeeze %dma_wait3A_1051 : memref<1x16384xf32, #tpu.memory_space<vmem>> -> memref<16384xf32, #tpu.memory_space<vmem>>
      tpu.wait_dma2 semaphore(%arg11 : memref<!tpu.dma_semaphore, #tpu.memory_space<semaphore_mem>>) src(%dma_wait3A_1052 : memref<16384xf32, #tpu.memory_space<vmem>>) dst(%dma_wait3A_1049 : memref<16384xf32, #tpu.memory_space<hbm>>)
    } else {
    }
    %convert_element_type3A_924 = arith.extui %lt3A_294 : i1 to i32
    %cond3A_925 = arith.constant 0 : i32
    %cond3A_926 = arith.cmpi ne, %convert_element_type3A_924, %cond3A_925 : i32
    scf.if %cond3A_926 {
      %dma_start3A = arith.constant 0 : i32
      %dma_start3A_1041 = arith.constant 0 : i32
      %dma_start3A_1042 = tpu.memref_slice %arg6[%dma_start3A, %dma_start3A_1041] : memref<4x16384xf32, #tpu.memory_space<vmem>> -> memref<1x16384xf32, #tpu.memory_space<vmem>>
      %dma_start3A_1043 = tpu.memref_squeeze %dma_start3A_1042 : memref<1x16384xf32, #tpu.memory_space<vmem>> -> memref<16384xf32, #tpu.memory_space<vmem>>
      %dma_start3A_1044 = arith.constant 0 : i32
      %dma_start3A_1045 = tpu.memref_slice %arg2[%select_n3A_320, %reduce_max3A_366, %dma_start3A_1044] : memref<3x144x16384xf32, #tpu.memory_space<hbm>> -> memref<1x1x16384xf32, #tpu.memory_space<hbm>>
      %dma_start3A_1046 = tpu.memref_squeeze %dma_start3A_1045 : memref<1x1x16384xf32, #tpu.memory_space<hbm>> -> memref<16384xf32, #tpu.memory_space<hbm>>
      %dma_start3A_1047 = arith.constant 0 : i32
      %dma_start3A_1048 = tpu.memref_slice %arg6[%dma_start3A, %dma_start3A_1047] : memref<4x16384xf32, #tpu.memory_space<vmem>> -> memref<1x16384xf32, #tpu.memory_space<vmem>>
      %dma_start3A_1049 = tpu.memref_squeeze %dma_start3A_1048 : memref<1x16384xf32, #tpu.memory_space<vmem>> -> memref<16384xf32, #tpu.memory_space<vmem>>
      %dma_start3A_1050 = arith.constant 0 : i32
      %dma_start3A_1051 = tpu.memref_slice %arg2[%select_n3A_320, %reduce_max3A_366, %dma_start3A_1050] : memref<3x144x16384xf32, #tpu.memory_space<hbm>> -> memref<1x1x16384xf32, #tpu.memory_space<hbm>>
      %dma_start3A_1052 = tpu.memref_squeeze %dma_start3A_1051 : memref<1x1x16384xf32, #tpu.memory_space<hbm>> -> memref<16384xf32, #tpu.memory_space<hbm>>
      tpu.enqueue_dma source(%dma_start3A_1052 : memref<16384xf32, #tpu.memory_space<hbm>>) target(%dma_start3A_1049 : memref<16384xf32, #tpu.memory_space<vmem>>) target_semaphore(%arg7 : memref<!tpu.dma_semaphore, #tpu.memory_space<semaphore_mem>>)
    } else {
    }
    %convert_element_type3A_927 = arith.extui %lt3A_142 : i1 to i32
    %cond3A_928 = arith.constant 0 : i32
    %cond3A_929 = arith.cmpi ne, %convert_element_type3A_927, %cond3A_928 : i32
    scf.if %cond3A_929 {
      %dma_wait3A = arith.constant 2 : i32
      %dma_wait3A_1041 = arith.constant 0 : i32
      %dma_wait3A_1042 = tpu.memref_slice %arg6[%dma_wait3A, %dma_wait3A_1041] : memref<4x16384xf32, #tpu.memory_space<vmem>> -> memref<1x16384xf32, #tpu.memory_space<vmem>>
      %dma_wait3A_1043 = tpu.memref_squeeze %dma_wait3A_1042 : memref<1x16384xf32, #tpu.memory_space<vmem>> -> memref<16384xf32, #tpu.memory_space<vmem>>
      %dma_wait3A_1044 = arith.constant 0 : i32
      %dma_wait3A_1045 = tpu.memref_slice %arg2[%select_n3A_168, %reduce_max3A_214, %dma_wait3A_1044] : memref<3x144x16384xf32, #tpu.memory_space<hbm>> -> memref<1x1x16384xf32, #tpu.memory_space<hbm>>
      %dma_wait3A_1046 = tpu.memref_squeeze %dma_wait3A_1045 : memref<1x1x16384xf32, #tpu.memory_space<hbm>> -> memref<16384xf32, #tpu.memory_space<hbm>>
      %dma_wait3A_1047 = arith.constant 0 : i32
      %dma_wait3A_1048 = tpu.memref_slice %arg6[%dma_wait3A, %dma_wait3A_1047] : memref<4x16384xf32, #tpu.memory_space<vmem>> -> memref<1x16384xf32, #tpu.memory_space<vmem>>
      %dma_wait3A_1049 = tpu.memref_squeeze %dma_wait3A_1048 : memref<1x16384xf32, #tpu.memory_space<vmem>> -> memref<16384xf32, #tpu.memory_space<vmem>>
      %dma_wait3A_1050 = arith.constant 0 : i32
      %dma_wait3A_1051 = tpu.memref_slice %arg2[%select_n3A_168, %reduce_max3A_214, %dma_wait3A_1050] : memref<3x144x16384xf32, #tpu.memory_space<hbm>> -> memref<1x1x16384xf32, #tpu.memory_space<hbm>>
      %dma_wait3A_1052 = tpu.memref_squeeze %dma_wait3A_1051 : memref<1x1x16384xf32, #tpu.memory_space<hbm>> -> memref<16384xf32, #tpu.memory_space<hbm>>
      tpu.wait_dma2 semaphore(%arg9 : memref<!tpu.dma_semaphore, #tpu.memory_space<semaphore_mem>>) src(%dma_wait3A_1052 : memref<16384xf32, #tpu.memory_space<hbm>>) dst(%dma_wait3A_1049 : memref<16384xf32, #tpu.memory_space<vmem>>)
    } else {
    }
    %convert_element_type3A_930 = arith.extui %lt3A_142 : i1 to i32
    %cond3A_931 = arith.constant 0 : i32
    %cond3A_932 = arith.cmpi ne, %convert_element_type3A_930, %cond3A_931 : i32
    scf.if %cond3A_932 {
      %dma_start3A = arith.constant 2 : i32
      %dma_start3A_1041 = arith.constant 0 : i32
      %dma_start3A_1042 = tpu.memref_slice %arg6[%dma_start3A, %dma_start3A_1041] : memref<4x16384xf32, #tpu.memory_space<vmem>> -> memref<1x16384xf32, #tpu.memory_space<vmem>>
      %dma_start3A_1043 = tpu.memref_squeeze %dma_start3A_1042 : memref<1x16384xf32, #tpu.memory_space<vmem>> -> memref<16384xf32, #tpu.memory_space<vmem>>
      %dma_start3A_1044 = arith.constant 0 : i32
      %dma_start3A_1045 = tpu.memref_slice %arg4[%select_n3A_168, %sub3A_171, %dma_start3A_1044] : memref<3x118x16384xf32, #tpu.memory_space<hbm>> -> memref<1x1x16384xf32, #tpu.memory_space<hbm>>
      %dma_start3A_1046 = tpu.memref_squeeze %dma_start3A_1045 : memref<1x1x16384xf32, #tpu.memory_space<hbm>> -> memref<16384xf32, #tpu.memory_space<hbm>>
      %dma_start3A_1047 = arith.constant 0 : i32
      %dma_start3A_1048 = tpu.memref_slice %arg4[%select_n3A_168, %sub3A_171, %dma_start3A_1047] : memref<3x118x16384xf32, #tpu.memory_space<hbm>> -> memref<1x1x16384xf32, #tpu.memory_space<hbm>>
      %dma_start3A_1049 = tpu.memref_squeeze %dma_start3A_1048 : memref<1x1x16384xf32, #tpu.memory_space<hbm>> -> memref<16384xf32, #tpu.memory_space<hbm>>
      %dma_start3A_1050 = arith.constant 0 : i32
      %dma_start3A_1051 = tpu.memref_slice %arg6[%dma_start3A, %dma_start3A_1050] : memref<4x16384xf32, #tpu.memory_space<vmem>> -> memref<1x16384xf32, #tpu.memory_space<vmem>>
      %dma_start3A_1052 = tpu.memref_squeeze %dma_start3A_1051 : memref<1x16384xf32, #tpu.memory_space<vmem>> -> memref<16384xf32, #tpu.memory_space<vmem>>
      tpu.enqueue_dma source(%dma_start3A_1052 : memref<16384xf32, #tpu.memory_space<vmem>>) target(%dma_start3A_1049 : memref<16384xf32, #tpu.memory_space<hbm>>) target_semaphore(%arg13 : memref<!tpu.dma_semaphore, #tpu.memory_space<semaphore_mem>>)
    } else {
    }
    %convert_element_type3A_933 = arith.extui %lt3A_66 : i1 to i32
    %cond3A_934 = arith.constant 0 : i32
    %cond3A_935 = arith.cmpi ne, %convert_element_type3A_933, %cond3A_934 : i32
    scf.if %cond3A_935 {
      %dma_wait3A = arith.constant 1 : i32
      %dma_wait3A_1041 = arith.constant 0 : i32
      %dma_wait3A_1042 = tpu.memref_slice %arg6[%dma_wait3A, %dma_wait3A_1041] : memref<4x16384xf32, #tpu.memory_space<vmem>> -> memref<1x16384xf32, #tpu.memory_space<vmem>>
      %dma_wait3A_1043 = tpu.memref_squeeze %dma_wait3A_1042 : memref<1x16384xf32, #tpu.memory_space<vmem>> -> memref<16384xf32, #tpu.memory_space<vmem>>
      %dma_wait3A_1044 = arith.constant 0 : i32
      %dma_wait3A_1045 = tpu.memref_slice %arg4[%select_n3A_92, %sub3A_95, %dma_wait3A_1044] : memref<3x118x16384xf32, #tpu.memory_space<hbm>> -> memref<1x1x16384xf32, #tpu.memory_space<hbm>>
      %dma_wait3A_1046 = tpu.memref_squeeze %dma_wait3A_1045 : memref<1x1x16384xf32, #tpu.memory_space<hbm>> -> memref<16384xf32, #tpu.memory_space<hbm>>
      %dma_wait3A_1047 = arith.constant 0 : i32
      %dma_wait3A_1048 = tpu.memref_slice %arg4[%select_n3A_92, %sub3A_95, %dma_wait3A_1047] : memref<3x118x16384xf32, #tpu.memory_space<hbm>> -> memref<1x1x16384xf32, #tpu.memory_space<hbm>>
      %dma_wait3A_1049 = tpu.memref_squeeze %dma_wait3A_1048 : memref<1x1x16384xf32, #tpu.memory_space<hbm>> -> memref<16384xf32, #tpu.memory_space<hbm>>
      %dma_wait3A_1050 = arith.constant 0 : i32
      %dma_wait3A_1051 = tpu.memref_slice %arg6[%dma_wait3A, %dma_wait3A_1050] : memref<4x16384xf32, #tpu.memory_space<vmem>> -> memref<1x16384xf32, #tpu.memory_space<vmem>>
      %dma_wait3A_1052 = tpu.memref_squeeze %dma_wait3A_1051 : memref<1x16384xf32, #tpu.memory_space<vmem>> -> memref<16384xf32, #tpu.memory_space<vmem>>
      tpu.wait_dma2 semaphore(%arg12 : memref<!tpu.dma_semaphore, #tpu.memory_space<semaphore_mem>>) src(%dma_wait3A_1052 : memref<16384xf32, #tpu.memory_space<vmem>>) dst(%dma_wait3A_1049 : memref<16384xf32, #tpu.memory_space<hbm>>)
    } else {
    }
    %convert_element_type3A_936 = arith.extui %lt3A_370 : i1 to i32
    %cond3A_937 = arith.constant 0 : i32
    %cond3A_938 = arith.cmpi ne, %convert_element_type3A_936, %cond3A_937 : i32
    scf.if %cond3A_938 {
      %dma_start3A = arith.constant 1 : i32
      %dma_start3A_1041 = arith.constant 0 : i32
      %dma_start3A_1042 = tpu.memref_slice %arg6[%dma_start3A, %dma_start3A_1041] : memref<4x16384xf32, #tpu.memory_space<vmem>> -> memref<1x16384xf32, #tpu.memory_space<vmem>>
      %dma_start3A_1043 = tpu.memref_squeeze %dma_start3A_1042 : memref<1x16384xf32, #tpu.memory_space<vmem>> -> memref<16384xf32, #tpu.memory_space<vmem>>
      %dma_start3A_1044 = arith.constant 0 : i32
      %dma_start3A_1045 = tpu.memref_slice %arg2[%select_n3A_396, %reduce_max3A_442, %dma_start3A_1044] : memref<3x144x16384xf32, #tpu.memory_space<hbm>> -> memref<1x1x16384xf32, #tpu.memory_space<hbm>>
      %dma_start3A_1046 = tpu.memref_squeeze %dma_start3A_1045 : memref<1x1x16384xf32, #tpu.memory_space<hbm>> -> memref<16384xf32, #tpu.memory_space<hbm>>
      %dma_start3A_1047 = arith.constant 0 : i32
      %dma_start3A_1048 = tpu.memref_slice %arg6[%dma_start3A, %dma_start3A_1047] : memref<4x16384xf32, #tpu.memory_space<vmem>> -> memref<1x16384xf32, #tpu.memory_space<vmem>>
      %dma_start3A_1049 = tpu.memref_squeeze %dma_start3A_1048 : memref<1x16384xf32, #tpu.memory_space<vmem>> -> memref<16384xf32, #tpu.memory_space<vmem>>
      %dma_start3A_1050 = arith.constant 0 : i32
      %dma_start3A_1051 = tpu.memref_slice %arg2[%select_n3A_396, %reduce_max3A_442, %dma_start3A_1050] : memref<3x144x16384xf32, #tpu.memory_space<hbm>> -> memref<1x1x16384xf32, #tpu.memory_space<hbm>>
      %dma_start3A_1052 = tpu.memref_squeeze %dma_start3A_1051 : memref<1x1x16384xf32, #tpu.memory_space<hbm>> -> memref<16384xf32, #tpu.memory_space<hbm>>
      tpu.enqueue_dma source(%dma_start3A_1052 : memref<16384xf32, #tpu.memory_space<hbm>>) target(%dma_start3A_1049 : memref<16384xf32, #tpu.memory_space<vmem>>) target_semaphore(%arg8 : memref<!tpu.dma_semaphore, #tpu.memory_space<semaphore_mem>>)
    } else {
    }
    %convert_element_type3A_939 = arith.extui %lt3A_218 : i1 to i32
    %cond3A_940 = arith.constant 0 : i32
    %cond3A_941 = arith.cmpi ne, %convert_element_type3A_939, %cond3A_940 : i32
    scf.if %cond3A_941 {
      %dma_wait3A = arith.constant 3 : i32
      %dma_wait3A_1041 = arith.constant 0 : i32
      %dma_wait3A_1042 = tpu.memref_slice %arg6[%dma_wait3A, %dma_wait3A_1041] : memref<4x16384xf32, #tpu.memory_space<vmem>> -> memref<1x16384xf32, #tpu.memory_space<vmem>>
      %dma_wait3A_1043 = tpu.memref_squeeze %dma_wait3A_1042 : memref<1x16384xf32, #tpu.memory_space<vmem>> -> memref<16384xf32, #tpu.memory_space<vmem>>
      %dma_wait3A_1044 = arith.constant 0 : i32
      %dma_wait3A_1045 = tpu.memref_slice %arg2[%select_n3A_244, %reduce_max3A_290, %dma_wait3A_1044] : memref<3x144x16384xf32, #tpu.memory_space<hbm>> -> memref<1x1x16384xf32, #tpu.memory_space<hbm>>
      %dma_wait3A_1046 = tpu.memref_squeeze %dma_wait3A_1045 : memref<1x1x16384xf32, #tpu.memory_space<hbm>> -> memref<16384xf32, #tpu.memory_space<hbm>>
      %dma_wait3A_1047 = arith.constant 0 : i32
      %dma_wait3A_1048 = tpu.memref_slice %arg6[%dma_wait3A, %dma_wait3A_1047] : memref<4x16384xf32, #tpu.memory_space<vmem>> -> memref<1x16384xf32, #tpu.memory_space<vmem>>
      %dma_wait3A_1049 = tpu.memref_squeeze %dma_wait3A_1048 : memref<1x16384xf32, #tpu.memory_space<vmem>> -> memref<16384xf32, #tpu.memory_space<vmem>>
      %dma_wait3A_1050 = arith.constant 0 : i32
      %dma_wait3A_1051 = tpu.memref_slice %arg2[%select_n3A_244, %reduce_max3A_290, %dma_wait3A_1050] : memref<3x144x16384xf32, #tpu.memory_space<hbm>> -> memref<1x1x16384xf32, #tpu.memory_space<hbm>>
      %dma_wait3A_1052 = tpu.memref_squeeze %dma_wait3A_1051 : memref<1x1x16384xf32, #tpu.memory_space<hbm>> -> memref<16384xf32, #tpu.memory_space<hbm>>
      tpu.wait_dma2 semaphore(%arg10 : memref<!tpu.dma_semaphore, #tpu.memory_space<semaphore_mem>>) src(%dma_wait3A_1052 : memref<16384xf32, #tpu.memory_space<hbm>>) dst(%dma_wait3A_1049 : memref<16384xf32, #tpu.memory_space<vmem>>)
    } else {
    }
    %convert_element_type3A_942 = arith.extui %lt3A_218 : i1 to i32
    %cond3A_943 = arith.constant 0 : i32
    %cond3A_944 = arith.cmpi ne, %convert_element_type3A_942, %cond3A_943 : i32
    scf.if %cond3A_944 {
      %dma_start3A = arith.constant 3 : i32
      %dma_start3A_1041 = arith.constant 0 : i32
      %dma_start3A_1042 = tpu.memref_slice %arg6[%dma_start3A, %dma_start3A_1041] : memref<4x16384xf32, #tpu.memory_space<vmem>> -> memref<1x16384xf32, #tpu.memory_space<vmem>>
      %dma_start3A_1043 = tpu.memref_squeeze %dma_start3A_1042 : memref<1x16384xf32, #tpu.memory_space<vmem>> -> memref<16384xf32, #tpu.memory_space<vmem>>
      %dma_start3A_1044 = arith.constant 0 : i32
      %dma_start3A_1045 = tpu.memref_slice %arg4[%select_n3A_244, %sub3A_247, %dma_start3A_1044] : memref<3x118x16384xf32, #tpu.memory_space<hbm>> -> memref<1x1x16384xf32, #tpu.memory_space<hbm>>
      %dma_start3A_1046 = tpu.memref_squeeze %dma_start3A_1045 : memref<1x1x16384xf32, #tpu.memory_space<hbm>> -> memref<16384xf32, #tpu.memory_space<hbm>>
      %dma_start3A_1047 = arith.constant 0 : i32
      %dma_start3A_1048 = tpu.memref_slice %arg4[%select_n3A_244, %sub3A_247, %dma_start3A_1047] : memref<3x118x16384xf32, #tpu.memory_space<hbm>> -> memref<1x1x16384xf32, #tpu.memory_space<hbm>>
      %dma_start3A_1049 = tpu.memref_squeeze %dma_start3A_1048 : memref<1x1x16384xf32, #tpu.memory_space<hbm>> -> memref<16384xf32, #tpu.memory_space<hbm>>
      %dma_start3A_1050 = arith.constant 0 : i32
      %dma_start3A_1051 = tpu.memref_slice %arg6[%dma_start3A, %dma_start3A_1050] : memref<4x16384xf32, #tpu.memory_space<vmem>> -> memref<1x16384xf32, #tpu.memory_space<vmem>>
      %dma_start3A_1052 = tpu.memref_squeeze %dma_start3A_1051 : memref<1x16384xf32, #tpu.memory_space<vmem>> -> memref<16384xf32, #tpu.memory_space<vmem>>
      tpu.enqueue_dma source(%dma_start3A_1052 : memref<16384xf32, #tpu.memory_space<vmem>>) target(%dma_start3A_1049 : memref<16384xf32, #tpu.memory_space<hbm>>) target_semaphore(%arg14 : memref<!tpu.dma_semaphore, #tpu.memory_space<semaphore_mem>>)
    } else {
    }
    %convert_element_type3A_945 = arith.extui %lt3A_142 : i1 to i32
    %cond3A_946 = arith.constant 0 : i32
    %cond3A_947 = arith.cmpi ne, %convert_element_type3A_945, %cond3A_946 : i32
    scf.if %cond3A_947 {
      %dma_wait3A = arith.constant 2 : i32
      %dma_wait3A_1041 = arith.constant 0 : i32
      %dma_wait3A_1042 = tpu.memref_slice %arg6[%dma_wait3A, %dma_wait3A_1041] : memref<4x16384xf32, #tpu.memory_space<vmem>> -> memref<1x16384xf32, #tpu.memory_space<vmem>>
      %dma_wait3A_1043 = tpu.memref_squeeze %dma_wait3A_1042 : memref<1x16384xf32, #tpu.memory_space<vmem>> -> memref<16384xf32, #tpu.memory_space<vmem>>
      %dma_wait3A_1044 = arith.constant 0 : i32
      %dma_wait3A_1045 = tpu.memref_slice %arg4[%select_n3A_168, %sub3A_171, %dma_wait3A_1044] : memref<3x118x16384xf32, #tpu.memory_space<hbm>> -> memref<1x1x16384xf32, #tpu.memory_space<hbm>>
      %dma_wait3A_1046 = tpu.memref_squeeze %dma_wait3A_1045 : memref<1x1x16384xf32, #tpu.memory_space<hbm>> -> memref<16384xf32, #tpu.memory_space<hbm>>
      %dma_wait3A_1047 = arith.constant 0 : i32
      %dma_wait3A_1048 = tpu.memref_slice %arg4[%select_n3A_168, %sub3A_171, %dma_wait3A_1047] : memref<3x118x16384xf32, #tpu.memory_space<hbm>> -> memref<1x1x16384xf32, #tpu.memory_space<hbm>>
      %dma_wait3A_1049 = tpu.memref_squeeze %dma_wait3A_1048 : memref<1x1x16384xf32, #tpu.memory_space<hbm>> -> memref<16384xf32, #tpu.memory_space<hbm>>
      %dma_wait3A_1050 = arith.constant 0 : i32
      %dma_wait3A_1051 = tpu.memref_slice %arg6[%dma_wait3A, %dma_wait3A_1050] : memref<4x16384xf32, #tpu.memory_space<vmem>> -> memref<1x16384xf32, #tpu.memory_space<vmem>>
      %dma_wait3A_1052 = tpu.memref_squeeze %dma_wait3A_1051 : memref<1x16384xf32, #tpu.memory_space<vmem>> -> memref<16384xf32, #tpu.memory_space<vmem>>
      tpu.wait_dma2 semaphore(%arg13 : memref<!tpu.dma_semaphore, #tpu.memory_space<semaphore_mem>>) src(%dma_wait3A_1052 : memref<16384xf32, #tpu.memory_space<vmem>>) dst(%dma_wait3A_1049 : memref<16384xf32, #tpu.memory_space<hbm>>)
    } else {
    }
    %convert_element_type3A_948 = arith.extui %lt3A_446 : i1 to i32
    %cond3A_949 = arith.constant 0 : i32
    %cond3A_950 = arith.cmpi ne, %convert_element_type3A_948, %cond3A_949 : i32
    scf.if %cond3A_950 {
      %dma_start3A = arith.constant 2 : i32
      %dma_start3A_1041 = arith.constant 0 : i32
      %dma_start3A_1042 = tpu.memref_slice %arg6[%dma_start3A, %dma_start3A_1041] : memref<4x16384xf32, #tpu.memory_space<vmem>> -> memref<1x16384xf32, #tpu.memory_space<vmem>>
      %dma_start3A_1043 = tpu.memref_squeeze %dma_start3A_1042 : memref<1x16384xf32, #tpu.memory_space<vmem>> -> memref<16384xf32, #tpu.memory_space<vmem>>
      %dma_start3A_1044 = arith.constant 0 : i32
      %dma_start3A_1045 = tpu.memref_slice %arg2[%select_n3A_472, %reduce_max3A_518, %dma_start3A_1044] : memref<3x144x16384xf32, #tpu.memory_space<hbm>> -> memref<1x1x16384xf32, #tpu.memory_space<hbm>>
      %dma_start3A_1046 = tpu.memref_squeeze %dma_start3A_1045 : memref<1x1x16384xf32, #tpu.memory_space<hbm>> -> memref<16384xf32, #tpu.memory_space<hbm>>
      %dma_start3A_1047 = arith.constant 0 : i32
      %dma_start3A_1048 = tpu.memref_slice %arg6[%dma_start3A, %dma_start3A_1047] : memref<4x16384xf32, #tpu.memory_space<vmem>> -> memref<1x16384xf32, #tpu.memory_space<vmem>>
      %dma_start3A_1049 = tpu.memref_squeeze %dma_start3A_1048 : memref<1x16384xf32, #tpu.memory_space<vmem>> -> memref<16384xf32, #tpu.memory_space<vmem>>
      %dma_start3A_1050 = arith.constant 0 : i32
      %dma_start3A_1051 = tpu.memref_slice %arg2[%select_n3A_472, %reduce_max3A_518, %dma_start3A_1050] : memref<3x144x16384xf32, #tpu.memory_space<hbm>> -> memref<1x1x16384xf32, #tpu.memory_space<hbm>>
      %dma_start3A_1052 = tpu.memref_squeeze %dma_start3A_1051 : memref<1x1x16384xf32, #tpu.memory_space<hbm>> -> memref<16384xf32, #tpu.memory_space<hbm>>
      tpu.enqueue_dma source(%dma_start3A_1052 : memref<16384xf32, #tpu.memory_space<hbm>>) target(%dma_start3A_1049 : memref<16384xf32, #tpu.memory_space<vmem>>) target_semaphore(%arg9 : memref<!tpu.dma_semaphore, #tpu.memory_space<semaphore_mem>>)
    } else {
    }
    %convert_element_type3A_951 = arith.extui %lt3A_294 : i1 to i32
    %cond3A_952 = arith.constant 0 : i32
    %cond3A_953 = arith.cmpi ne, %convert_element_type3A_951, %cond3A_952 : i32
    scf.if %cond3A_953 {
      %dma_wait3A = arith.constant 0 : i32
      %dma_wait3A_1041 = arith.constant 0 : i32
      %dma_wait3A_1042 = tpu.memref_slice %arg6[%dma_wait3A, %dma_wait3A_1041] : memref<4x16384xf32, #tpu.memory_space<vmem>> -> memref<1x16384xf32, #tpu.memory_space<vmem>>
      %dma_wait3A_1043 = tpu.memref_squeeze %dma_wait3A_1042 : memref<1x16384xf32, #tpu.memory_space<vmem>> -> memref<16384xf32, #tpu.memory_space<vmem>>
      %dma_wait3A_1044 = arith.constant 0 : i32
      %dma_wait3A_1045 = tpu.memref_slice %arg2[%select_n3A_320, %reduce_max3A_366, %dma_wait3A_1044] : memref<3x144x16384xf32, #tpu.memory_space<hbm>> -> memref<1x1x16384xf32, #tpu.memory_space<hbm>>
      %dma_wait3A_1046 = tpu.memref_squeeze %dma_wait3A_1045 : memref<1x1x16384xf32, #tpu.memory_space<hbm>> -> memref<16384xf32, #tpu.memory_space<hbm>>
      %dma_wait3A_1047 = arith.constant 0 : i32
      %dma_wait3A_1048 = tpu.memref_slice %arg6[%dma_wait3A, %dma_wait3A_1047] : memref<4x16384xf32, #tpu.memory_space<vmem>> -> memref<1x16384xf32, #tpu.memory_space<vmem>>
      %dma_wait3A_1049 = tpu.memref_squeeze %dma_wait3A_1048 : memref<1x16384xf32, #tpu.memory_space<vmem>> -> memref<16384xf32, #tpu.memory_space<vmem>>
      %dma_wait3A_1050 = arith.constant 0 : i32
      %dma_wait3A_1051 = tpu.memref_slice %arg2[%select_n3A_320, %reduce_max3A_366, %dma_wait3A_1050] : memref<3x144x16384xf32, #tpu.memory_space<hbm>> -> memref<1x1x16384xf32, #tpu.memory_space<hbm>>
      %dma_wait3A_1052 = tpu.memref_squeeze %dma_wait3A_1051 : memref<1x1x16384xf32, #tpu.memory_space<hbm>> -> memref<16384xf32, #tpu.memory_space<hbm>>
      tpu.wait_dma2 semaphore(%arg7 : memref<!tpu.dma_semaphore, #tpu.memory_space<semaphore_mem>>) src(%dma_wait3A_1052 : memref<16384xf32, #tpu.memory_space<hbm>>) dst(%dma_wait3A_1049 : memref<16384xf32, #tpu.memory_space<vmem>>)
    } else {
    }
    %convert_element_type3A_954 = arith.extui %lt3A_294 : i1 to i32
    %cond3A_955 = arith.constant 0 : i32
    %cond3A_956 = arith.cmpi ne, %convert_element_type3A_954, %cond3A_955 : i32
    scf.if %cond3A_956 {
      %dma_start3A = arith.constant 0 : i32
      %dma_start3A_1041 = arith.constant 0 : i32
      %dma_start3A_1042 = tpu.memref_slice %arg6[%dma_start3A, %dma_start3A_1041] : memref<4x16384xf32, #tpu.memory_space<vmem>> -> memref<1x16384xf32, #tpu.memory_space<vmem>>
      %dma_start3A_1043 = tpu.memref_squeeze %dma_start3A_1042 : memref<1x16384xf32, #tpu.memory_space<vmem>> -> memref<16384xf32, #tpu.memory_space<vmem>>
      %dma_start3A_1044 = arith.constant 0 : i32
      %dma_start3A_1045 = tpu.memref_slice %arg4[%select_n3A_320, %sub3A_323, %dma_start3A_1044] : memref<3x118x16384xf32, #tpu.memory_space<hbm>> -> memref<1x1x16384xf32, #tpu.memory_space<hbm>>
      %dma_start3A_1046 = tpu.memref_squeeze %dma_start3A_1045 : memref<1x1x16384xf32, #tpu.memory_space<hbm>> -> memref<16384xf32, #tpu.memory_space<hbm>>
      %dma_start3A_1047 = arith.constant 0 : i32
      %dma_start3A_1048 = tpu.memref_slice %arg4[%select_n3A_320, %sub3A_323, %dma_start3A_1047] : memref<3x118x16384xf32, #tpu.memory_space<hbm>> -> memref<1x1x16384xf32, #tpu.memory_space<hbm>>
      %dma_start3A_1049 = tpu.memref_squeeze %dma_start3A_1048 : memref<1x1x16384xf32, #tpu.memory_space<hbm>> -> memref<16384xf32, #tpu.memory_space<hbm>>
      %dma_start3A_1050 = arith.constant 0 : i32
      %dma_start3A_1051 = tpu.memref_slice %arg6[%dma_start3A, %dma_start3A_1050] : memref<4x16384xf32, #tpu.memory_space<vmem>> -> memref<1x16384xf32, #tpu.memory_space<vmem>>
      %dma_start3A_1052 = tpu.memref_squeeze %dma_start3A_1051 : memref<1x16384xf32, #tpu.memory_space<vmem>> -> memref<16384xf32, #tpu.memory_space<vmem>>
      tpu.enqueue_dma source(%dma_start3A_1052 : memref<16384xf32, #tpu.memory_space<vmem>>) target(%dma_start3A_1049 : memref<16384xf32, #tpu.memory_space<hbm>>) target_semaphore(%arg11 : memref<!tpu.dma_semaphore, #tpu.memory_space<semaphore_mem>>)
    } else {
    }
    %convert_element_type3A_957 = arith.extui %lt3A_218 : i1 to i32
    %cond3A_958 = arith.constant 0 : i32
    %cond3A_959 = arith.cmpi ne, %convert_element_type3A_957, %cond3A_958 : i32
    scf.if %cond3A_959 {
      %dma_wait3A = arith.constant 3 : i32
      %dma_wait3A_1041 = arith.constant 0 : i32
      %dma_wait3A_1042 = tpu.memref_slice %arg6[%dma_wait3A, %dma_wait3A_1041] : memref<4x16384xf32, #tpu.memory_space<vmem>> -> memref<1x16384xf32, #tpu.memory_space<vmem>>
      %dma_wait3A_1043 = tpu.memref_squeeze %dma_wait3A_1042 : memref<1x16384xf32, #tpu.memory_space<vmem>> -> memref<16384xf32, #tpu.memory_space<vmem>>
      %dma_wait3A_1044 = arith.constant 0 : i32
      %dma_wait3A_1045 = tpu.memref_slice %arg4[%select_n3A_244, %sub3A_247, %dma_wait3A_1044] : memref<3x118x16384xf32, #tpu.memory_space<hbm>> -> memref<1x1x16384xf32, #tpu.memory_space<hbm>>
      %dma_wait3A_1046 = tpu.memref_squeeze %dma_wait3A_1045 : memref<1x1x16384xf32, #tpu.memory_space<hbm>> -> memref<16384xf32, #tpu.memory_space<hbm>>
      %dma_wait3A_1047 = arith.constant 0 : i32
      %dma_wait3A_1048 = tpu.memref_slice %arg4[%select_n3A_244, %sub3A_247, %dma_wait3A_1047] : memref<3x118x16384xf32, #tpu.memory_space<hbm>> -> memref<1x1x16384xf32, #tpu.memory_space<hbm>>
      %dma_wait3A_1049 = tpu.memref_squeeze %dma_wait3A_1048 : memref<1x1x16384xf32, #tpu.memory_space<hbm>> -> memref<16384xf32, #tpu.memory_space<hbm>>
      %dma_wait3A_1050 = arith.constant 0 : i32
      %dma_wait3A_1051 = tpu.memref_slice %arg6[%dma_wait3A, %dma_wait3A_1050] : memref<4x16384xf32, #tpu.memory_space<vmem>> -> memref<1x16384xf32, #tpu.memory_space<vmem>>
      %dma_wait3A_1052 = tpu.memref_squeeze %dma_wait3A_1051 : memref<1x16384xf32, #tpu.memory_space<vmem>> -> memref<16384xf32, #tpu.memory_space<vmem>>
      tpu.wait_dma2 semaphore(%arg14 : memref<!tpu.dma_semaphore, #tpu.memory_space<semaphore_mem>>) src(%dma_wait3A_1052 : memref<16384xf32, #tpu.memory_space<vmem>>) dst(%dma_wait3A_1049 : memref<16384xf32, #tpu.memory_space<hbm>>)
    } else {
    }
    %convert_element_type3A_960 = arith.extui %lt3A_522 : i1 to i32
    %cond3A_961 = arith.constant 0 : i32
    %cond3A_962 = arith.cmpi ne, %convert_element_type3A_960, %cond3A_961 : i32
    scf.if %cond3A_962 {
      %dma_start3A = arith.constant 3 : i32
      %dma_start3A_1041 = arith.constant 0 : i32
      %dma_start3A_1042 = tpu.memref_slice %arg6[%dma_start3A, %dma_start3A_1041] : memref<4x16384xf32, #tpu.memory_space<vmem>> -> memref<1x16384xf32, #tpu.memory_space<vmem>>
      %dma_start3A_1043 = tpu.memref_squeeze %dma_start3A_1042 : memref<1x16384xf32, #tpu.memory_space<vmem>> -> memref<16384xf32, #tpu.memory_space<vmem>>
      %dma_start3A_1044 = arith.constant 0 : i32
      %dma_start3A_1045 = tpu.memref_slice %arg2[%select_n3A_548, %reduce_max3A_594, %dma_start3A_1044] : memref<3x144x16384xf32, #tpu.memory_space<hbm>> -> memref<1x1x16384xf32, #tpu.memory_space<hbm>>
      %dma_start3A_1046 = tpu.memref_squeeze %dma_start3A_1045 : memref<1x1x16384xf32, #tpu.memory_space<hbm>> -> memref<16384xf32, #tpu.memory_space<hbm>>
      %dma_start3A_1047 = arith.constant 0 : i32
      %dma_start3A_1048 = tpu.memref_slice %arg6[%dma_start3A, %dma_start3A_1047] : memref<4x16384xf32, #tpu.memory_space<vmem>> -> memref<1x16384xf32, #tpu.memory_space<vmem>>
      %dma_start3A_1049 = tpu.memref_squeeze %dma_start3A_1048 : memref<1x16384xf32, #tpu.memory_space<vmem>> -> memref<16384xf32, #tpu.memory_space<vmem>>
      %dma_start3A_1050 = arith.constant 0 : i32
      %dma_start3A_1051 = tpu.memref_slice %arg2[%select_n3A_548, %reduce_max3A_594, %dma_start3A_1050] : memref<3x144x16384xf32, #tpu.memory_space<hbm>> -> memref<1x1x16384xf32, #tpu.memory_space<hbm>>
      %dma_start3A_1052 = tpu.memref_squeeze %dma_start3A_1051 : memref<1x1x16384xf32, #tpu.memory_space<hbm>> -> memref<16384xf32, #tpu.memory_space<hbm>>
      tpu.enqueue_dma source(%dma_start3A_1052 : memref<16384xf32, #tpu.memory_space<hbm>>) target(%dma_start3A_1049 : memref<16384xf32, #tpu.memory_space<vmem>>) target_semaphore(%arg10 : memref<!tpu.dma_semaphore, #tpu.memory_space<semaphore_mem>>)
    } else {
    }
    %convert_element_type3A_963 = arith.extui %lt3A_370 : i1 to i32
    %cond3A_964 = arith.constant 0 : i32
    %cond3A_965 = arith.cmpi ne, %convert_element_type3A_963, %cond3A_964 : i32
    scf.if %cond3A_965 {
      %dma_wait3A = arith.constant 1 : i32
      %dma_wait3A_1041 = arith.constant 0 : i32
      %dma_wait3A_1042 = tpu.memref_slice %arg6[%dma_wait3A, %dma_wait3A_1041] : memref<4x16384xf32, #tpu.memory_space<vmem>> -> memref<1x16384xf32, #tpu.memory_space<vmem>>
      %dma_wait3A_1043 = tpu.memref_squeeze %dma_wait3A_1042 : memref<1x16384xf32, #tpu.memory_space<vmem>> -> memref<16384xf32, #tpu.memory_space<vmem>>
      %dma_wait3A_1044 = arith.constant 0 : i32
      %dma_wait3A_1045 = tpu.memref_slice %arg2[%select_n3A_396, %reduce_max3A_442, %dma_wait3A_1044] : memref<3x144x16384xf32, #tpu.memory_space<hbm>> -> memref<1x1x16384xf32, #tpu.memory_space<hbm>>
      %dma_wait3A_1046 = tpu.memref_squeeze %dma_wait3A_1045 : memref<1x1x16384xf32, #tpu.memory_space<hbm>> -> memref<16384xf32, #tpu.memory_space<hbm>>
      %dma_wait3A_1047 = arith.constant 0 : i32
      %dma_wait3A_1048 = tpu.memref_slice %arg6[%dma_wait3A, %dma_wait3A_1047] : memref<4x16384xf32, #tpu.memory_space<vmem>> -> memref<1x16384xf32, #tpu.memory_space<vmem>>
      %dma_wait3A_1049 = tpu.memref_squeeze %dma_wait3A_1048 : memref<1x16384xf32, #tpu.memory_space<vmem>> -> memref<16384xf32, #tpu.memory_space<vmem>>
      %dma_wait3A_1050 = arith.constant 0 : i32
      %dma_wait3A_1051 = tpu.memref_slice %arg2[%select_n3A_396, %reduce_max3A_442, %dma_wait3A_1050] : memref<3x144x16384xf32, #tpu.memory_space<hbm>> -> memref<1x1x16384xf32, #tpu.memory_space<hbm>>
      %dma_wait3A_1052 = tpu.memref_squeeze %dma_wait3A_1051 : memref<1x1x16384xf32, #tpu.memory_space<hbm>> -> memref<16384xf32, #tpu.memory_space<hbm>>
      tpu.wait_dma2 semaphore(%arg8 : memref<!tpu.dma_semaphore, #tpu.memory_space<semaphore_mem>>) src(%dma_wait3A_1052 : memref<16384xf32, #tpu.memory_space<hbm>>) dst(%dma_wait3A_1049 : memref<16384xf32, #tpu.memory_space<vmem>>)
    } else {
    }
    %convert_element_type3A_966 = arith.extui %lt3A_370 : i1 to i32
    %cond3A_967 = arith.constant 0 : i32
    %cond3A_968 = arith.cmpi ne, %convert_element_type3A_966, %cond3A_967 : i32
    scf.if %cond3A_968 {
      %dma_start3A = arith.constant 1 : i32
      %dma_start3A_1041 = arith.constant 0 : i32
      %dma_start3A_1042 = tpu.memref_slice %arg6[%dma_start3A, %dma_start3A_1041] : memref<4x16384xf32, #tpu.memory_space<vmem>> -> memref<1x16384xf32, #tpu.memory_space<vmem>>
      %dma_start3A_1043 = tpu.memref_squeeze %dma_start3A_1042 : memref<1x16384xf32, #tpu.memory_space<vmem>> -> memref<16384xf32, #tpu.memory_space<vmem>>
      %dma_start3A_1044 = arith.constant 0 : i32
      %dma_start3A_1045 = tpu.memref_slice %arg4[%select_n3A_396, %sub3A_399, %dma_start3A_1044] : memref<3x118x16384xf32, #tpu.memory_space<hbm>> -> memref<1x1x16384xf32, #tpu.memory_space<hbm>>
      %dma_start3A_1046 = tpu.memref_squeeze %dma_start3A_1045 : memref<1x1x16384xf32, #tpu.memory_space<hbm>> -> memref<16384xf32, #tpu.memory_space<hbm>>
      %dma_start3A_1047 = arith.constant 0 : i32
      %dma_start3A_1048 = tpu.memref_slice %arg4[%select_n3A_396, %sub3A_399, %dma_start3A_1047] : memref<3x118x16384xf32, #tpu.memory_space<hbm>> -> memref<1x1x16384xf32, #tpu.memory_space<hbm>>
      %dma_start3A_1049 = tpu.memref_squeeze %dma_start3A_1048 : memref<1x1x16384xf32, #tpu.memory_space<hbm>> -> memref<16384xf32, #tpu.memory_space<hbm>>
      %dma_start3A_1050 = arith.constant 0 : i32
      %dma_start3A_1051 = tpu.memref_slice %arg6[%dma_start3A, %dma_start3A_1050] : memref<4x16384xf32, #tpu.memory_space<vmem>> -> memref<1x16384xf32, #tpu.memory_space<vmem>>
      %dma_start3A_1052 = tpu.memref_squeeze %dma_start3A_1051 : memref<1x16384xf32, #tpu.memory_space<vmem>> -> memref<16384xf32, #tpu.memory_space<vmem>>
      tpu.enqueue_dma source(%dma_start3A_1052 : memref<16384xf32, #tpu.memory_space<vmem>>) target(%dma_start3A_1049 : memref<16384xf32, #tpu.memory_space<hbm>>) target_semaphore(%arg12 : memref<!tpu.dma_semaphore, #tpu.memory_space<semaphore_mem>>)
    } else {
    }
    %convert_element_type3A_969 = arith.extui %lt3A_294 : i1 to i32
    %cond3A_970 = arith.constant 0 : i32
    %cond3A_971 = arith.cmpi ne, %convert_element_type3A_969, %cond3A_970 : i32
    scf.if %cond3A_971 {
      %dma_wait3A = arith.constant 0 : i32
      %dma_wait3A_1041 = arith.constant 0 : i32
      %dma_wait3A_1042 = tpu.memref_slice %arg6[%dma_wait3A, %dma_wait3A_1041] : memref<4x16384xf32, #tpu.memory_space<vmem>> -> memref<1x16384xf32, #tpu.memory_space<vmem>>
      %dma_wait3A_1043 = tpu.memref_squeeze %dma_wait3A_1042 : memref<1x16384xf32, #tpu.memory_space<vmem>> -> memref<16384xf32, #tpu.memory_space<vmem>>
      %dma_wait3A_1044 = arith.constant 0 : i32
      %dma_wait3A_1045 = tpu.memref_slice %arg4[%select_n3A_320, %sub3A_323, %dma_wait3A_1044] : memref<3x118x16384xf32, #tpu.memory_space<hbm>> -> memref<1x1x16384xf32, #tpu.memory_space<hbm>>
      %dma_wait3A_1046 = tpu.memref_squeeze %dma_wait3A_1045 : memref<1x1x16384xf32, #tpu.memory_space<hbm>> -> memref<16384xf32, #tpu.memory_space<hbm>>
      %dma_wait3A_1047 = arith.constant 0 : i32
      %dma_wait3A_1048 = tpu.memref_slice %arg4[%select_n3A_320, %sub3A_323, %dma_wait3A_1047] : memref<3x118x16384xf32, #tpu.memory_space<hbm>> -> memref<1x1x16384xf32, #tpu.memory_space<hbm>>
      %dma_wait3A_1049 = tpu.memref_squeeze %dma_wait3A_1048 : memref<1x1x16384xf32, #tpu.memory_space<hbm>> -> memref<16384xf32, #tpu.memory_space<hbm>>
      %dma_wait3A_1050 = arith.constant 0 : i32
      %dma_wait3A_1051 = tpu.memref_slice %arg6[%dma_wait3A, %dma_wait3A_1050] : memref<4x16384xf32, #tpu.memory_space<vmem>> -> memref<1x16384xf32, #tpu.memory_space<vmem>>
      %dma_wait3A_1052 = tpu.memref_squeeze %dma_wait3A_1051 : memref<1x16384xf32, #tpu.memory_space<vmem>> -> memref<16384xf32, #tpu.memory_space<vmem>>
      tpu.wait_dma2 semaphore(%arg11 : memref<!tpu.dma_semaphore, #tpu.memory_space<semaphore_mem>>) src(%dma_wait3A_1052 : memref<16384xf32, #tpu.memory_space<vmem>>) dst(%dma_wait3A_1049 : memref<16384xf32, #tpu.memory_space<hbm>>)
    } else {
    }
    %convert_element_type3A_972 = arith.extui %lt3A_598 : i1 to i32
    %cond3A_973 = arith.constant 0 : i32
    %cond3A_974 = arith.cmpi ne, %convert_element_type3A_972, %cond3A_973 : i32
    scf.if %cond3A_974 {
      %dma_start3A = arith.constant 0 : i32
      %dma_start3A_1041 = arith.constant 0 : i32
      %dma_start3A_1042 = tpu.memref_slice %arg6[%dma_start3A, %dma_start3A_1041] : memref<4x16384xf32, #tpu.memory_space<vmem>> -> memref<1x16384xf32, #tpu.memory_space<vmem>>
      %dma_start3A_1043 = tpu.memref_squeeze %dma_start3A_1042 : memref<1x16384xf32, #tpu.memory_space<vmem>> -> memref<16384xf32, #tpu.memory_space<vmem>>
      %dma_start3A_1044 = arith.constant 0 : i32
      %dma_start3A_1045 = tpu.memref_slice %arg2[%select_n3A_624, %reduce_max3A_670, %dma_start3A_1044] : memref<3x144x16384xf32, #tpu.memory_space<hbm>> -> memref<1x1x16384xf32, #tpu.memory_space<hbm>>
      %dma_start3A_1046 = tpu.memref_squeeze %dma_start3A_1045 : memref<1x1x16384xf32, #tpu.memory_space<hbm>> -> memref<16384xf32, #tpu.memory_space<hbm>>
      %dma_start3A_1047 = arith.constant 0 : i32
      %dma_start3A_1048 = tpu.memref_slice %arg6[%dma_start3A, %dma_start3A_1047] : memref<4x16384xf32, #tpu.memory_space<vmem>> -> memref<1x16384xf32, #tpu.memory_space<vmem>>
      %dma_start3A_1049 = tpu.memref_squeeze %dma_start3A_1048 : memref<1x16384xf32, #tpu.memory_space<vmem>> -> memref<16384xf32, #tpu.memory_space<vmem>>
      %dma_start3A_1050 = arith.constant 0 : i32
      %dma_start3A_1051 = tpu.memref_slice %arg2[%select_n3A_624, %reduce_max3A_670, %dma_start3A_1050] : memref<3x144x16384xf32, #tpu.memory_space<hbm>> -> memref<1x1x16384xf32, #tpu.memory_space<hbm>>
      %dma_start3A_1052 = tpu.memref_squeeze %dma_start3A_1051 : memref<1x1x16384xf32, #tpu.memory_space<hbm>> -> memref<16384xf32, #tpu.memory_space<hbm>>
      tpu.enqueue_dma source(%dma_start3A_1052 : memref<16384xf32, #tpu.memory_space<hbm>>) target(%dma_start3A_1049 : memref<16384xf32, #tpu.memory_space<vmem>>) target_semaphore(%arg7 : memref<!tpu.dma_semaphore, #tpu.memory_space<semaphore_mem>>)
    } else {
    }
    %convert_element_type3A_975 = arith.extui %lt3A_446 : i1 to i32
    %cond3A_976 = arith.constant 0 : i32
    %cond3A_977 = arith.cmpi ne, %convert_element_type3A_975, %cond3A_976 : i32
    scf.if %cond3A_977 {
      %dma_wait3A = arith.constant 2 : i32
      %dma_wait3A_1041 = arith.constant 0 : i32
      %dma_wait3A_1042 = tpu.memref_slice %arg6[%dma_wait3A, %dma_wait3A_1041] : memref<4x16384xf32, #tpu.memory_space<vmem>> -> memref<1x16384xf32, #tpu.memory_space<vmem>>
      %dma_wait3A_1043 = tpu.memref_squeeze %dma_wait3A_1042 : memref<1x16384xf32, #tpu.memory_space<vmem>> -> memref<16384xf32, #tpu.memory_space<vmem>>
      %dma_wait3A_1044 = arith.constant 0 : i32
      %dma_wait3A_1045 = tpu.memref_slice %arg2[%select_n3A_472, %reduce_max3A_518, %dma_wait3A_1044] : memref<3x144x16384xf32, #tpu.memory_space<hbm>> -> memref<1x1x16384xf32, #tpu.memory_space<hbm>>
      %dma_wait3A_1046 = tpu.memref_squeeze %dma_wait3A_1045 : memref<1x1x16384xf32, #tpu.memory_space<hbm>> -> memref<16384xf32, #tpu.memory_space<hbm>>
      %dma_wait3A_1047 = arith.constant 0 : i32
      %dma_wait3A_1048 = tpu.memref_slice %arg6[%dma_wait3A, %dma_wait3A_1047] : memref<4x16384xf32, #tpu.memory_space<vmem>> -> memref<1x16384xf32, #tpu.memory_space<vmem>>
      %dma_wait3A_1049 = tpu.memref_squeeze %dma_wait3A_1048 : memref<1x16384xf32, #tpu.memory_space<vmem>> -> memref<16384xf32, #tpu.memory_space<vmem>>
      %dma_wait3A_1050 = arith.constant 0 : i32
      %dma_wait3A_1051 = tpu.memref_slice %arg2[%select_n3A_472, %reduce_max3A_518, %dma_wait3A_1050] : memref<3x144x16384xf32, #tpu.memory_space<hbm>> -> memref<1x1x16384xf32, #tpu.memory_space<hbm>>
      %dma_wait3A_1052 = tpu.memref_squeeze %dma_wait3A_1051 : memref<1x1x16384xf32, #tpu.memory_space<hbm>> -> memref<16384xf32, #tpu.memory_space<hbm>>
      tpu.wait_dma2 semaphore(%arg9 : memref<!tpu.dma_semaphore, #tpu.memory_space<semaphore_mem>>) src(%dma_wait3A_1052 : memref<16384xf32, #tpu.memory_space<hbm>>) dst(%dma_wait3A_1049 : memref<16384xf32, #tpu.memory_space<vmem>>)
    } else {
    }
    %convert_element_type3A_978 = arith.extui %lt3A_446 : i1 to i32
    %cond3A_979 = arith.constant 0 : i32
    %cond3A_980 = arith.cmpi ne, %convert_element_type3A_978, %cond3A_979 : i32
    scf.if %cond3A_980 {
      %dma_start3A = arith.constant 2 : i32
      %dma_start3A_1041 = arith.constant 0 : i32
      %dma_start3A_1042 = tpu.memref_slice %arg6[%dma_start3A, %dma_start3A_1041] : memref<4x16384xf32, #tpu.memory_space<vmem>> -> memref<1x16384xf32, #tpu.memory_space<vmem>>
      %dma_start3A_1043 = tpu.memref_squeeze %dma_start3A_1042 : memref<1x16384xf32, #tpu.memory_space<vmem>> -> memref<16384xf32, #tpu.memory_space<vmem>>
      %dma_start3A_1044 = arith.constant 0 : i32
      %dma_start3A_1045 = tpu.memref_slice %arg4[%select_n3A_472, %sub3A_475, %dma_start3A_1044] : memref<3x118x16384xf32, #tpu.memory_space<hbm>> -> memref<1x1x16384xf32, #tpu.memory_space<hbm>>
      %dma_start3A_1046 = tpu.memref_squeeze %dma_start3A_1045 : memref<1x1x16384xf32, #tpu.memory_space<hbm>> -> memref<16384xf32, #tpu.memory_space<hbm>>
      %dma_start3A_1047 = arith.constant 0 : i32
      %dma_start3A_1048 = tpu.memref_slice %arg4[%select_n3A_472, %sub3A_475, %dma_start3A_1047] : memref<3x118x16384xf32, #tpu.memory_space<hbm>> -> memref<1x1x16384xf32, #tpu.memory_space<hbm>>
      %dma_start3A_1049 = tpu.memref_squeeze %dma_start3A_1048 : memref<1x1x16384xf32, #tpu.memory_space<hbm>> -> memref<16384xf32, #tpu.memory_space<hbm>>
      %dma_start3A_1050 = arith.constant 0 : i32
      %dma_start3A_1051 = tpu.memref_slice %arg6[%dma_start3A, %dma_start3A_1050] : memref<4x16384xf32, #tpu.memory_space<vmem>> -> memref<1x16384xf32, #tpu.memory_space<vmem>>
      %dma_start3A_1052 = tpu.memref_squeeze %dma_start3A_1051 : memref<1x16384xf32, #tpu.memory_space<vmem>> -> memref<16384xf32, #tpu.memory_space<vmem>>
      tpu.enqueue_dma source(%dma_start3A_1052 : memref<16384xf32, #tpu.memory_space<vmem>>) target(%dma_start3A_1049 : memref<16384xf32, #tpu.memory_space<hbm>>) target_semaphore(%arg13 : memref<!tpu.dma_semaphore, #tpu.memory_space<semaphore_mem>>)
    } else {
    }
    %convert_element_type3A_981 = arith.extui %lt3A_370 : i1 to i32
    %cond3A_982 = arith.constant 0 : i32
    %cond3A_983 = arith.cmpi ne, %convert_element_type3A_981, %cond3A_982 : i32
    scf.if %cond3A_983 {
      %dma_wait3A = arith.constant 1 : i32
      %dma_wait3A_1041 = arith.constant 0 : i32
      %dma_wait3A_1042 = tpu.memref_slice %arg6[%dma_wait3A, %dma_wait3A_1041] : memref<4x16384xf32, #tpu.memory_space<vmem>> -> memref<1x16384xf32, #tpu.memory_space<vmem>>
      %dma_wait3A_1043 = tpu.memref_squeeze %dma_wait3A_1042 : memref<1x16384xf32, #tpu.memory_space<vmem>> -> memref<16384xf32, #tpu.memory_space<vmem>>
      %dma_wait3A_1044 = arith.constant 0 : i32
      %dma_wait3A_1045 = tpu.memref_slice %arg4[%select_n3A_396, %sub3A_399, %dma_wait3A_1044] : memref<3x118x16384xf32, #tpu.memory_space<hbm>> -> memref<1x1x16384xf32, #tpu.memory_space<hbm>>
      %dma_wait3A_1046 = tpu.memref_squeeze %dma_wait3A_1045 : memref<1x1x16384xf32, #tpu.memory_space<hbm>> -> memref<16384xf32, #tpu.memory_space<hbm>>
      %dma_wait3A_1047 = arith.constant 0 : i32
      %dma_wait3A_1048 = tpu.memref_slice %arg4[%select_n3A_396, %sub3A_399, %dma_wait3A_1047] : memref<3x118x16384xf32, #tpu.memory_space<hbm>> -> memref<1x1x16384xf32, #tpu.memory_space<hbm>>
      %dma_wait3A_1049 = tpu.memref_squeeze %dma_wait3A_1048 : memref<1x1x16384xf32, #tpu.memory_space<hbm>> -> memref<16384xf32, #tpu.memory_space<hbm>>
      %dma_wait3A_1050 = arith.constant 0 : i32
      %dma_wait3A_1051 = tpu.memref_slice %arg6[%dma_wait3A, %dma_wait3A_1050] : memref<4x16384xf32, #tpu.memory_space<vmem>> -> memref<1x16384xf32, #tpu.memory_space<vmem>>
      %dma_wait3A_1052 = tpu.memref_squeeze %dma_wait3A_1051 : memref<1x16384xf32, #tpu.memory_space<vmem>> -> memref<16384xf32, #tpu.memory_space<vmem>>
      tpu.wait_dma2 semaphore(%arg12 : memref<!tpu.dma_semaphore, #tpu.memory_space<semaphore_mem>>) src(%dma_wait3A_1052 : memref<16384xf32, #tpu.memory_space<vmem>>) dst(%dma_wait3A_1049 : memref<16384xf32, #tpu.memory_space<hbm>>)
    } else {
    }
    %convert_element_type3A_984 = arith.extui %lt3A_674 : i1 to i32
    %cond3A_985 = arith.constant 0 : i32
    %cond3A_986 = arith.cmpi ne, %convert_element_type3A_984, %cond3A_985 : i32
    scf.if %cond3A_986 {
      %dma_start3A = arith.constant 1 : i32
      %dma_start3A_1041 = arith.constant 0 : i32
      %dma_start3A_1042 = tpu.memref_slice %arg6[%dma_start3A, %dma_start3A_1041] : memref<4x16384xf32, #tpu.memory_space<vmem>> -> memref<1x16384xf32, #tpu.memory_space<vmem>>
      %dma_start3A_1043 = tpu.memref_squeeze %dma_start3A_1042 : memref<1x16384xf32, #tpu.memory_space<vmem>> -> memref<16384xf32, #tpu.memory_space<vmem>>
      %dma_start3A_1044 = arith.constant 0 : i32
      %dma_start3A_1045 = tpu.memref_slice %arg2[%select_n3A_700, %reduce_max3A_746, %dma_start3A_1044] : memref<3x144x16384xf32, #tpu.memory_space<hbm>> -> memref<1x1x16384xf32, #tpu.memory_space<hbm>>
      %dma_start3A_1046 = tpu.memref_squeeze %dma_start3A_1045 : memref<1x1x16384xf32, #tpu.memory_space<hbm>> -> memref<16384xf32, #tpu.memory_space<hbm>>
      %dma_start3A_1047 = arith.constant 0 : i32
      %dma_start3A_1048 = tpu.memref_slice %arg6[%dma_start3A, %dma_start3A_1047] : memref<4x16384xf32, #tpu.memory_space<vmem>> -> memref<1x16384xf32, #tpu.memory_space<vmem>>
      %dma_start3A_1049 = tpu.memref_squeeze %dma_start3A_1048 : memref<1x16384xf32, #tpu.memory_space<vmem>> -> memref<16384xf32, #tpu.memory_space<vmem>>
      %dma_start3A_1050 = arith.constant 0 : i32
      %dma_start3A_1051 = tpu.memref_slice %arg2[%select_n3A_700, %reduce_max3A_746, %dma_start3A_1050] : memref<3x144x16384xf32, #tpu.memory_space<hbm>> -> memref<1x1x16384xf32, #tpu.memory_space<hbm>>
      %dma_start3A_1052 = tpu.memref_squeeze %dma_start3A_1051 : memref<1x1x16384xf32, #tpu.memory_space<hbm>> -> memref<16384xf32, #tpu.memory_space<hbm>>
      tpu.enqueue_dma source(%dma_start3A_1052 : memref<16384xf32, #tpu.memory_space<hbm>>) target(%dma_start3A_1049 : memref<16384xf32, #tpu.memory_space<vmem>>) target_semaphore(%arg8 : memref<!tpu.dma_semaphore, #tpu.memory_space<semaphore_mem>>)
    } else {
    }
    %convert_element_type3A_987 = arith.extui %lt3A_522 : i1 to i32
    %cond3A_988 = arith.constant 0 : i32
    %cond3A_989 = arith.cmpi ne, %convert_element_type3A_987, %cond3A_988 : i32
    scf.if %cond3A_989 {
      %dma_wait3A = arith.constant 3 : i32
      %dma_wait3A_1041 = arith.constant 0 : i32
      %dma_wait3A_1042 = tpu.memref_slice %arg6[%dma_wait3A, %dma_wait3A_1041] : memref<4x16384xf32, #tpu.memory_space<vmem>> -> memref<1x16384xf32, #tpu.memory_space<vmem>>
      %dma_wait3A_1043 = tpu.memref_squeeze %dma_wait3A_1042 : memref<1x16384xf32, #tpu.memory_space<vmem>> -> memref<16384xf32, #tpu.memory_space<vmem>>
      %dma_wait3A_1044 = arith.constant 0 : i32
      %dma_wait3A_1045 = tpu.memref_slice %arg2[%select_n3A_548, %reduce_max3A_594, %dma_wait3A_1044] : memref<3x144x16384xf32, #tpu.memory_space<hbm>> -> memref<1x1x16384xf32, #tpu.memory_space<hbm>>
      %dma_wait3A_1046 = tpu.memref_squeeze %dma_wait3A_1045 : memref<1x1x16384xf32, #tpu.memory_space<hbm>> -> memref<16384xf32, #tpu.memory_space<hbm>>
      %dma_wait3A_1047 = arith.constant 0 : i32
      %dma_wait3A_1048 = tpu.memref_slice %arg6[%dma_wait3A, %dma_wait3A_1047] : memref<4x16384xf32, #tpu.memory_space<vmem>> -> memref<1x16384xf32, #tpu.memory_space<vmem>>
      %dma_wait3A_1049 = tpu.memref_squeeze %dma_wait3A_1048 : memref<1x16384xf32, #tpu.memory_space<vmem>> -> memref<16384xf32, #tpu.memory_space<vmem>>
      %dma_wait3A_1050 = arith.constant 0 : i32
      %dma_wait3A_1051 = tpu.memref_slice %arg2[%select_n3A_548, %reduce_max3A_594, %dma_wait3A_1050] : memref<3x144x16384xf32, #tpu.memory_space<hbm>> -> memref<1x1x16384xf32, #tpu.memory_space<hbm>>
      %dma_wait3A_1052 = tpu.memref_squeeze %dma_wait3A_1051 : memref<1x1x16384xf32, #tpu.memory_space<hbm>> -> memref<16384xf32, #tpu.memory_space<hbm>>
      tpu.wait_dma2 semaphore(%arg10 : memref<!tpu.dma_semaphore, #tpu.memory_space<semaphore_mem>>) src(%dma_wait3A_1052 : memref<16384xf32, #tpu.memory_space<hbm>>) dst(%dma_wait3A_1049 : memref<16384xf32, #tpu.memory_space<vmem>>)
    } else {
    }
    %convert_element_type3A_990 = arith.extui %lt3A_522 : i1 to i32
    %cond3A_991 = arith.constant 0 : i32
    %cond3A_992 = arith.cmpi ne, %convert_element_type3A_990, %cond3A_991 : i32
    scf.if %cond3A_992 {
      %dma_start3A = arith.constant 3 : i32
      %dma_start3A_1041 = arith.constant 0 : i32
      %dma_start3A_1042 = tpu.memref_slice %arg6[%dma_start3A, %dma_start3A_1041] : memref<4x16384xf32, #tpu.memory_space<vmem>> -> memref<1x16384xf32, #tpu.memory_space<vmem>>
      %dma_start3A_1043 = tpu.memref_squeeze %dma_start3A_1042 : memref<1x16384xf32, #tpu.memory_space<vmem>> -> memref<16384xf32, #tpu.memory_space<vmem>>
      %dma_start3A_1044 = arith.constant 0 : i32
      %dma_start3A_1045 = tpu.memref_slice %arg4[%select_n3A_548, %sub3A_551, %dma_start3A_1044] : memref<3x118x16384xf32, #tpu.memory_space<hbm>> -> memref<1x1x16384xf32, #tpu.memory_space<hbm>>
      %dma_start3A_1046 = tpu.memref_squeeze %dma_start3A_1045 : memref<1x1x16384xf32, #tpu.memory_space<hbm>> -> memref<16384xf32, #tpu.memory_space<hbm>>
      %dma_start3A_1047 = arith.constant 0 : i32
      %dma_start3A_1048 = tpu.memref_slice %arg4[%select_n3A_548, %sub3A_551, %dma_start3A_1047] : memref<3x118x16384xf32, #tpu.memory_space<hbm>> -> memref<1x1x16384xf32, #tpu.memory_space<hbm>>
      %dma_start3A_1049 = tpu.memref_squeeze %dma_start3A_1048 : memref<1x1x16384xf32, #tpu.memory_space<hbm>> -> memref<16384xf32, #tpu.memory_space<hbm>>
      %dma_start3A_1050 = arith.constant 0 : i32
      %dma_start3A_1051 = tpu.memref_slice %arg6[%dma_start3A, %dma_start3A_1050] : memref<4x16384xf32, #tpu.memory_space<vmem>> -> memref<1x16384xf32, #tpu.memory_space<vmem>>
      %dma_start3A_1052 = tpu.memref_squeeze %dma_start3A_1051 : memref<1x16384xf32, #tpu.memory_space<vmem>> -> memref<16384xf32, #tpu.memory_space<vmem>>
      tpu.enqueue_dma source(%dma_start3A_1052 : memref<16384xf32, #tpu.memory_space<vmem>>) target(%dma_start3A_1049 : memref<16384xf32, #tpu.memory_space<hbm>>) target_semaphore(%arg14 : memref<!tpu.dma_semaphore, #tpu.memory_space<semaphore_mem>>)
    } else {
    }
    %convert_element_type3A_993 = arith.extui %lt3A_446 : i1 to i32
    %cond3A_994 = arith.constant 0 : i32
    %cond3A_995 = arith.cmpi ne, %convert_element_type3A_993, %cond3A_994 : i32
    scf.if %cond3A_995 {
      %dma_wait3A = arith.constant 2 : i32
      %dma_wait3A_1041 = arith.constant 0 : i32
      %dma_wait3A_1042 = tpu.memref_slice %arg6[%dma_wait3A, %dma_wait3A_1041] : memref<4x16384xf32, #tpu.memory_space<vmem>> -> memref<1x16384xf32, #tpu.memory_space<vmem>>
      %dma_wait3A_1043 = tpu.memref_squeeze %dma_wait3A_1042 : memref<1x16384xf32, #tpu.memory_space<vmem>> -> memref<16384xf32, #tpu.memory_space<vmem>>
      %dma_wait3A_1044 = arith.constant 0 : i32
      %dma_wait3A_1045 = tpu.memref_slice %arg4[%select_n3A_472, %sub3A_475, %dma_wait3A_1044] : memref<3x118x16384xf32, #tpu.memory_space<hbm>> -> memref<1x1x16384xf32, #tpu.memory_space<hbm>>
      %dma_wait3A_1046 = tpu.memref_squeeze %dma_wait3A_1045 : memref<1x1x16384xf32, #tpu.memory_space<hbm>> -> memref<16384xf32, #tpu.memory_space<hbm>>
      %dma_wait3A_1047 = arith.constant 0 : i32
      %dma_wait3A_1048 = tpu.memref_slice %arg4[%select_n3A_472, %sub3A_475, %dma_wait3A_1047] : memref<3x118x16384xf32, #tpu.memory_space<hbm>> -> memref<1x1x16384xf32, #tpu.memory_space<hbm>>
      %dma_wait3A_1049 = tpu.memref_squeeze %dma_wait3A_1048 : memref<1x1x16384xf32, #tpu.memory_space<hbm>> -> memref<16384xf32, #tpu.memory_space<hbm>>
      %dma_wait3A_1050 = arith.constant 0 : i32
      %dma_wait3A_1051 = tpu.memref_slice %arg6[%dma_wait3A, %dma_wait3A_1050] : memref<4x16384xf32, #tpu.memory_space<vmem>> -> memref<1x16384xf32, #tpu.memory_space<vmem>>
      %dma_wait3A_1052 = tpu.memref_squeeze %dma_wait3A_1051 : memref<1x16384xf32, #tpu.memory_space<vmem>> -> memref<16384xf32, #tpu.memory_space<vmem>>
      tpu.wait_dma2 semaphore(%arg13 : memref<!tpu.dma_semaphore, #tpu.memory_space<semaphore_mem>>) src(%dma_wait3A_1052 : memref<16384xf32, #tpu.memory_space<vmem>>) dst(%dma_wait3A_1049 : memref<16384xf32, #tpu.memory_space<hbm>>)
    } else {
    }
    %convert_element_type3A_996 = arith.extui %lt3A_750 : i1 to i32
    %cond3A_997 = arith.constant 0 : i32
    %cond3A_998 = arith.cmpi ne, %convert_element_type3A_996, %cond3A_997 : i32
    scf.if %cond3A_998 {
      %dma_start3A = arith.constant 2 : i32
      %dma_start3A_1041 = arith.constant 0 : i32
      %dma_start3A_1042 = tpu.memref_slice %arg6[%dma_start3A, %dma_start3A_1041] : memref<4x16384xf32, #tpu.memory_space<vmem>> -> memref<1x16384xf32, #tpu.memory_space<vmem>>
      %dma_start3A_1043 = tpu.memref_squeeze %dma_start3A_1042 : memref<1x16384xf32, #tpu.memory_space<vmem>> -> memref<16384xf32, #tpu.memory_space<vmem>>
      %dma_start3A_1044 = arith.constant 0 : i32
      %dma_start3A_1045 = tpu.memref_slice %arg2[%select_n3A_776, %reduce_max3A_822, %dma_start3A_1044] : memref<3x144x16384xf32, #tpu.memory_space<hbm>> -> memref<1x1x16384xf32, #tpu.memory_space<hbm>>
      %dma_start3A_1046 = tpu.memref_squeeze %dma_start3A_1045 : memref<1x1x16384xf32, #tpu.memory_space<hbm>> -> memref<16384xf32, #tpu.memory_space<hbm>>
      %dma_start3A_1047 = arith.constant 0 : i32
      %dma_start3A_1048 = tpu.memref_slice %arg6[%dma_start3A, %dma_start3A_1047] : memref<4x16384xf32, #tpu.memory_space<vmem>> -> memref<1x16384xf32, #tpu.memory_space<vmem>>
      %dma_start3A_1049 = tpu.memref_squeeze %dma_start3A_1048 : memref<1x16384xf32, #tpu.memory_space<vmem>> -> memref<16384xf32, #tpu.memory_space<vmem>>
      %dma_start3A_1050 = arith.constant 0 : i32
      %dma_start3A_1051 = tpu.memref_slice %arg2[%select_n3A_776, %reduce_max3A_822, %dma_start3A_1050] : memref<3x144x16384xf32, #tpu.memory_space<hbm>> -> memref<1x1x16384xf32, #tpu.memory_space<hbm>>
      %dma_start3A_1052 = tpu.memref_squeeze %dma_start3A_1051 : memref<1x1x16384xf32, #tpu.memory_space<hbm>> -> memref<16384xf32, #tpu.memory_space<hbm>>
      tpu.enqueue_dma source(%dma_start3A_1052 : memref<16384xf32, #tpu.memory_space<hbm>>) target(%dma_start3A_1049 : memref<16384xf32, #tpu.memory_space<vmem>>) target_semaphore(%arg9 : memref<!tpu.dma_semaphore, #tpu.memory_space<semaphore_mem>>)
    } else {
    }
    %convert_element_type3A_999 = arith.extui %lt3A_598 : i1 to i32
    %cond3A_1000 = arith.constant 0 : i32
    %cond3A_1001 = arith.cmpi ne, %convert_element_type3A_999, %cond3A_1000 : i32
    scf.if %cond3A_1001 {
      %dma_wait3A = arith.constant 0 : i32
      %dma_wait3A_1041 = arith.constant 0 : i32
      %dma_wait3A_1042 = tpu.memref_slice %arg6[%dma_wait3A, %dma_wait3A_1041] : memref<4x16384xf32, #tpu.memory_space<vmem>> -> memref<1x16384xf32, #tpu.memory_space<vmem>>
      %dma_wait3A_1043 = tpu.memref_squeeze %dma_wait3A_1042 : memref<1x16384xf32, #tpu.memory_space<vmem>> -> memref<16384xf32, #tpu.memory_space<vmem>>
      %dma_wait3A_1044 = arith.constant 0 : i32
      %dma_wait3A_1045 = tpu.memref_slice %arg2[%select_n3A_624, %reduce_max3A_670, %dma_wait3A_1044] : memref<3x144x16384xf32, #tpu.memory_space<hbm>> -> memref<1x1x16384xf32, #tpu.memory_space<hbm>>
      %dma_wait3A_1046 = tpu.memref_squeeze %dma_wait3A_1045 : memref<1x1x16384xf32, #tpu.memory_space<hbm>> -> memref<16384xf32, #tpu.memory_space<hbm>>
      %dma_wait3A_1047 = arith.constant 0 : i32
      %dma_wait3A_1048 = tpu.memref_slice %arg6[%dma_wait3A, %dma_wait3A_1047] : memref<4x16384xf32, #tpu.memory_space<vmem>> -> memref<1x16384xf32, #tpu.memory_space<vmem>>
      %dma_wait3A_1049 = tpu.memref_squeeze %dma_wait3A_1048 : memref<1x16384xf32, #tpu.memory_space<vmem>> -> memref<16384xf32, #tpu.memory_space<vmem>>
      %dma_wait3A_1050 = arith.constant 0 : i32
      %dma_wait3A_1051 = tpu.memref_slice %arg2[%select_n3A_624, %reduce_max3A_670, %dma_wait3A_1050] : memref<3x144x16384xf32, #tpu.memory_space<hbm>> -> memref<1x1x16384xf32, #tpu.memory_space<hbm>>
      %dma_wait3A_1052 = tpu.memref_squeeze %dma_wait3A_1051 : memref<1x1x16384xf32, #tpu.memory_space<hbm>> -> memref<16384xf32, #tpu.memory_space<hbm>>
      tpu.wait_dma2 semaphore(%arg7 : memref<!tpu.dma_semaphore, #tpu.memory_space<semaphore_mem>>) src(%dma_wait3A_1052 : memref<16384xf32, #tpu.memory_space<hbm>>) dst(%dma_wait3A_1049 : memref<16384xf32, #tpu.memory_space<vmem>>)
    } else {
    }
    %convert_element_type3A_1002 = arith.extui %lt3A_598 : i1 to i32
    %cond3A_1003 = arith.constant 0 : i32
    %cond3A_1004 = arith.cmpi ne, %convert_element_type3A_1002, %cond3A_1003 : i32
    scf.if %cond3A_1004 {
      %dma_start3A = arith.constant 0 : i32
      %dma_start3A_1041 = arith.constant 0 : i32
      %dma_start3A_1042 = tpu.memref_slice %arg6[%dma_start3A, %dma_start3A_1041] : memref<4x16384xf32, #tpu.memory_space<vmem>> -> memref<1x16384xf32, #tpu.memory_space<vmem>>
      %dma_start3A_1043 = tpu.memref_squeeze %dma_start3A_1042 : memref<1x16384xf32, #tpu.memory_space<vmem>> -> memref<16384xf32, #tpu.memory_space<vmem>>
      %dma_start3A_1044 = arith.constant 0 : i32
      %dma_start3A_1045 = tpu.memref_slice %arg4[%select_n3A_624, %sub3A_627, %dma_start3A_1044] : memref<3x118x16384xf32, #tpu.memory_space<hbm>> -> memref<1x1x16384xf32, #tpu.memory_space<hbm>>
      %dma_start3A_1046 = tpu.memref_squeeze %dma_start3A_1045 : memref<1x1x16384xf32, #tpu.memory_space<hbm>> -> memref<16384xf32, #tpu.memory_space<hbm>>
      %dma_start3A_1047 = arith.constant 0 : i32
      %dma_start3A_1048 = tpu.memref_slice %arg4[%select_n3A_624, %sub3A_627, %dma_start3A_1047] : memref<3x118x16384xf32, #tpu.memory_space<hbm>> -> memref<1x1x16384xf32, #tpu.memory_space<hbm>>
      %dma_start3A_1049 = tpu.memref_squeeze %dma_start3A_1048 : memref<1x1x16384xf32, #tpu.memory_space<hbm>> -> memref<16384xf32, #tpu.memory_space<hbm>>
      %dma_start3A_1050 = arith.constant 0 : i32
      %dma_start3A_1051 = tpu.memref_slice %arg6[%dma_start3A, %dma_start3A_1050] : memref<4x16384xf32, #tpu.memory_space<vmem>> -> memref<1x16384xf32, #tpu.memory_space<vmem>>
      %dma_start3A_1052 = tpu.memref_squeeze %dma_start3A_1051 : memref<1x16384xf32, #tpu.memory_space<vmem>> -> memref<16384xf32, #tpu.memory_space<vmem>>
      tpu.enqueue_dma source(%dma_start3A_1052 : memref<16384xf32, #tpu.memory_space<vmem>>) target(%dma_start3A_1049 : memref<16384xf32, #tpu.memory_space<hbm>>) target_semaphore(%arg11 : memref<!tpu.dma_semaphore, #tpu.memory_space<semaphore_mem>>)
    } else {
    }
    %convert_element_type3A_1005 = arith.extui %lt3A_522 : i1 to i32
    %cond3A_1006 = arith.constant 0 : i32
    %cond3A_1007 = arith.cmpi ne, %convert_element_type3A_1005, %cond3A_1006 : i32
    scf.if %cond3A_1007 {
      %dma_wait3A = arith.constant 3 : i32
      %dma_wait3A_1041 = arith.constant 0 : i32
      %dma_wait3A_1042 = tpu.memref_slice %arg6[%dma_wait3A, %dma_wait3A_1041] : memref<4x16384xf32, #tpu.memory_space<vmem>> -> memref<1x16384xf32, #tpu.memory_space<vmem>>
      %dma_wait3A_1043 = tpu.memref_squeeze %dma_wait3A_1042 : memref<1x16384xf32, #tpu.memory_space<vmem>> -> memref<16384xf32, #tpu.memory_space<vmem>>
      %dma_wait3A_1044 = arith.constant 0 : i32
      %dma_wait3A_1045 = tpu.memref_slice %arg4[%select_n3A_548, %sub3A_551, %dma_wait3A_1044] : memref<3x118x16384xf32, #tpu.memory_space<hbm>> -> memref<1x1x16384xf32, #tpu.memory_space<hbm>>
      %dma_wait3A_1046 = tpu.memref_squeeze %dma_wait3A_1045 : memref<1x1x16384xf32, #tpu.memory_space<hbm>> -> memref<16384xf32, #tpu.memory_space<hbm>>
      %dma_wait3A_1047 = arith.constant 0 : i32
      %dma_wait3A_1048 = tpu.memref_slice %arg4[%select_n3A_548, %sub3A_551, %dma_wait3A_1047] : memref<3x118x16384xf32, #tpu.memory_space<hbm>> -> memref<1x1x16384xf32, #tpu.memory_space<hbm>>
      %dma_wait3A_1049 = tpu.memref_squeeze %dma_wait3A_1048 : memref<1x1x16384xf32, #tpu.memory_space<hbm>> -> memref<16384xf32, #tpu.memory_space<hbm>>
      %dma_wait3A_1050 = arith.constant 0 : i32
      %dma_wait3A_1051 = tpu.memref_slice %arg6[%dma_wait3A, %dma_wait3A_1050] : memref<4x16384xf32, #tpu.memory_space<vmem>> -> memref<1x16384xf32, #tpu.memory_space<vmem>>
      %dma_wait3A_1052 = tpu.memref_squeeze %dma_wait3A_1051 : memref<1x16384xf32, #tpu.memory_space<vmem>> -> memref<16384xf32, #tpu.memory_space<vmem>>
      tpu.wait_dma2 semaphore(%arg14 : memref<!tpu.dma_semaphore, #tpu.memory_space<semaphore_mem>>) src(%dma_wait3A_1052 : memref<16384xf32, #tpu.memory_space<vmem>>) dst(%dma_wait3A_1049 : memref<16384xf32, #tpu.memory_space<hbm>>)
    } else {
    }
    %convert_element_type3A_1008 = arith.extui %lt3A_826 : i1 to i32
    %cond3A_1009 = arith.constant 0 : i32
    %cond3A_1010 = arith.cmpi ne, %convert_element_type3A_1008, %cond3A_1009 : i32
    scf.if %cond3A_1010 {
      %dma_start3A = arith.constant 3 : i32
      %dma_start3A_1041 = arith.constant 0 : i32
      %dma_start3A_1042 = tpu.memref_slice %arg6[%dma_start3A, %dma_start3A_1041] : memref<4x16384xf32, #tpu.memory_space<vmem>> -> memref<1x16384xf32, #tpu.memory_space<vmem>>
      %dma_start3A_1043 = tpu.memref_squeeze %dma_start3A_1042 : memref<1x16384xf32, #tpu.memory_space<vmem>> -> memref<16384xf32, #tpu.memory_space<vmem>>
      %dma_start3A_1044 = arith.constant 0 : i32
      %dma_start3A_1045 = tpu.memref_slice %arg2[%select_n3A_852, %reduce_max3A_898, %dma_start3A_1044] : memref<3x144x16384xf32, #tpu.memory_space<hbm>> -> memref<1x1x16384xf32, #tpu.memory_space<hbm>>
      %dma_start3A_1046 = tpu.memref_squeeze %dma_start3A_1045 : memref<1x1x16384xf32, #tpu.memory_space<hbm>> -> memref<16384xf32, #tpu.memory_space<hbm>>
      %dma_start3A_1047 = arith.constant 0 : i32
      %dma_start3A_1048 = tpu.memref_slice %arg6[%dma_start3A, %dma_start3A_1047] : memref<4x16384xf32, #tpu.memory_space<vmem>> -> memref<1x16384xf32, #tpu.memory_space<vmem>>
      %dma_start3A_1049 = tpu.memref_squeeze %dma_start3A_1048 : memref<1x16384xf32, #tpu.memory_space<vmem>> -> memref<16384xf32, #tpu.memory_space<vmem>>
      %dma_start3A_1050 = arith.constant 0 : i32
      %dma_start3A_1051 = tpu.memref_slice %arg2[%select_n3A_852, %reduce_max3A_898, %dma_start3A_1050] : memref<3x144x16384xf32, #tpu.memory_space<hbm>> -> memref<1x1x16384xf32, #tpu.memory_space<hbm>>
      %dma_start3A_1052 = tpu.memref_squeeze %dma_start3A_1051 : memref<1x1x16384xf32, #tpu.memory_space<hbm>> -> memref<16384xf32, #tpu.memory_space<hbm>>
      tpu.enqueue_dma source(%dma_start3A_1052 : memref<16384xf32, #tpu.memory_space<hbm>>) target(%dma_start3A_1049 : memref<16384xf32, #tpu.memory_space<vmem>>) target_semaphore(%arg10 : memref<!tpu.dma_semaphore, #tpu.memory_space<semaphore_mem>>)
    } else {
    }
    %convert_element_type3A_1011 = arith.extui %lt3A_674 : i1 to i32
    %cond3A_1012 = arith.constant 0 : i32
    %cond3A_1013 = arith.cmpi ne, %convert_element_type3A_1011, %cond3A_1012 : i32
    scf.if %cond3A_1013 {
      %dma_wait3A = arith.constant 1 : i32
      %dma_wait3A_1041 = arith.constant 0 : i32
      %dma_wait3A_1042 = tpu.memref_slice %arg6[%dma_wait3A, %dma_wait3A_1041] : memref<4x16384xf32, #tpu.memory_space<vmem>> -> memref<1x16384xf32, #tpu.memory_space<vmem>>
      %dma_wait3A_1043 = tpu.memref_squeeze %dma_wait3A_1042 : memref<1x16384xf32, #tpu.memory_space<vmem>> -> memref<16384xf32, #tpu.memory_space<vmem>>
      %dma_wait3A_1044 = arith.constant 0 : i32
      %dma_wait3A_1045 = tpu.memref_slice %arg2[%select_n3A_700, %reduce_max3A_746, %dma_wait3A_1044] : memref<3x144x16384xf32, #tpu.memory_space<hbm>> -> memref<1x1x16384xf32, #tpu.memory_space<hbm>>
      %dma_wait3A_1046 = tpu.memref_squeeze %dma_wait3A_1045 : memref<1x1x16384xf32, #tpu.memory_space<hbm>> -> memref<16384xf32, #tpu.memory_space<hbm>>
      %dma_wait3A_1047 = arith.constant 0 : i32
      %dma_wait3A_1048 = tpu.memref_slice %arg6[%dma_wait3A, %dma_wait3A_1047] : memref<4x16384xf32, #tpu.memory_space<vmem>> -> memref<1x16384xf32, #tpu.memory_space<vmem>>
      %dma_wait3A_1049 = tpu.memref_squeeze %dma_wait3A_1048 : memref<1x16384xf32, #tpu.memory_space<vmem>> -> memref<16384xf32, #tpu.memory_space<vmem>>
      %dma_wait3A_1050 = arith.constant 0 : i32
      %dma_wait3A_1051 = tpu.memref_slice %arg2[%select_n3A_700, %reduce_max3A_746, %dma_wait3A_1050] : memref<3x144x16384xf32, #tpu.memory_space<hbm>> -> memref<1x1x16384xf32, #tpu.memory_space<hbm>>
      %dma_wait3A_1052 = tpu.memref_squeeze %dma_wait3A_1051 : memref<1x1x16384xf32, #tpu.memory_space<hbm>> -> memref<16384xf32, #tpu.memory_space<hbm>>
      tpu.wait_dma2 semaphore(%arg8 : memref<!tpu.dma_semaphore, #tpu.memory_space<semaphore_mem>>) src(%dma_wait3A_1052 : memref<16384xf32, #tpu.memory_space<hbm>>) dst(%dma_wait3A_1049 : memref<16384xf32, #tpu.memory_space<vmem>>)
    } else {
    }
    %convert_element_type3A_1014 = arith.extui %lt3A_674 : i1 to i32
    %cond3A_1015 = arith.constant 0 : i32
    %cond3A_1016 = arith.cmpi ne, %convert_element_type3A_1014, %cond3A_1015 : i32
    scf.if %cond3A_1016 {
      %dma_start3A = arith.constant 1 : i32
      %dma_start3A_1041 = arith.constant 0 : i32
      %dma_start3A_1042 = tpu.memref_slice %arg6[%dma_start3A, %dma_start3A_1041] : memref<4x16384xf32, #tpu.memory_space<vmem>> -> memref<1x16384xf32, #tpu.memory_space<vmem>>
      %dma_start3A_1043 = tpu.memref_squeeze %dma_start3A_1042 : memref<1x16384xf32, #tpu.memory_space<vmem>> -> memref<16384xf32, #tpu.memory_space<vmem>>
      %dma_start3A_1044 = arith.constant 0 : i32
      %dma_start3A_1045 = tpu.memref_slice %arg4[%select_n3A_700, %sub3A_703, %dma_start3A_1044] : memref<3x118x16384xf32, #tpu.memory_space<hbm>> -> memref<1x1x16384xf32, #tpu.memory_space<hbm>>
      %dma_start3A_1046 = tpu.memref_squeeze %dma_start3A_1045 : memref<1x1x16384xf32, #tpu.memory_space<hbm>> -> memref<16384xf32, #tpu.memory_space<hbm>>
      %dma_start3A_1047 = arith.constant 0 : i32
      %dma_start3A_1048 = tpu.memref_slice %arg4[%select_n3A_700, %sub3A_703, %dma_start3A_1047] : memref<3x118x16384xf32, #tpu.memory_space<hbm>> -> memref<1x1x16384xf32, #tpu.memory_space<hbm>>
      %dma_start3A_1049 = tpu.memref_squeeze %dma_start3A_1048 : memref<1x1x16384xf32, #tpu.memory_space<hbm>> -> memref<16384xf32, #tpu.memory_space<hbm>>
      %dma_start3A_1050 = arith.constant 0 : i32
      %dma_start3A_1051 = tpu.memref_slice %arg6[%dma_start3A, %dma_start3A_1050] : memref<4x16384xf32, #tpu.memory_space<vmem>> -> memref<1x16384xf32, #tpu.memory_space<vmem>>
      %dma_start3A_1052 = tpu.memref_squeeze %dma_start3A_1051 : memref<1x16384xf32, #tpu.memory_space<vmem>> -> memref<16384xf32, #tpu.memory_space<vmem>>
      tpu.enqueue_dma source(%dma_start3A_1052 : memref<16384xf32, #tpu.memory_space<vmem>>) target(%dma_start3A_1049 : memref<16384xf32, #tpu.memory_space<hbm>>) target_semaphore(%arg12 : memref<!tpu.dma_semaphore, #tpu.memory_space<semaphore_mem>>)
    } else {
    }
    %convert_element_type3A_1017 = arith.extui %lt3A_750 : i1 to i32
    %cond3A_1018 = arith.constant 0 : i32
    %cond3A_1019 = arith.cmpi ne, %convert_element_type3A_1017, %cond3A_1018 : i32
    scf.if %cond3A_1019 {
      %dma_wait3A = arith.constant 2 : i32
      %dma_wait3A_1041 = arith.constant 0 : i32
      %dma_wait3A_1042 = tpu.memref_slice %arg6[%dma_wait3A, %dma_wait3A_1041] : memref<4x16384xf32, #tpu.memory_space<vmem>> -> memref<1x16384xf32, #tpu.memory_space<vmem>>
      %dma_wait3A_1043 = tpu.memref_squeeze %dma_wait3A_1042 : memref<1x16384xf32, #tpu.memory_space<vmem>> -> memref<16384xf32, #tpu.memory_space<vmem>>
      %dma_wait3A_1044 = arith.constant 0 : i32
      %dma_wait3A_1045 = tpu.memref_slice %arg2[%select_n3A_776, %reduce_max3A_822, %dma_wait3A_1044] : memref<3x144x16384xf32, #tpu.memory_space<hbm>> -> memref<1x1x16384xf32, #tpu.memory_space<hbm>>
      %dma_wait3A_1046 = tpu.memref_squeeze %dma_wait3A_1045 : memref<1x1x16384xf32, #tpu.memory_space<hbm>> -> memref<16384xf32, #tpu.memory_space<hbm>>
      %dma_wait3A_1047 = arith.constant 0 : i32
      %dma_wait3A_1048 = tpu.memref_slice %arg6[%dma_wait3A, %dma_wait3A_1047] : memref<4x16384xf32, #tpu.memory_space<vmem>> -> memref<1x16384xf32, #tpu.memory_space<vmem>>
      %dma_wait3A_1049 = tpu.memref_squeeze %dma_wait3A_1048 : memref<1x16384xf32, #tpu.memory_space<vmem>> -> memref<16384xf32, #tpu.memory_space<vmem>>
      %dma_wait3A_1050 = arith.constant 0 : i32
      %dma_wait3A_1051 = tpu.memref_slice %arg2[%select_n3A_776, %reduce_max3A_822, %dma_wait3A_1050] : memref<3x144x16384xf32, #tpu.memory_space<hbm>> -> memref<1x1x16384xf32, #tpu.memory_space<hbm>>
      %dma_wait3A_1052 = tpu.memref_squeeze %dma_wait3A_1051 : memref<1x1x16384xf32, #tpu.memory_space<hbm>> -> memref<16384xf32, #tpu.memory_space<hbm>>
      tpu.wait_dma2 semaphore(%arg9 : memref<!tpu.dma_semaphore, #tpu.memory_space<semaphore_mem>>) src(%dma_wait3A_1052 : memref<16384xf32, #tpu.memory_space<hbm>>) dst(%dma_wait3A_1049 : memref<16384xf32, #tpu.memory_space<vmem>>)
    } else {
    }
    %convert_element_type3A_1020 = arith.extui %lt3A_750 : i1 to i32
    %cond3A_1021 = arith.constant 0 : i32
    %cond3A_1022 = arith.cmpi ne, %convert_element_type3A_1020, %cond3A_1021 : i32
    scf.if %cond3A_1022 {
      %dma_start3A = arith.constant 2 : i32
      %dma_start3A_1041 = arith.constant 0 : i32
      %dma_start3A_1042 = tpu.memref_slice %arg6[%dma_start3A, %dma_start3A_1041] : memref<4x16384xf32, #tpu.memory_space<vmem>> -> memref<1x16384xf32, #tpu.memory_space<vmem>>
      %dma_start3A_1043 = tpu.memref_squeeze %dma_start3A_1042 : memref<1x16384xf32, #tpu.memory_space<vmem>> -> memref<16384xf32, #tpu.memory_space<vmem>>
      %dma_start3A_1044 = arith.constant 0 : i32
      %dma_start3A_1045 = tpu.memref_slice %arg4[%select_n3A_776, %sub3A_779, %dma_start3A_1044] : memref<3x118x16384xf32, #tpu.memory_space<hbm>> -> memref<1x1x16384xf32, #tpu.memory_space<hbm>>
      %dma_start3A_1046 = tpu.memref_squeeze %dma_start3A_1045 : memref<1x1x16384xf32, #tpu.memory_space<hbm>> -> memref<16384xf32, #tpu.memory_space<hbm>>
      %dma_start3A_1047 = arith.constant 0 : i32
      %dma_start3A_1048 = tpu.memref_slice %arg4[%select_n3A_776, %sub3A_779, %dma_start3A_1047] : memref<3x118x16384xf32, #tpu.memory_space<hbm>> -> memref<1x1x16384xf32, #tpu.memory_space<hbm>>
      %dma_start3A_1049 = tpu.memref_squeeze %dma_start3A_1048 : memref<1x1x16384xf32, #tpu.memory_space<hbm>> -> memref<16384xf32, #tpu.memory_space<hbm>>
      %dma_start3A_1050 = arith.constant 0 : i32
      %dma_start3A_1051 = tpu.memref_slice %arg6[%dma_start3A, %dma_start3A_1050] : memref<4x16384xf32, #tpu.memory_space<vmem>> -> memref<1x16384xf32, #tpu.memory_space<vmem>>
      %dma_start3A_1052 = tpu.memref_squeeze %dma_start3A_1051 : memref<1x16384xf32, #tpu.memory_space<vmem>> -> memref<16384xf32, #tpu.memory_space<vmem>>
      tpu.enqueue_dma source(%dma_start3A_1052 : memref<16384xf32, #tpu.memory_space<vmem>>) target(%dma_start3A_1049 : memref<16384xf32, #tpu.memory_space<hbm>>) target_semaphore(%arg13 : memref<!tpu.dma_semaphore, #tpu.memory_space<semaphore_mem>>)
    } else {
    }
    %convert_element_type3A_1023 = arith.extui %lt3A_826 : i1 to i32
    %cond3A_1024 = arith.constant 0 : i32
    %cond3A_1025 = arith.cmpi ne, %convert_element_type3A_1023, %cond3A_1024 : i32
    scf.if %cond3A_1025 {
      %dma_wait3A = arith.constant 3 : i32
      %dma_wait3A_1041 = arith.constant 0 : i32
      %dma_wait3A_1042 = tpu.memref_slice %arg6[%dma_wait3A, %dma_wait3A_1041] : memref<4x16384xf32, #tpu.memory_space<vmem>> -> memref<1x16384xf32, #tpu.memory_space<vmem>>
      %dma_wait3A_1043 = tpu.memref_squeeze %dma_wait3A_1042 : memref<1x16384xf32, #tpu.memory_space<vmem>> -> memref<16384xf32, #tpu.memory_space<vmem>>
      %dma_wait3A_1044 = arith.constant 0 : i32
      %dma_wait3A_1045 = tpu.memref_slice %arg2[%select_n3A_852, %reduce_max3A_898, %dma_wait3A_1044] : memref<3x144x16384xf32, #tpu.memory_space<hbm>> -> memref<1x1x16384xf32, #tpu.memory_space<hbm>>
      %dma_wait3A_1046 = tpu.memref_squeeze %dma_wait3A_1045 : memref<1x1x16384xf32, #tpu.memory_space<hbm>> -> memref<16384xf32, #tpu.memory_space<hbm>>
      %dma_wait3A_1047 = arith.constant 0 : i32
      %dma_wait3A_1048 = tpu.memref_slice %arg6[%dma_wait3A, %dma_wait3A_1047] : memref<4x16384xf32, #tpu.memory_space<vmem>> -> memref<1x16384xf32, #tpu.memory_space<vmem>>
      %dma_wait3A_1049 = tpu.memref_squeeze %dma_wait3A_1048 : memref<1x16384xf32, #tpu.memory_space<vmem>> -> memref<16384xf32, #tpu.memory_space<vmem>>
      %dma_wait3A_1050 = arith.constant 0 : i32
      %dma_wait3A_1051 = tpu.memref_slice %arg2[%select_n3A_852, %reduce_max3A_898, %dma_wait3A_1050] : memref<3x144x16384xf32, #tpu.memory_space<hbm>> -> memref<1x1x16384xf32, #tpu.memory_space<hbm>>
      %dma_wait3A_1052 = tpu.memref_squeeze %dma_wait3A_1051 : memref<1x1x16384xf32, #tpu.memory_space<hbm>> -> memref<16384xf32, #tpu.memory_space<hbm>>
      tpu.wait_dma2 semaphore(%arg10 : memref<!tpu.dma_semaphore, #tpu.memory_space<semaphore_mem>>) src(%dma_wait3A_1052 : memref<16384xf32, #tpu.memory_space<hbm>>) dst(%dma_wait3A_1049 : memref<16384xf32, #tpu.memory_space<vmem>>)
    } else {
    }
    %convert_element_type3A_1026 = arith.extui %lt3A_826 : i1 to i32
    %cond3A_1027 = arith.constant 0 : i32
    %cond3A_1028 = arith.cmpi ne, %convert_element_type3A_1026, %cond3A_1027 : i32
    scf.if %cond3A_1028 {
      %dma_start3A = arith.constant 3 : i32
      %dma_start3A_1041 = arith.constant 0 : i32
      %dma_start3A_1042 = tpu.memref_slice %arg6[%dma_start3A, %dma_start3A_1041] : memref<4x16384xf32, #tpu.memory_space<vmem>> -> memref<1x16384xf32, #tpu.memory_space<vmem>>
      %dma_start3A_1043 = tpu.memref_squeeze %dma_start3A_1042 : memref<1x16384xf32, #tpu.memory_space<vmem>> -> memref<16384xf32, #tpu.memory_space<vmem>>
      %dma_start3A_1044 = arith.constant 0 : i32
      %dma_start3A_1045 = tpu.memref_slice %arg4[%select_n3A_852, %sub3A_855, %dma_start3A_1044] : memref<3x118x16384xf32, #tpu.memory_space<hbm>> -> memref<1x1x16384xf32, #tpu.memory_space<hbm>>
      %dma_start3A_1046 = tpu.memref_squeeze %dma_start3A_1045 : memref<1x1x16384xf32, #tpu.memory_space<hbm>> -> memref<16384xf32, #tpu.memory_space<hbm>>
      %dma_start3A_1047 = arith.constant 0 : i32
      %dma_start3A_1048 = tpu.memref_slice %arg4[%select_n3A_852, %sub3A_855, %dma_start3A_1047] : memref<3x118x16384xf32, #tpu.memory_space<hbm>> -> memref<1x1x16384xf32, #tpu.memory_space<hbm>>
      %dma_start3A_1049 = tpu.memref_squeeze %dma_start3A_1048 : memref<1x1x16384xf32, #tpu.memory_space<hbm>> -> memref<16384xf32, #tpu.memory_space<hbm>>
      %dma_start3A_1050 = arith.constant 0 : i32
      %dma_start3A_1051 = tpu.memref_slice %arg6[%dma_start3A, %dma_start3A_1050] : memref<4x16384xf32, #tpu.memory_space<vmem>> -> memref<1x16384xf32, #tpu.memory_space<vmem>>
      %dma_start3A_1052 = tpu.memref_squeeze %dma_start3A_1051 : memref<1x16384xf32, #tpu.memory_space<vmem>> -> memref<16384xf32, #tpu.memory_space<vmem>>
      tpu.enqueue_dma source(%dma_start3A_1052 : memref<16384xf32, #tpu.memory_space<vmem>>) target(%dma_start3A_1049 : memref<16384xf32, #tpu.memory_space<hbm>>) target_semaphore(%arg14 : memref<!tpu.dma_semaphore, #tpu.memory_space<semaphore_mem>>)
    } else {
    }
    %convert_element_type3A_1029 = arith.extui %lt3A_598 : i1 to i32
    %cond3A_1030 = arith.constant 0 : i32
    %cond3A_1031 = arith.cmpi ne, %convert_element_type3A_1029, %cond3A_1030 : i32
    scf.if %cond3A_1031 {
      %dma_wait3A = arith.constant 0 : i32
      %dma_wait3A_1041 = arith.constant 0 : i32
      %dma_wait3A_1042 = tpu.memref_slice %arg6[%dma_wait3A, %dma_wait3A_1041] : memref<4x16384xf32, #tpu.memory_space<vmem>> -> memref<1x16384xf32, #tpu.memory_space<vmem>>
      %dma_wait3A_1043 = tpu.memref_squeeze %dma_wait3A_1042 : memref<1x16384xf32, #tpu.memory_space<vmem>> -> memref<16384xf32, #tpu.memory_space<vmem>>
      %dma_wait3A_1044 = arith.constant 0 : i32
      %dma_wait3A_1045 = tpu.memref_slice %arg4[%select_n3A_624, %sub3A_627, %dma_wait3A_1044] : memref<3x118x16384xf32, #tpu.memory_space<hbm>> -> memref<1x1x16384xf32, #tpu.memory_space<hbm>>
      %dma_wait3A_1046 = tpu.memref_squeeze %dma_wait3A_1045 : memref<1x1x16384xf32, #tpu.memory_space<hbm>> -> memref<16384xf32, #tpu.memory_space<hbm>>
      %dma_wait3A_1047 = arith.constant 0 : i32
      %dma_wait3A_1048 = tpu.memref_slice %arg4[%select_n3A_624, %sub3A_627, %dma_wait3A_1047] : memref<3x118x16384xf32, #tpu.memory_space<hbm>> -> memref<1x1x16384xf32, #tpu.memory_space<hbm>>
      %dma_wait3A_1049 = tpu.memref_squeeze %dma_wait3A_1048 : memref<1x1x16384xf32, #tpu.memory_space<hbm>> -> memref<16384xf32, #tpu.memory_space<hbm>>
      %dma_wait3A_1050 = arith.constant 0 : i32
      %dma_wait3A_1051 = tpu.memref_slice %arg6[%dma_wait3A, %dma_wait3A_1050] : memref<4x16384xf32, #tpu.memory_space<vmem>> -> memref<1x16384xf32, #tpu.memory_space<vmem>>
      %dma_wait3A_1052 = tpu.memref_squeeze %dma_wait3A_1051 : memref<1x16384xf32, #tpu.memory_space<vmem>> -> memref<16384xf32, #tpu.memory_space<vmem>>
      tpu.wait_dma2 semaphore(%arg11 : memref<!tpu.dma_semaphore, #tpu.memory_space<semaphore_mem>>) src(%dma_wait3A_1052 : memref<16384xf32, #tpu.memory_space<vmem>>) dst(%dma_wait3A_1049 : memref<16384xf32, #tpu.memory_space<hbm>>)
    } else {
    }
    %convert_element_type3A_1032 = arith.extui %lt3A_674 : i1 to i32
    %cond3A_1033 = arith.constant 0 : i32
    %cond3A_1034 = arith.cmpi ne, %convert_element_type3A_1032, %cond3A_1033 : i32
    scf.if %cond3A_1034 {
      %dma_wait3A = arith.constant 1 : i32
      %dma_wait3A_1041 = arith.constant 0 : i32
      %dma_wait3A_1042 = tpu.memref_slice %arg6[%dma_wait3A, %dma_wait3A_1041] : memref<4x16384xf32, #tpu.memory_space<vmem>> -> memref<1x16384xf32, #tpu.memory_space<vmem>>
      %dma_wait3A_1043 = tpu.memref_squeeze %dma_wait3A_1042 : memref<1x16384xf32, #tpu.memory_space<vmem>> -> memref<16384xf32, #tpu.memory_space<vmem>>
      %dma_wait3A_1044 = arith.constant 0 : i32
      %dma_wait3A_1045 = tpu.memref_slice %arg4[%select_n3A_700, %sub3A_703, %dma_wait3A_1044] : memref<3x118x16384xf32, #tpu.memory_space<hbm>> -> memref<1x1x16384xf32, #tpu.memory_space<hbm>>
      %dma_wait3A_1046 = tpu.memref_squeeze %dma_wait3A_1045 : memref<1x1x16384xf32, #tpu.memory_space<hbm>> -> memref<16384xf32, #tpu.memory_space<hbm>>
      %dma_wait3A_1047 = arith.constant 0 : i32
      %dma_wait3A_1048 = tpu.memref_slice %arg4[%select_n3A_700, %sub3A_703, %dma_wait3A_1047] : memref<3x118x16384xf32, #tpu.memory_space<hbm>> -> memref<1x1x16384xf32, #tpu.memory_space<hbm>>
      %dma_wait3A_1049 = tpu.memref_squeeze %dma_wait3A_1048 : memref<1x1x16384xf32, #tpu.memory_space<hbm>> -> memref<16384xf32, #tpu.memory_space<hbm>>
      %dma_wait3A_1050 = arith.constant 0 : i32
      %dma_wait3A_1051 = tpu.memref_slice %arg6[%dma_wait3A, %dma_wait3A_1050] : memref<4x16384xf32, #tpu.memory_space<vmem>> -> memref<1x16384xf32, #tpu.memory_space<vmem>>
      %dma_wait3A_1052 = tpu.memref_squeeze %dma_wait3A_1051 : memref<1x16384xf32, #tpu.memory_space<vmem>> -> memref<16384xf32, #tpu.memory_space<vmem>>
      tpu.wait_dma2 semaphore(%arg12 : memref<!tpu.dma_semaphore, #tpu.memory_space<semaphore_mem>>) src(%dma_wait3A_1052 : memref<16384xf32, #tpu.memory_space<vmem>>) dst(%dma_wait3A_1049 : memref<16384xf32, #tpu.memory_space<hbm>>)
    } else {
    }
    %convert_element_type3A_1035 = arith.extui %lt3A_750 : i1 to i32
    %cond3A_1036 = arith.constant 0 : i32
    %cond3A_1037 = arith.cmpi ne, %convert_element_type3A_1035, %cond3A_1036 : i32
    scf.if %cond3A_1037 {
      %dma_wait3A = arith.constant 2 : i32
      %dma_wait3A_1041 = arith.constant 0 : i32
      %dma_wait3A_1042 = tpu.memref_slice %arg6[%dma_wait3A, %dma_wait3A_1041] : memref<4x16384xf32, #tpu.memory_space<vmem>> -> memref<1x16384xf32, #tpu.memory_space<vmem>>
      %dma_wait3A_1043 = tpu.memref_squeeze %dma_wait3A_1042 : memref<1x16384xf32, #tpu.memory_space<vmem>> -> memref<16384xf32, #tpu.memory_space<vmem>>
      %dma_wait3A_1044 = arith.constant 0 : i32
      %dma_wait3A_1045 = tpu.memref_slice %arg4[%select_n3A_776, %sub3A_779, %dma_wait3A_1044] : memref<3x118x16384xf32, #tpu.memory_space<hbm>> -> memref<1x1x16384xf32, #tpu.memory_space<hbm>>
      %dma_wait3A_1046 = tpu.memref_squeeze %dma_wait3A_1045 : memref<1x1x16384xf32, #tpu.memory_space<hbm>> -> memref<16384xf32, #tpu.memory_space<hbm>>
      %dma_wait3A_1047 = arith.constant 0 : i32
      %dma_wait3A_1048 = tpu.memref_slice %arg4[%select_n3A_776, %sub3A_779, %dma_wait3A_1047] : memref<3x118x16384xf32, #tpu.memory_space<hbm>> -> memref<1x1x16384xf32, #tpu.memory_space<hbm>>
      %dma_wait3A_1049 = tpu.memref_squeeze %dma_wait3A_1048 : memref<1x1x16384xf32, #tpu.memory_space<hbm>> -> memref<16384xf32, #tpu.memory_space<hbm>>
      %dma_wait3A_1050 = arith.constant 0 : i32
      %dma_wait3A_1051 = tpu.memref_slice %arg6[%dma_wait3A, %dma_wait3A_1050] : memref<4x16384xf32, #tpu.memory_space<vmem>> -> memref<1x16384xf32, #tpu.memory_space<vmem>>
      %dma_wait3A_1052 = tpu.memref_squeeze %dma_wait3A_1051 : memref<1x16384xf32, #tpu.memory_space<vmem>> -> memref<16384xf32, #tpu.memory_space<vmem>>
      tpu.wait_dma2 semaphore(%arg13 : memref<!tpu.dma_semaphore, #tpu.memory_space<semaphore_mem>>) src(%dma_wait3A_1052 : memref<16384xf32, #tpu.memory_space<vmem>>) dst(%dma_wait3A_1049 : memref<16384xf32, #tpu.memory_space<hbm>>)
    } else {
    }
    %convert_element_type3A_1038 = arith.extui %lt3A_826 : i1 to i32
    %cond3A_1039 = arith.constant 0 : i32
    %cond3A_1040 = arith.cmpi ne, %convert_element_type3A_1038, %cond3A_1039 : i32
    scf.if %cond3A_1040 {
      %dma_wait3A = arith.constant 3 : i32
      %dma_wait3A_1041 = arith.constant 0 : i32
      %dma_wait3A_1042 = tpu.memref_slice %arg6[%dma_wait3A, %dma_wait3A_1041] : memref<4x16384xf32, #tpu.memory_space<vmem>> -> memref<1x16384xf32, #tpu.memory_space<vmem>>
      %dma_wait3A_1043 = tpu.memref_squeeze %dma_wait3A_1042 : memref<1x16384xf32, #tpu.memory_space<vmem>> -> memref<16384xf32, #tpu.memory_space<vmem>>
      %dma_wait3A_1044 = arith.constant 0 : i32
      %dma_wait3A_1045 = tpu.memref_slice %arg4[%select_n3A_852, %sub3A_855, %dma_wait3A_1044] : memref<3x118x16384xf32, #tpu.memory_space<hbm>> -> memref<1x1x16384xf32, #tpu.memory_space<hbm>>
      %dma_wait3A_1046 = tpu.memref_squeeze %dma_wait3A_1045 : memref<1x1x16384xf32, #tpu.memory_space<hbm>> -> memref<16384xf32, #tpu.memory_space<hbm>>
      %dma_wait3A_1047 = arith.constant 0 : i32
      %dma_wait3A_1048 = tpu.memref_slice %arg4[%select_n3A_852, %sub3A_855, %dma_wait3A_1047] : memref<3x118x16384xf32, #tpu.memory_space<hbm>> -> memref<1x1x16384xf32, #tpu.memory_space<hbm>>
      %dma_wait3A_1049 = tpu.memref_squeeze %dma_wait3A_1048 : memref<1x1x16384xf32, #tpu.memory_space<hbm>> -> memref<16384xf32, #tpu.memory_space<hbm>>
      %dma_wait3A_1050 = arith.constant 0 : i32
      %dma_wait3A_1051 = tpu.memref_slice %arg6[%dma_wait3A, %dma_wait3A_1050] : memref<4x16384xf32, #tpu.memory_space<vmem>> -> memref<1x16384xf32, #tpu.memory_space<vmem>>
      %dma_wait3A_1052 = tpu.memref_squeeze %dma_wait3A_1051 : memref<1x16384xf32, #tpu.memory_space<vmem>> -> memref<16384xf32, #tpu.memory_space<vmem>>
      tpu.wait_dma2 semaphore(%arg14 : memref<!tpu.dma_semaphore, #tpu.memory_space<semaphore_mem>>) src(%dma_wait3A_1052 : memref<16384xf32, #tpu.memory_space<vmem>>) dst(%dma_wait3A_1049 : memref<16384xf32, #tpu.memory_space<hbm>>)
    } else {
    }
    return
  }
}

</mosaic_0001>

<sc_bundles>
// kernel: kernel.3.cloned.1.call-start
scs
__scs_entry_jumppad:
0x0: {  	(pc) =	sbr.rel $0x88, $3  }
0x1: {  	(tag) =	ssettag $0x0;
	lr =	simm.s32 $0x1  }
0x2: {  	[smem:$0x3F9F] =	sst lr;
	_ =	strace $0xD0000000  }
0x3: {  	_ = 	snop  }
0x4: {  	_ = 	snop  }
0x5: {  	_ = 	snop  }
0x6: {  	_ = 	snop  }
0x7: {  	_ = 	snop  }
__scs_overlays_trampoline_lowered:
0x8: {  	[smem:$0x3FAE] =	sst s0  }
0x9: {  	[smem:$0x3FAF] =	sst s1  }
0xa: {  	[smem:$0x3FB0] =	sst s2  }
0xb: {  	[smem:$0x3FB1] =	sst s3  }
0xc: {  	[smem:$0x3FB2] =	sst s4  }
0xd: {  	[smem:$0x3FB3] =	sst s5  }
0xe: {  	[smem:$0x3FB4] =	sst s6  }
0xf: {  	[smem:$0x3FB5] =	sst s7  }
0x10: {  	[smem:$0x3FB6] =	sst s8  }
0x11: {  	[smem:$0x3FB7] =	sst s9;
	s0 =	simm.s32 @!p0 $0x0  }
0x12: {  	s1 =	sld [smem:$0x3F9D];
	s0 =	simm.s32 @p0 $0x1  }
0x13: {  	[smem:$0x3FB8] =	sst s0;
	s0 =	simm.s32 @!p1 $0x0  }
0x14: {  	s2 =	sld [smem:$0x3F9C];
	s0 =	simm.s32 @p1 $0x1  }
0x15: {  	[smem:$0x3FB9] =	sst s0;
	s0 =	simm.s32 @!p2 $0x0  }
0x16: {  	s3 =	sld [smem:$0x3FDB];
	s0 =	simm.s32 @p2 $0x1  }
0x17: {  	s4 =	simm.s32 $0x1BF5;
	[smem:$0x3FBB] =	sst s0  }
0x18: {  	s0 =	sld [smem:$0x3F9E];
	_ =	swait.ge [sflag:s4], $0x0  }
0x19: {  	s7 =	sld [smem:$0x3F9F]  }
0x1a: {  	s8 =	sadd.s32 $0xFFFFE003, lr  }
0x1b: {  	s9 =	sadd.s32 $0xFFFFFEF7, lr;
	s5 =	simm.s32 $0xFFFFFFFF;
	p2 =	slt.u32 s8, $0xFFFFF086  }
0x1c: {  	p1 =	slt.u32 s9, $0xF7A;
	s5 =	simm.s32 @!p2 $0x0  }
0x1d: {  	s5 =	simm.s32 @p1 $0x1;
	p0 =	seq.s32 s7, s2  }
0x1e: {  	s7 =	smul.u32 @!p0 $0xF7A, s2;
	p2 =	seq.s32 @!p0 s5, $0x0  }
0x1f: {  	s9 =	smul.u32 $0xF7A, s1;
	s8 =	simm.s32 @!p0 $0x1BF5;
	p2 =	por !p2, p0  }
0x20: {  	[sflag:s8] =	ssyncset.s32 @!p0 $0xFFFFF086;
	s6 =	sadd.s32 @!p0 s3, s7;
	s7 =	simm.s32 @!p0 $0x108  }
0x21: {  	s3 =	sadd.s32 s3, s9;
	s6 =	sadd.s32 @!p0 $0x88, s6;
	s7 =	simm.s32 @p2 $0x1082  }
0x22: {  	[simem:s7], [sflag:s8] =	dma.local @!p0 [hbm:s6], $0xF7A  }
0x23: {  	s9 =	sor.u32 $0xD0000000, s2;
	s6 =	simm.s32 $0x108;
	_ =	swait.ge @!p0 [sflag:s8], $0x0  }
0x24: {  	s3 =	sadd.s32 $0x88, s3;
	s6 =	simm.s32 @!p1 $0x1082;
	[sflag:s4] =	ssyncset.s32 $0xFFFFF086  }
0x25: {  	[simem:s6], [sflag:s4] =	dma.local [hbm:s3], $0xF7A  }
0x26: {  	[smem:$0x3F9F] =	sst s1;
	(tag) =	ssettag s2;
	_ =	strace s9  }
0x27: {  	s1 =	sld [smem:$0x3FAF]  }
0x28: {  	s2 =	sld [smem:$0x3FB0]  }
0x29: {  	s4 =	sld [smem:$0x3FB2]  }
0x2a: {  	p0 =	seq.s32 s5, $0x0;
	s5 =	sld [smem:$0x3FB3]  }
0x2b: {  	s6 =	sld [smem:$0x3FB4]  }
0x2c: {  	s7 =	sld [smem:$0x3FB5]  }
0x2d: {  	s3 =	simm.s32 $0x108;
	s8 =	sld [smem:$0x3FB6]  }
0x2e: {  	s3 =	simm.s32 @!p0 $0x1082;
	s9 =	sld [smem:$0x3FB7]  }
0x2f: {  	lr =	sadd.s32 s0, s3;
	s0 =	sld [smem:$0x3FAE]  }
0x30: {  	s3 =	sld [smem:$0x3FB1]  }
0x31: {  	[smem:$0x3FBA] =	sst s10  }
0x32: {  	s10 =	sld [smem:$0x3FB8];
	_ =	sdelay $0x3  }
0x33: {  	p0 =	seq.s32 s10, $0x1;
	s10 =	sld [smem:$0x3FBA];
	_ =	sdelay $0x3  }
0x34: {  	[smem:$0x3FBA] =	sst s10  }
0x35: {  	s10 =	sld [smem:$0x3FB9];
	_ =	sdelay $0x3  }
0x36: {  	p1 =	seq.s32 s10, $0x1;
	s10 =	sld [smem:$0x3FBA];
	_ =	sdelay $0x3  }
0x37: {  	[smem:$0x3FBA] =	sst s10  }
0x38: {  	s10 =	sld [smem:$0x3FBB]  }
0x39: {  	_ = 	snop;
	(pc) =	sbr.ind lr, $3  }
0x3a: {  	_ = 	snop  }
0x3b: {  	_ = 	snop  }
0x3c: {  	p2 =	seq.s32 s10, $0x1;
	s10 =	sld [smem:$0x3FBA]  }
0x3d: {  	_ =	shalt  }
0x3e: {  	_ =	shalt  }
0x3f: {  	_ =	shalt  }
0x40: {  	_ =	shalt  }
0x41: {  	_ =	shalt  }
0x42: {  	_ =	shalt  }
0x43: {  	_ =	shalt  }
0x44: {  	_ =	shalt  }
0x45: {  	_ =	shalt  }
0x46: {  	_ =	shalt  }
0x47: {  	_ =	shalt  }
0x48: {  	_ =	shalt  }
0x49: {  	_ =	shalt  }
0x4a: {  	_ =	shalt  }
0x4b: {  	_ =	shalt  }
0x4c: {  	_ =	shalt  }
0x4d: {  	_ =	shalt  }
0x4e: {  	_ =	shalt  }
0x4f: {  	_ =	shalt  }
0x50: {  	_ =	shalt  }
0x51: {  	_ =	shalt  }
0x52: {  	_ =	shalt  }
0x53: {  	_ =	shalt  }
0x54: {  	_ =	shalt  }
0x55: {  	_ =	shalt  }
0x56: {  	_ =	shalt  }
0x57: {  	_ =	shalt  }
0x58: {  	_ =	shalt  }
0x59: {  	_ =	shalt  }
0x5a: {  	_ =	shalt  }
0x5b: {  	_ =	shalt  }
0x5c: {  	_ =	shalt  }
0x5d: {  	_ =	shalt  }
0x5e: {  	_ =	shalt  }
0x5f: {  	_ =	shalt  }
0x60: {  	_ =	shalt  }
0x61: {  	_ =	shalt  }
0x62: {  	_ =	shalt  }
0x63: {  	_ =	shalt  }
0x64: {  	_ =	shalt  }
0x65: {  	_ =	shalt  }
0x66: {  	_ =	shalt  }
0x67: {  	_ =	shalt  }
0x68: {  	_ =	shalt  }
0x69: {  	_ =	shalt  }
0x6a: {  	_ =	shalt  }
0x6b: {  	_ =	shalt  }
0x6c: {  	_ =	shalt  }
0x6d: {  	_ =	shalt  }
0x6e: {  	_ =	shalt  }
0x6f: {  	_ =	shalt  }
0x70: {  	_ =	shalt  }
0x71: {  	_ =	shalt  }
0x72: {  	_ =	shalt  }
0x73: {  	_ =	shalt  }
0x74: {  	_ =	shalt  }
0x75: {  	_ =	shalt  }
0x76: {  	_ =	shalt  }
0x77: {  	_ =	shalt  }
0x78: {  	_ =	shalt  }
0x79: {  	_ =	shalt  }
0x7a: {  	_ =	shalt  }
0x7b: {  	_ =	shalt  }
0x7c: {  	_ =	shalt  }
0x7d: {  	_ =	shalt  }
0x7e: {  	_ =	shalt  }
0x7f: {  	_ =	shalt  }
0x80: {  	_ =	shalt  }
0x81: {  	_ =	shalt  }
0x82: {  	_ =	shalt  }
0x83: {  	_ =	shalt  }
0x84: {  	_ =	shalt  }
0x85: {  	_ =	shalt  }
0x86: {  	_ =	shalt  }
0x87: {  	_ =	shalt  }
.Lfunc_end0:
.L_simem_size_0:
called_computation_lowered:
.L_overlay_start_0:
0x88: {  	s2 =	sld [smem:$0x3FD9]  }
0x89: {  	s3 =	sld [smem:$0x3FFE];
	_ =	sdelay $0x1  }
0x8a: {  	s1 =	srdreg.scid  }
0x8b: {  	s0 =	sand.u32 $0x1, s1  }
0x8c: {  	s18 =	sshll.u32 s0, $0xA;
	s2 =	sadd.s32 s3, s2  }
0x8d: {  	s2 =	sadd.s32 s2, s18  }
0x8e: {  	[smem:$0x3FC6] =	sst s2  }
0x8f: {  	_ = 	snop  }
0x90: {  	s2 =	sld [smem:$0x3FC9]  }
0x91: {  	s19 =	sld [smem:$0x3FC8]  }
0x92: {  	s4 =	sld [smem:$0x3FD0];
	(tm) =	ssettm $0x1  }
0x93: {  	s5 =	sld [smem:$0x3FFB];
	_ =	sdelay $0x3  }
0x94: {  	_ =	strace s5  }
0x95: {  	s5 =	sld [smem:$0x3FFC];
	_ =	sdelay $0x3  }
0x96: {  	_ =	strace s5  }
0x97: {  	s5 =	sld [smem:$0x3FFD];
	_ =	sdelay $0x3  }
0x98: {  	_ =	strace s5  }
0x99: {  	_ =	strace $0x8FFFFFFF  }
0x9a: {  	s20 =	sld [smem:$0x3FDB];
	_ =	sdelay $0x1  }
0x9b: {  	s6 =	simm.s32 $_scs_section_size  }
0x9c: {  	s7 =	simm.s32 $_size__tile_overlayer_lowered;
	s8 =	simm.s32 $_tile_overlayer_lowered  }
0x9d: {  	s23 =	simm.s32 $0x1BFF;
	s22 =	sshll.u32 s8, $0x1;
	s5 =	sadd.s32 s6, s20  }
0x9e: {  	s9 =	simm.s32 $0x0;
	s21 =	sshll.u32 s7, $0x1;
	s7 =	sadd.s32 s22, s5  }
0x9f: {  	[timem:s9], [sflag:s23] =	dma.local [hbm:s7], s21  }
0xa0: {  	_ =	swait.ge [sflag:s23], s21  }
0xa1: {  	s6 =	ssub.s32 $0x0, s21;
	[sflag:s23] =	ssyncset.done $0x0  }
0xa2: {  	[sflag:s23] =	ssyncadd.s32 s6;
	_ =	sdelay $0x1  }
0xa3: {  	s24 =	simm.s32 $0x1B8B  }
0xa4: {  	_ =	swait.ge [sflag:s24], $0x1  }
0xa5: {  	[sflag:s24] =	ssyncset.done $0x0  }
0xa6: {  	s25 =	simm.s32 $0x1B8E;
	[sflag:s24] =	ssyncadd.s32 $0xFFFFFFFF  }
0xa7: {  	s26 =	simm.s32 $execute0_lowered;
	[smem:$0x3FD2] =	sst s25  }
0xa8: {  	s6 =	sshll.u32 s26, $0x1;
	_ =	strace $0x80000046;
	[dreg:$0x1] =	wrdreg $0xFFFFFFFF  }
0xa9: {  	s28 =	simm.s32 $_size_execute0_lowered;
	s5 =	sadd.s32 s5, s6;
	[dreg:$0x0] =	wrdreg $0x0  }
0xaa: {  	s6 =	sshll.u32 s28, $0x1;
	[dreg:$0x2] =	wrdreg s5  }
0xab: {  	[dreg:$0x3] =	wrdreg s6  }
0xac: {  	[dreg:$0x4] =	wrdreg $0xC0  }
0xad: {  	_ =	task [dreg:s9], $0x5FFFF  }
0xae: {  	[dreg:$0x1] =	wrdreg $0xFFFFFFFF  }
0xaf: {  	[dreg:$0x0] =	wrdreg $0x60  }
0xb0: {  	[dreg:$0x2] =	wrdreg s2  }
0xb1: {  	[dreg:$0x3] =	wrdreg s19  }
0xb2: {  	[dreg:$0x4] =	wrdreg s4  }
0xb3: {  	[dreg:$0x5] =	wrdreg $0x9  }
0xb4: {  	_ =	task.clear_ibuf [dreg:s9], $0x6FFFF;
	_ =	strace $0x90000046  }
0xb5: {  	s29 =	simm.s32 $0x9;
	_ =	strace $0x80000048  }
0xb6: {  	_ =	swait.ge [sflag:s29], $0x1  }
0xb7: {  	[sflag:s29] =	ssyncadd.s32 $0xFFFFFFFF  }
0xb8: {  	_ =	strace $0x90000048  }
0xb9: {  	_ =	sfence  }
0xba: {  	s30 =	sld [smem:$0x0];
	_ =	sdelay $0x2  }
0xbb: {  	s31 =	sshll.u32 s1, $0xD;
	s1 =	sshrl.u32 s1, $0x2  }
0xbc: {  	s3 =	sand.u32 $0x4000, s31;
	s1 =	sadd.s32 s1, s30  }
0xbd: {  	s0 =	sor.u32 s3, s0;
	s1 =	sshll.u32 s1, $0x11  }
0xbe: {  	s0 =	sor.u32 s1, s0  }
0xbf: {  	s0 =	sadd.s32 $0x8F2B, s0  }
0xc0: {  	[sflag:s0] =	ssyncadd.remote.s32 $0x1  }
0xc1: {  	_ =	sfence.sel $0xFFFF  }
0xc2: {  	[dreg:$0x0] =	wrdreg $0xFFFFFFFF;
	(pc) =	sbr.abs _section_cstart, $3  }
0xc3: {  	[dreg:$0x1] =	wrdreg $0xFFFFFFFF  }
0xc4: {  	_ =	task.clear_ibuf [dreg:s9], $0x2FFFF;
	_ =	strace $0x9FFFFFFF  }
0xc5: {  	(tm) =	ssettm $0x7FFFFFFF  }
tec
execute0_lowered:
.L_overlay_start_1:
0x0: {  	(tag) =	ssettag $0x1  }
0x1: {  	s1 =	srdreg.scid;
	s0 =	stileid.u32  }
0x2: {  	s3 =	simm.s32 $0xFFFFFF8A;
	s18 =	rddreg [dreg:$0x2];
	s7 =	simm.s32 $0x1  }
0x3: {  	s1 =	sand.u32 $0x1, s1;
	s2 =	sshll.u32 s0, $0x1;
	p0 =	sne.s32 s0, $0x0  }
0x4: {  	s0 =	sshll.u32 s0, $0xC;
	[dreg:$0x13] =	wrdreg s2;
	s13 =	sor.u32 s1, s2  }
0x5: {  	s1 =	ssub.s32 $0x2, s1;
	s0 =	sand.u32 $0xC000, s0;
	s2 =	sor.u32 $0x60, s13  }
0x6: {  	s23 =	sshrl.u32 s1, $0x1;
	s26 =	sor.u32 $0x20, s13;
	s29 =	sor.u32 $0x40, s13  }
0x7: {  	s4 =	sor.u32 $0xE0, s13;
	s22 =	sadd.s32 $0x2A, s13;
	s28 =	sadd.s32 $0x4A, s13  }
0x8: {  	s14 =	sshll.u32 s13, $0x4;
	s0 =	sadd.s32 s18, s0;
	s31 =	sadd.s32 $0x14, s13  }
0x9: {  	p1 =	sgt.u32 s2, $0x75;
	s1 =	ssub.s32 s1, s23;
	s5 =	smul.u32 $0x8B, s4  }
0xa: {  	s15 =	sshll.u32 s26, $0xB;
	s17 =	sshll.u32 s29, $0xB;
	s3 =	simm.s32 @!p1 $0x0  }
0xb: {  	s26 =	sand.u32 $0x30, s26;
	[dreg:$0x12] =	wrdreg s1;
	s19 =	sadd.s32 s2, s3  }
0xc: {  	s2 =	sor.u32 $0x160, s13;
	s20 =	sshrl.u32 s5, $0xE;
	s3 =	sshll.u32 s19, $0x18  }
0xd: {  	s25 =	sand.u32 $0xF, s19;
	s2 =	simm.s32 @p0 $0x0;
	p2 =	slt.s32 s19, $0x1  }
0xe: {  	s5 =	sshll.u32 s19, $0xE;
	s24 =	sshra.s32 s3, $0x1F;
	p3 =	sne.s32 s25, $0x0  }
0xf: {  	s30 =	smul.u32 $0xFFFFD8F3, s2;
	s1 =	sand.u32 $0xF, s24;
	p2 =	por !p2, !p3  }
0x10: {  	s25 =	sadd.s32 $0xA, s13;
	s1 =	sadd.s32 s1, s19;
	p2 =	por !p2, !p2  }
0x11: {  	s6 =	sand.u32 $0xFFFE, s30;
	s3 =	sshll.u32 s30, $0xF;
	s1 =	sshll.u32 s1, $0x18  }
0x12: {  	s6 =	sshrl.u32 s6, $0x1;
	s7 =	simm.s32 @!p2 $0x0;
	s1 =	sshra.s32 s1, $0x1C  }
0x13: {  	s3 =	sor.u32 s3, s6;
	s6 =	smul.u32 $0xFFFFFF8A, s20;
	s1 =	ssub.s32 s1, s7  }
0x14: {  	s3 =	sand.u32 $0xFFFF, s3;
	s7 =	smul.u32 $0x22C, s2;
	[dreg:$0x14] =	wrdreg s1  }
0x15: {  	p6 =	sgt.u32 s3, $0x22B;
	s24 =	sadd.s32 s4, s6;
	s4 =	simm.s32 $0x1  }
0x16: {  	s6 =	sshll.u32 s19, $0x7;
	p2 =	por !p0, !p6;
	s8 =	sshll.u32 s24, $0x10  }
0x17: {  	s1 =	sshrl.u32 s7, $0x10;
	s10 =	sand.u32 $0xF, s24;
	p3 =	slt.s32 s24, $0x1  }
0x18: {  	s7 =	sand.u32 $0x380, s6;
	p2 =	por !p2, !p2;
	s3 =	sshra.s32 s8, $0x1F  }
0x19: {  	p4 =	sne.s32 s10, $0x0;
	s8 =	sshll.u32 s25, $0xB;
	s4 =	simm.s32 @!p2 $0x0  }
0x1a: {  	s10 =	sadd.s32 $0x3C000, s18;
	s3 =	sand.u32 $0xF, s3;
	s21 =	ssub.s32 s1, s4  }
0x1b: {  	p2 =	por !p3, !p4;
	s9 =	sadd.s32 s3, s24;
	s4 =	smul.u32 $0xFFFFFF8A, s21  }
0x1c: {  	p2 =	por !p2, !p2;
	s1 =	sshll.u32 s9, $0x10;
	s9 =	sshll.u32 s25, $0x4  }
0x1d: {  	s1 =	sshra.s32 s1, $0x14;
	s23 =	sadd.s32 s2, s4;
	s2 =	simm.s32 $0x1  }
0x1e: {  	s11 =	sshll.u32 s23, $0x10;
	s2 =	simm.s32 @!p2 $0x0;
	s4 =	sand.u32 $0xF, s23  }
0x1f: {  	p5 =	slt.s32 s23, $0x1;
	s3 =	sshra.s32 s11, $0x1F;
	p6 =	sne.s32 s4, $0x0  }
0x20: {  	s30 =	ssub.s32 s1, s2;
	s2 =	simm.s32 $0x1;
	s3 =	sand.u32 $0xF, s3  }
0x21: {  	s4 =	sand.u32 $0x2C000, s17;
	p2 =	por !p5, !p6;
	s12 =	sadd.s32 s3, s23  }
0x22: {  	s11 =	sand.u32 $0x70, s9;
	p2 =	por !p2, !p2;
	s1 =	sshll.u32 s12, $0x10  }
0x23: {  	s3 =	simm.s32 $0x1E0000;
	s2 =	simm.s32 @!p2 $0x0;
	s1 =	sshra.s32 s1, $0x14  }
0x24: {  	s9 =	smul.u32 $0x1E0000, s20;
	s3 =	simm.s32 @!p1 $0x0;
	s1 =	ssub.s32 s1, s2  }
0x25: {  	s2 =	sand.u32 $0x1C000, s15;
	[dreg:$0x15] =	wrdreg s1;
	s1 =	sand.u32 $0x70, s14  }
0x26: {  	s15 =	sshll.u32 s22, $0x4;
	s14 =	sshll.u32 s22, $0xB;
	s16 =	sadd.s32 s18, s1  }
0x27: {  	s0 =	sadd.s32 s1, s0;
	s1 =	sadd.s32 s2, s16;
	s2 =	sadd.s32 s4, s16  }
0x28: {  	s4 =	sand.u32 $0xFFFE0000, s5;
	s5 =	sand.u32 $0x1C000, s8;
	s16 =	sshll.u32 s28, $0xB  }
0x29: {  	s8 =	sshll.u32 s28, $0x4;
	s3 =	sadd.s32 s3, s4;
	s12 =	sadd.s32 s5, s10  }
0x2a: {  	s4 =	sand.u32 $0x3C000, s14;
	s5 =	sand.u32 $0x70, s15;
	s6 =	sand.u32 $0x3C000, s16  }
0x2b: {  	s8 =	sand.u32 $0x70, s8;
	s14 =	sshll.u32 s31, $0xB;
	s17 =	sor.u32 s7, s3  }
0x2c: {  	s3 =	sadd.s32 s11, s12;
	s4 =	sadd.s32 s4, s10;
	s6 =	sadd.s32 s6, s10  }
0x2d: {  	s10 =	sshll.u32 s24, $0xE;
	s11 =	sshll.u32 s24, $0x7;
	s16 =	sand.u32 $0x1C000, s14  }
0x2e: {  	s4 =	sadd.s32 s5, s4;
	s5 =	sadd.s32 s8, s6;
	s7 =	sand.u32 $0xFFFE0000, s10  }
0x2f: {  	s12 =	sand.u32 $0x380, s11;
	s6 =	sadd.s32 s9, s7;
	s9 =	sshll.u32 s31, $0x4  }
0x30: {  	s8 =	sadd.s32 $0x78000, s18;
	s15 =	sor.u32 s12, s6;
	s7 =	sand.u32 $0x70, s9  }
0x31: {  	s12 =	sadd.s32 $0x34, s13;
	s6 =	sadd.s32 s16, s8;
	s16 =	sadd.s32 $0x54, s13  }
0x32: {  	s9 =	sshll.u32 s12, $0xB;
	s6 =	sadd.s32 s7, s6;
	s11 =	sshll.u32 s16, $0xB  }
0x33: {  	s15 =	sshrl.u32 s15, $0x3;
	s10 =	sand.u32 $0x3C000, s9;
	s9 =	sand.u32 $0x3C000, s11  }
0x34: {  	s11 =	sshll.u32 s12, $0x4;
	s14 =	sadd.s32 s10, s8;
	s8 =	sadd.s32 s9, s8  }
0x35: {  	s7 =	sand.u32 $0x70, s11;
	s10 =	sshll.u32 s16, $0x4;
	s9 =	sshll.u32 s23, $0xE  }
0x36: {  	s11 =	sand.u32 $0x70, s10;
	s10 =	smul.u32 $0x1E0000, s21;
	s7 =	sadd.s32 s7, s14  }
0x37: {  	s9 =	sand.u32 $0xFFFE0000, s9;
	s8 =	sadd.s32 s11, s8;
	s11 =	sshll.u32 s23, $0x7  }
0x38: {  	s10 =	sadd.s32 s10, s9;
	s9 =	simm.s32 $0x0;
	s11 =	sand.u32 $0x380, s11  }
0x39: {  	s14 =	sshrl.u32 s17, $0x3;
	[smem:$0x7FF] =	sst s9;
	s17 =	sor.u32 s11, s10  }
0x3a: {  	s10 =	sadd.s32 s18, s14;
	s11 =	rddreg [dreg:$0x0];
	s14 =	sadd.s32 s18, s15  }
0x3b: {  	s17 =	sshrl.u32 s17, $0x3;
	_ =	strace $0x80000047;
	[dreg:$0x4] =	wrdreg s26  }
0x3c: {  	s26 =	sand.u32 $0x50, s29;
	s15 =	sadd.s32 s18, s17;
	s18 =	rddreg [dreg:$0x14]  }
0x3d: {  	[dreg:$0x6] =	wrdreg s26;
	s26 =	sand.u32 $0x70, s22  }
0x3e: {  	s29 =	simm.s32 $0x240000;
	s17 =	sshll.u32 s18, $0x4;
	[dreg:$0x8] =	wrdreg s26  }
0x3f: {  	s29 =	simm.s32 @!p1 $0x0;
	s26 =	sshll.u32 s30, $0x4;
	[dreg:$0x5] =	wrdreg s17  }
0x40: {  	s18 =	sand.u32 $0xF, s25;
	s30 =	sand.u32 $0x30, s31;
	[dreg:$0xa] =	wrdreg s26  }
0x41: {  	s17 =	ssub.s32 s19, s17;
	s19 =	sand.u32 $0x30, s25;
	[dreg:$0xb] =	wrdreg s30  }
0x42: {  	s25 =	sand.u32 $0x70, s28;
	s24 =	ssub.s32 s24, s26;
	[dreg:$0x7] =	wrdreg s19  }
0x43: {  	s30 =	sand.u32 $0x70, s12;
	s12 =	sand.u32 $0xF, s12;
	[dreg:$0x9] =	wrdreg s25  }
0x44: {  	s26 =	sand.u32 $0x70, s16;
	s16 =	sand.u32 $0xF, s16;
	[dreg:$0xc] =	wrdreg s30  }
0x45: {  	s19 =	sand.u32 $0xF, s22;
	s22 =	sand.u32 $0xF, s28;
	[dreg:$0xd] =	wrdreg s26  }
0x46: {  	s25 =	sand.u32 $0xF, s13;
	v1 =	vmov s17;
	s17 =	sand.u32 $0xF, s31;
	s30 =	rddreg [dreg:$0x13]  }
0x47: {  	v8 =	vmov s16;
	s26 =	smul.u32 $0x240000, s21;
	s31 =	simm.s32 $0x1;
	s16 =	simm.s32 $0x2  }
0x48: {  	v10 =	vlaneseq.u32;
	v2 =	vmov s18;
	s21 =	simm.s32 $0x4;
	v3 =	vmov s19;
	s18 =	sand.u32 $0x10, s30;
	s19 =	rddreg [dreg:$0x15]  }
0x49: {  	v5 =	vmov s24;
	v7 =	vmov s12;
	v0 =	vmov s25;
	s25 =	smul.u32 $0x240000, s20;
	s30 =	rddreg [dreg:$0x12];
	s20 =	simm.s32 $0x6  }
.Ltmp0:
0x4a: {  	vm3 =	veq.s32 v2, v10;
	v4 =	vmov s22;
	v6 =	vmov s17;
	s28 =	sshll.u32 s19, $0x4;
	[dreg:$0xe] =	wrdreg s18;
	(pc) =	sbr.rel .LBB2_1-.Ltmp0, $4  }
0x4b: {  	vm2 =	veq.s32 v1, v10;
	vm6 =	veq.s32 v5, v10;
	vm8 =	veq.s32 v7, v10;
	s22 =	ssub.s32 s13, s18;
	[dreg:$0x10] =	wrdreg s26;
	s12 =	smax.u32 s30, $0x1  }
0x4c: {  	vm9 =	veq.s32 v8, v10;
	vm1 =	veq.s32 v0, v10;
	vm4 =	veq.s32 v3, v10;
	s13 =	simm.s32 $0x9;
	s24 =	ssub.s32 s23, s28;
	[dreg:$0xf] =	wrdreg s25  }
0x4d: {  	s18 =	simm.s32 $0x5;
	vm5 =	veq.s32 v4, v10;
	s19 =	simm.s32 $0x3;
	v9 =	vmov s22;
	[dreg:$0x11] =	wrdreg s12;
	v11 =	vmov s24  }
0x4e: {  	vm7 =	veq.s32 v6, v10;
	s23 =	simm.s32 $0x7;
	s25 =	simm.s32 $0x0;
	vm0 =	veq.s32 v9, v10;
	s24 =	simm.s32 $0x8;
	vm10 =	veq.s32 v11, v10  }
.LBB2_50:
0x4f: {  	s17 =	simm.s32 $0x7;
	s12 =	simm.s32 $0x6;
	s22 =	simm.s32 $0x5  }
.LBB2_54:
0x50: {  	_ =	swait.ge [sflag:s22], $0x4000  }
0x51: {  	[sflag:s22] =	ssyncset.done $0x0  }
0x52: {  	[sflag:s22] =	ssyncadd.s32 $0xFFFFC000  }
0x53: {  	_ =	swait.ge [sflag:s12], $0x4000  }
0x54: {  	[sflag:s12] =	ssyncset.done $0x0  }
0x55: {  	[sflag:s12] =	ssyncadd.s32 $0xFFFFC000  }
0x56: {  	_ =	swait.ge [sflag:s17], $0x4000  }
0x57: {  	s25 =	sadd.s32 $0x1, s25;
	s30 =	rddreg [dreg:$0x11]  }
0x58: {  	p1 =	sne.s32 s25, s30  }
.Ltmp1:
0x59: {  	_ = 	snop;
	(pc) =	sbr.rel @!p1 .LBB2_55-.Ltmp1, $3  }
0x5a: {  	_ =	sdelay $0x1  }
0x5b: {  	[sflag:s17] =	ssyncset.done $0x0  }
0x5c: {  	[sflag:s17] =	ssyncadd.s32 $0xFFFFC000  }
.LBB2_1:
0x5d: {  	s12 =	rddreg [dreg:$0x1]  }
0x5e: {  	[tilespmem:s9], [sflag:$0x9] =	stream.linear.gather [hbm4b:s12+s9], $0x76, $0x38;
	[tilespmem:$0x10080] =	vst v63  }
0x5f: {  	_ =	swait.ge [sflag:s13], $0x76  }
0x60: {  	[sflag:s13] =	ssyncset.done $0x0  }
0x61: {  	s22 =	rddreg [dreg:$0xe];
	[sflag:s13] =	ssyncadd.s32 $0xFFFFFF8A  }
0x62: {  	v0 =	vld [tilespmem:s22+$0x0];
	_ =	sdelay $0x4  }
0x63: {  	v0 =	vxor.u32 $0x80000000, v0  }
0x64: {  	v0 =	vnsel vm0, $0x7FFFFFFF, v0  }
0x65: {  	(xrf0) =	vmax.scan.msk.u32 $0xffff, v0;
	_ =	sdelay $0x5  }
0x66: {  	v0, _, _ =	vpop (xrf0)  }
0x67: {  	(v2sf) =	vpush v0, $0xF;
	_ =	sdelay $0x9  }
0x68: {  	s26 =	rddreg [dreg:$0x4]  }
0x69: {  	s17 =	rddreg [dreg:$0x6];
	v10 =	vld [tilespmem:s26+$0x0]  }
0x6a: {  	v9 =	vld [tilespmem:s17+$0x0];
	s22 =	rddreg [dreg:$0x5]  }
0x6b: {  	s26 =	rddreg [dreg:$0x7];
	v8 =	vld [tilespmem:s22+$0x0]  }
0x6c: {  	s17 =	rddreg [dreg:$0x8];
	v7 =	vld [tilespmem:s26+$0x0]  }
0x6d: {  	v6 =	vld [tilespmem:s17+$0x0];
	s17 =	rddreg [dreg:$0x9];
	s22 =	spop (v2sf)  }
0x6e: {  	v5 =	vld [tilespmem:s17+$0x0];
	s26 =	sshll.u32 s22, $0xE;
	s12 =	sshll.u32 s22, $0x7  }
0x6f: {  	v0 =	vld [tilespmem:s28+$0x0];
	s22 =	rddreg [dreg:$0xa];
	s17 =	sand.u32 $0xFFFE0000, s26;
	s12 =	sand.u32 $0x380, s12  }
0x70: {  	v4 =	vld [tilespmem:s22+$0x0];
	s26 =	rddreg [dreg:$0xb];
	s12 =	sor.u32 s12, s17  }
0x71: {  	s22 =	rddreg [dreg:$0xc];
	v3 =	vld [tilespmem:s26+$0x0];
	s12 =	sshrl.u32 s12, $0x3  }
0x72: {  	v2 =	vld [tilespmem:s22+$0x0];
	s26 =	rddreg [dreg:$0xd];
	s17 =	simm.s32 $0x80;
	s30 =	sadd.s32 s11, s12  }
0x73: {  	s22 =	simm.s32 $0x80;
	v1 =	vld [tilespmem:s26+$0x0];
	s12 =	simm.s32 $0x280;
	s26 =	sadd.s32 $0x0, s30  }
.LBB2_2:
0x74: {  	[tilespmem:s17], [sflag:$0x1] =	stream.linear.gather [hbm4b:s26+s9], $0x80, $0x38;
	[tilespmem:$0x10080] =	vst v63  }
0x75: {  	s26 =	smov.u32 s22;
	s17 =	smov.u32 s12;
	p1 =	sne.s32 s22, $0x3F80  }
.Ltmp2:
0x76: {  	s22 =	sadd.s32 $0x80, s22;
	(pc) =	sbr.rel @p1 .LBB2_2-.Ltmp2, $2  }
0x77: {  	_ =	sdelay $0x2  }
0x78: {  	s12 =	sadd.s32 $0x200, s12;
	s26 =	sadd.s32 s26, s30  }
0x79: {  	v10 =	vxor.u32 $0x80000000, v10  }
0x7a: {  	v10 =	vnsel vm1, $0x7FFFFFFF, v10  }
0x7b: {  	(xrf0) =	vmax.scan.msk.u32 $0xffff, v10;
	_ =	sdelay $0x5  }
0x7c: {  	v10, _, _ =	vpop (xrf0)  }
0x7d: {  	(v2sf) =	vpush v10, $0xF;
	_ =	sdelay $0xd  }
0x7e: {  	[tilespmem:s17], [sflag:$0x1] =	stream.linear.gather [hbm4b:s26+s9], $0x80, $0x38;
	[tilespmem:$0x10080] =	vst v63  }
0x7f: {  	s12 =	spop (v2sf)  }
0x80: {  	s26 =	sshll.u32 s12, $0xE;
	s12 =	sshll.u32 s12, $0x7  }
0x81: {  	s17 =	sand.u32 $0xFFFE0000, s26;
	s12 =	sand.u32 $0x380, s12  }
0x82: {  	s12 =	sor.u32 s12, s17  }
0x83: {  	s12 =	sshrl.u32 s12, $0x3  }
0x84: {  	s22 =	simm.s32 $0x80;
	s30 =	sadd.s32 s11, s12  }
0x85: {  	s17 =	simm.s32 $0x100;
	s12 =	simm.s32 $0x300;
	s26 =	sadd.s32 $0x0, s30  }
.LBB2_4:
0x86: {  	[tilespmem:s17], [sflag:$0x2] =	stream.linear.gather [hbm4b:s26+s9], $0x80, $0x38;
	[tilespmem:$0x10080] =	vst v63  }
0x87: {  	s26 =	smov.u32 s22;
	s17 =	smov.u32 s12;
	p1 =	sne.s32 s22, $0x3F80  }
.Ltmp3:
0x88: {  	s22 =	sadd.s32 $0x80, s22;
	(pc) =	sbr.rel @p1 .LBB2_4-.Ltmp3, $2  }
0x89: {  	_ =	sdelay $0x2  }
0x8a: {  	s12 =	sadd.s32 $0x200, s12;
	s26 =	sadd.s32 s26, s30  }
0x8b: {  	v9 =	vxor.u32 $0x80000000, v9  }
0x8c: {  	v9 =	vnsel vm1, $0x7FFFFFFF, v9  }
0x8d: {  	(xrf0) =	vmax.scan.msk.u32 $0xffff, v9;
	_ =	sdelay $0x5  }
0x8e: {  	v9, _, _ =	vpop (xrf0)  }
0x8f: {  	(v2sf) =	vpush v9, $0xF;
	_ =	sdelay $0xd  }
0x90: {  	[tilespmem:s17], [sflag:$0x2] =	stream.linear.gather [hbm4b:s26+s9], $0x80, $0x38;
	[tilespmem:$0x10080] =	vst v63  }
0x91: {  	s12 =	spop (v2sf)  }
0x92: {  	s26 =	sshll.u32 s12, $0xE;
	s12 =	sshll.u32 s12, $0x7  }
0x93: {  	s17 =	sand.u32 $0xFFFE0000, s26;
	s12 =	sand.u32 $0x380, s12  }
0x94: {  	s12 =	sor.u32 s12, s17  }
0x95: {  	s12 =	sshrl.u32 s12, $0x3  }
0x96: {  	s30 =	simm.s32 $0x180;
	s17 =	sadd.s32 s11, s12  }
0x97: {  	s22 =	simm.s32 $0x80;
	s12 =	simm.s32 $0x380;
	s26 =	sadd.s32 $0x0, s17  }
.LBB2_6:
0x98: {  	[tilespmem:s30], [sflag:$0x3] =	stream.linear.gather [hbm4b:s26+s9], $0x80, $0x38;
	[tilespmem:$0x10080] =	vst v63  }
0x99: {  	s26 =	smov.u32 s22;
	s30 =	smov.u32 s12;
	p1 =	sne.s32 s22, $0x3F80  }
.Ltmp4:
0x9a: {  	s22 =	sadd.s32 $0x80, s22;
	(pc) =	sbr.rel @p1 .LBB2_6-.Ltmp4, $2  }
0x9b: {  	_ =	sdelay $0x2  }
0x9c: {  	s12 =	sadd.s32 $0x200, s12;
	s26 =	sadd.s32 s26, s17  }
0x9d: {  	[tilespmem:s30], [sflag:$0x3] =	stream.linear.gather [hbm4b:s26+s9], $0x80, $0x38;
	[tilespmem:$0x10080] =	vst v63  }
0x9e: {  	_ =	swait.ge [sflag:s31], $0x4000  }
0x9f: {  	s17 =	simm.s32 $0x80;
	s22 =	simm.s32 $0x80;
	[sflag:s31] =	ssyncset.done $0x0  }
0xa0: {  	s26 =	sadd.s32 $0x0, s0;
	s12 =	simm.s32 $0x280;
	[sflag:s31] =	ssyncadd.s32 $0xFFFFC000  }
.LBB2_8:
0xa1: {  	[hbm4b:s26+s9] =	stream.linear.scatter [tilespmem:s17], [sflag:$0x5], $0x80, $0x38;
	[tilespmem:$0x10080] =	vst v63  }
0xa2: {  	s26 =	smov.u32 s22;
	s17 =	smov.u32 s12;
	p1 =	sne.s32 s22, $0x3F80  }
.Ltmp5:
0xa3: {  	s22 =	sadd.s32 $0x80, s22;
	(pc) =	sbr.rel @p1 .LBB2_8-.Ltmp5, $2  }
0xa4: {  	_ =	sdelay $0x2  }
0xa5: {  	s12 =	sadd.s32 $0x200, s12;
	s26 =	sadd.s32 s26, s0  }
0xa6: {  	v8 =	vxor.u32 $0x80000000, v8  }
0xa7: {  	v8 =	vnsel vm2, $0x7FFFFFFF, v8  }
0xa8: {  	(xrf0) =	vmax.scan.msk.u32 $0xffff, v8;
	_ =	sdelay $0x5  }
0xa9: {  	v8, _, _ =	vpop (xrf0)  }
0xaa: {  	(v2sf) =	vpush v8, $0xF;
	_ =	sdelay $0xd  }
0xab: {  	[hbm4b:s26+s9] =	stream.linear.scatter [tilespmem:s17], [sflag:$0x5], $0x80, $0x38;
	[tilespmem:$0x10080] =	vst v63  }
0xac: {  	s12 =	spop (v2sf)  }
0xad: {  	s26 =	sshll.u32 s12, $0xE  }
0xae: {  	s12 =	sshll.u32 s12, $0x7;
	s17 =	sand.u32 $0xFFFE0000, s26  }
0xaf: {  	s12 =	sand.u32 $0x380, s12;
	s17 =	sadd.s32 s29, s17  }
0xb0: {  	s12 =	sor.u32 s12, s17  }
0xb1: {  	s12 =	sshrl.u32 s12, $0x3  }
0xb2: {  	s30 =	simm.s32 $0x200;
	s17 =	sadd.s32 s11, s12  }
0xb3: {  	s22 =	simm.s32 $0x80;
	s12 =	simm.s32 $0x400;
	s26 =	sadd.s32 $0x0, s17  }
.LBB2_10:
0xb4: {  	[tilespmem:s30], [sflag:$0x4] =	stream.linear.gather [hbm4b:s26+s9], $0x80, $0x38;
	[tilespmem:$0x10080] =	vst v63  }
0xb5: {  	s26 =	smov.u32 s22;
	s30 =	smov.u32 s12;
	p1 =	sne.s32 s22, $0x3F80  }
.Ltmp6:
0xb6: {  	s22 =	sadd.s32 $0x80, s22;
	(pc) =	sbr.rel @p1 .LBB2_10-.Ltmp6, $2  }
0xb7: {  	_ =	sdelay $0x2  }
0xb8: {  	s12 =	sadd.s32 $0x200, s12;
	s26 =	sadd.s32 s26, s17  }
0xb9: {  	[tilespmem:s30], [sflag:$0x4] =	stream.linear.gather [hbm4b:s26+s9], $0x80, $0x38;
	[tilespmem:$0x10080] =	vst v63  }
0xba: {  	_ =	swait.ge [sflag:s16], $0x4000  }
0xbb: {  	s17 =	simm.s32 $0x100;
	s22 =	simm.s32 $0x80;
	[sflag:s16] =	ssyncset.done $0x0  }
0xbc: {  	s26 =	sadd.s32 $0x0, s1;
	s12 =	simm.s32 $0x300;
	[sflag:s16] =	ssyncadd.s32 $0xFFFFC000  }
.LBB2_12:
0xbd: {  	[hbm4b:s26+s9] =	stream.linear.scatter [tilespmem:s17], [sflag:$0x6], $0x80, $0x38;
	[tilespmem:$0x10080] =	vst v63  }
0xbe: {  	s26 =	smov.u32 s22;
	s17 =	smov.u32 s12;
	p1 =	sne.s32 s22, $0x3F80  }
.Ltmp7:
0xbf: {  	s22 =	sadd.s32 $0x80, s22;
	(pc) =	sbr.rel @p1 .LBB2_12-.Ltmp7, $2  }
0xc0: {  	_ =	sdelay $0x2  }
0xc1: {  	s12 =	sadd.s32 $0x200, s12;
	s26 =	sadd.s32 s26, s1  }
0xc2: {  	v7 =	vxor.u32 $0x80000000, v7  }
0xc3: {  	v7 =	vnsel vm3, $0x7FFFFFFF, v7  }
0xc4: {  	(xrf0) =	vmax.scan.msk.u32 $0xffff, v7;
	_ =	sdelay $0x5  }
0xc5: {  	v7, _, _ =	vpop (xrf0)  }
0xc6: {  	(v2sf) =	vpush v7, $0xF;
	_ =	sdelay $0xd  }
0xc7: {  	[hbm4b:s26+s9] =	stream.linear.scatter [tilespmem:s17], [sflag:$0x6], $0x80, $0x38;
	[tilespmem:$0x10080] =	vst v63  }
0xc8: {  	s12 =	spop (v2sf)  }
0xc9: {  	s26 =	sshll.u32 s12, $0xE;
	s12 =	sshll.u32 s12, $0x7  }
0xca: {  	s17 =	sand.u32 $0xFFFE0000, s26;
	s12 =	sand.u32 $0x380, s12  }
0xcb: {  	s12 =	sor.u32 s12, s17  }
0xcc: {  	s12 =	sadd.s32 $0x240000, s12  }
0xcd: {  	s30 =	simm.s32 $0x80;
	_ =	swait.ge [sflag:s18], $0x4000;
	s12 =	sshrl.u32 s12, $0x3  }
0xce: {  	s22 =	simm.s32 $0x80;
	[sflag:s18] =	ssyncset.done $0x0;
	s17 =	sadd.s32 s11, s12  }
0xcf: {  	[sflag:s18] =	ssyncadd.s32 $0xFFFFC000;
	s12 =	simm.s32 $0x280;
	s26 =	sadd.s32 $0x0, s17  }
.LBB2_14:
0xd0: {  	[tilespmem:s30], [sflag:$0x1] =	stream.linear.gather [hbm4b:s26+s9], $0x80, $0x38;
	[tilespmem:$0x10080] =	vst v63  }
0xd1: {  	s26 =	smov.u32 s22;
	s30 =	smov.u32 s12;
	p1 =	sne.s32 s22, $0x3F80  }
.Ltmp8:
0xd2: {  	s22 =	sadd.s32 $0x80, s22;
	(pc) =	sbr.rel @p1 .LBB2_14-.Ltmp8, $2  }
0xd3: {  	_ =	sdelay $0x2  }
0xd4: {  	s12 =	sadd.s32 $0x200, s12;
	s26 =	sadd.s32 s26, s17  }
0xd5: {  	[tilespmem:s30], [sflag:$0x1] =	stream.linear.gather [hbm4b:s26+s9], $0x80, $0x38;
	[tilespmem:$0x10080] =	vst v63  }
0xd6: {  	_ =	swait.ge [sflag:s19], $0x4000  }
0xd7: {  	s17 =	simm.s32 $0x180;
	s22 =	simm.s32 $0x80;
	[sflag:s19] =	ssyncset.done $0x0  }
0xd8: {  	s26 =	sadd.s32 $0x0, s2;
	s12 =	simm.s32 $0x380;
	[sflag:s19] =	ssyncadd.s32 $0xFFFFC000  }
.LBB2_16:
0xd9: {  	[hbm4b:s26+s9] =	stream.linear.scatter [tilespmem:s17], [sflag:$0x7], $0x80, $0x38;
	[tilespmem:$0x10080] =	vst v63  }
0xda: {  	s26 =	smov.u32 s22;
	s17 =	smov.u32 s12;
	p1 =	sne.s32 s22, $0x3F80  }
.Ltmp9:
0xdb: {  	s22 =	sadd.s32 $0x80, s22;
	(pc) =	sbr.rel @p1 .LBB2_16-.Ltmp9, $2  }
0xdc: {  	_ =	sdelay $0x2  }
0xdd: {  	s12 =	sadd.s32 $0x200, s12;
	s26 =	sadd.s32 s26, s2  }
0xde: {  	v6 =	vxor.u32 $0x80000000, v6  }
0xdf: {  	v6 =	vnsel vm4, $0x7FFFFFFF, v6  }
0xe0: {  	(xrf0) =	vmax.scan.msk.u32 $0xffff, v6;
	_ =	sdelay $0x5  }
0xe1: {  	v6, _, _ =	vpop (xrf0)  }
0xe2: {  	(v2sf) =	vpush v6, $0xF;
	_ =	sdelay $0xd  }
0xe3: {  	[hbm4b:s26+s9] =	stream.linear.scatter [tilespmem:s17], [sflag:$0x7], $0x80, $0x38;
	[tilespmem:$0x10080] =	vst v63  }
0xe4: {  	s12 =	spop (v2sf)  }
0xe5: {  	s26 =	sshll.u32 s12, $0xE;
	s12 =	sshll.u32 s12, $0x7  }
0xe6: {  	s17 =	sand.u32 $0xFFFE0000, s26;
	s12 =	sand.u32 $0x380, s12  }
0xe7: {  	s12 =	sor.u32 s12, s17  }
0xe8: {  	s12 =	sadd.s32 $0x240000, s12  }
0xe9: {  	s30 =	simm.s32 $0x100;
	_ =	swait.ge [sflag:s20], $0x4000;
	s12 =	sshrl.u32 s12, $0x3  }
0xea: {  	s22 =	simm.s32 $0x80;
	[sflag:s20] =	ssyncset.done $0x0;
	s17 =	sadd.s32 s11, s12  }
0xeb: {  	[sflag:s20] =	ssyncadd.s32 $0xFFFFC000;
	s12 =	simm.s32 $0x300;
	s26 =	sadd.s32 $0x0, s17  }
.LBB2_18:
0xec: {  	[tilespmem:s30], [sflag:$0x2] =	stream.linear.gather [hbm4b:s26+s9], $0x80, $0x38;
	[tilespmem:$0x10080] =	vst v63  }
0xed: {  	s26 =	smov.u32 s22;
	s30 =	smov.u32 s12;
	p1 =	sne.s32 s22, $0x3F80  }
.Ltmp10:
0xee: {  	s22 =	sadd.s32 $0x80, s22;
	(pc) =	sbr.rel @p1 .LBB2_18-.Ltmp10, $2  }
0xef: {  	_ =	sdelay $0x2  }
0xf0: {  	s12 =	sadd.s32 $0x200, s12;
	s26 =	sadd.s32 s26, s17  }
0xf1: {  	[tilespmem:s30], [sflag:$0x2] =	stream.linear.gather [hbm4b:s26+s9], $0x80, $0x38;
	[tilespmem:$0x10080] =	vst v63  }
0xf2: {  	_ =	swait.ge [sflag:s21], $0x4000  }
0xf3: {  	s17 =	simm.s32 $0x200;
	s22 =	simm.s32 $0x80;
	[sflag:s21] =	ssyncset.done $0x0  }
0xf4: {  	s26 =	sadd.s32 $0x0, s10;
	s12 =	simm.s32 $0x400;
	[sflag:s21] =	ssyncadd.s32 $0xFFFFC000  }
.LBB2_20:
0xf5: {  	[hbm4b:s26+s9] =	stream.linear.scatter [tilespmem:s17], [sflag:$0x8], $0x80, $0x38;
	[tilespmem:$0x10080] =	vst v63  }
0xf6: {  	s26 =	smov.u32 s22;
	s17 =	smov.u32 s12;
	p1 =	sne.s32 s22, $0x3F80  }
.Ltmp11:
0xf7: {  	s22 =	sadd.s32 $0x80, s22;
	(pc) =	sbr.rel @p1 .LBB2_20-.Ltmp11, $2  }
0xf8: {  	_ =	sdelay $0x2  }
0xf9: {  	s12 =	sadd.s32 $0x200, s12;
	s26 =	sadd.s32 s26, s10  }
0xfa: {  	v5 =	vxor.u32 $0x80000000, v5  }
0xfb: {  	v5 =	vnsel vm5, $0x7FFFFFFF, v5  }
0xfc: {  	(xrf0) =	vmax.scan.msk.u32 $0xffff, v5;
	_ =	sdelay $0x5  }
0xfd: {  	v5, _, _ =	vpop (xrf0)  }
0xfe: {  	(v2sf) =	vpush v5, $0xF;
	_ =	sdelay $0xd  }
0xff: {  	[hbm4b:s26+s9] =	stream.linear.scatter [tilespmem:s17], [sflag:$0x8], $0x80, $0x38;
	[tilespmem:$0x10080] =	vst v63  }
0x100: {  	s12 =	spop (v2sf)  }
0x101: {  	s26 =	sshll.u32 s12, $0xE;
	s12 =	sshll.u32 s12, $0x7  }
0x102: {  	s17 =	sand.u32 $0xFFFE0000, s26;
	s12 =	sand.u32 $0x380, s12  }
0x103: {  	s12 =	sor.u32 s12, s17  }
0x104: {  	s12 =	sadd.s32 $0x240000, s12  }
0x105: {  	s30 =	simm.s32 $0x180;
	_ =	swait.ge [sflag:s23], $0x4000;
	s12 =	sshrl.u32 s12, $0x3  }
0x106: {  	s22 =	simm.s32 $0x80;
	[sflag:s23] =	ssyncset.done $0x0;
	s17 =	sadd.s32 s11, s12  }
0x107: {  	[sflag:s23] =	ssyncadd.s32 $0xFFFFC000;
	s12 =	simm.s32 $0x380;
	s26 =	sadd.s32 $0x0, s17  }
.LBB2_22:
0x108: {  	[tilespmem:s30], [sflag:$0x3] =	stream.linear.gather [hbm4b:s26+s9], $0x80, $0x38;
	[tilespmem:$0x10080] =	vst v63  }
0x109: {  	s26 =	smov.u32 s22;
	s30 =	smov.u32 s12;
	p1 =	sne.s32 s22, $0x3F80  }
.Ltmp12:
0x10a: {  	s22 =	sadd.s32 $0x80, s22;
	(pc) =	sbr.rel @p1 .LBB2_22-.Ltmp12, $2  }
0x10b: {  	_ =	sdelay $0x2  }
0x10c: {  	s12 =	sadd.s32 $0x200, s12;
	s26 =	sadd.s32 s26, s17  }
0x10d: {  	[tilespmem:s30], [sflag:$0x3] =	stream.linear.gather [hbm4b:s26+s9], $0x80, $0x38;
	[tilespmem:$0x10080] =	vst v63  }
0x10e: {  	_ =	swait.ge [sflag:s31], $0x4000  }
0x10f: {  	s17 =	simm.s32 $0x80;
	s22 =	simm.s32 $0x80;
	[sflag:s31] =	ssyncset.done $0x0  }
0x110: {  	s26 =	sadd.s32 $0x0, s3;
	s12 =	simm.s32 $0x280;
	[sflag:s31] =	ssyncadd.s32 $0xFFFFC000  }
.LBB2_24:
0x111: {  	[hbm4b:s26+s9] =	stream.linear.scatter [tilespmem:s17], [sflag:$0x5], $0x80, $0x38;
	[tilespmem:$0x10080] =	vst v63  }
0x112: {  	s26 =	smov.u32 s22;
	s17 =	smov.u32 s12;
	p1 =	sne.s32 s22, $0x3F80  }
.Ltmp13:
0x113: {  	s22 =	sadd.s32 $0x80, s22;
	(pc) =	sbr.rel @p1 .LBB2_24-.Ltmp13, $2  }
0x114: {  	_ =	sdelay $0x2  }
0x115: {  	s12 =	sadd.s32 $0x200, s12;
	s26 =	sadd.s32 s26, s3  }
0x116: {  	v4 =	vxor.u32 $0x80000000, v4  }
0x117: {  	v4 =	vnsel vm6, $0x7FFFFFFF, v4  }
0x118: {  	(xrf0) =	vmax.scan.msk.u32 $0xffff, v4;
	_ =	sdelay $0x5  }
0x119: {  	v4, _, _ =	vpop (xrf0)  }
0x11a: {  	(v2sf) =	vpush v4, $0xF;
	_ =	sdelay $0xd  }
0x11b: {  	[hbm4b:s26+s9] =	stream.linear.scatter [tilespmem:s17], [sflag:$0x5], $0x80, $0x38;
	[tilespmem:$0x10080] =	vst v63  }
0x11c: {  	s12 =	spop (v2sf)  }
0x11d: {  	s26 =	sshll.u32 s12, $0xE  }
0x11e: {  	s22 =	rddreg [dreg:$0xf];
	s12 =	sshll.u32 s12, $0x7;
	s17 =	sand.u32 $0xFFFE0000, s26  }
0x11f: {  	s12 =	sand.u32 $0x380, s12;
	s17 =	sadd.s32 s22, s17  }
0x120: {  	_ =	swait.ge [sflag:s24], $0x4000;
	s12 =	sor.u32 s12, s17  }
0x121: {  	[sflag:s24] =	ssyncset.done $0x0;
	s12 =	sshrl.u32 s12, $0x3  }
0x122: {  	s30 =	simm.s32 $0x200;
	[sflag:s24] =	ssyncadd.s32 $0xFFFFC000;
	s17 =	sadd.s32 s11, s12  }
0x123: {  	s22 =	simm.s32 $0x80;
	s12 =	simm.s32 $0x400;
	s26 =	sadd.s32 $0x0, s17  }
.LBB2_26:
0x124: {  	[tilespmem:s30], [sflag:$0x4] =	stream.linear.gather [hbm4b:s26+s9], $0x80, $0x38;
	[tilespmem:$0x10080] =	vst v63  }
0x125: {  	s26 =	smov.u32 s22;
	s30 =	smov.u32 s12;
	p1 =	sne.s32 s22, $0x3F80  }
.Ltmp14:
0x126: {  	s22 =	sadd.s32 $0x80, s22;
	(pc) =	sbr.rel @p1 .LBB2_26-.Ltmp14, $2  }
0x127: {  	_ =	sdelay $0x2  }
0x128: {  	s12 =	sadd.s32 $0x200, s12;
	s26 =	sadd.s32 s26, s17  }
0x129: {  	[tilespmem:s30], [sflag:$0x4] =	stream.linear.gather [hbm4b:s26+s9], $0x80, $0x38;
	[tilespmem:$0x10080] =	vst v63  }
0x12a: {  	_ =	swait.ge [sflag:s16], $0x4000  }
0x12b: {  	s17 =	simm.s32 $0x100;
	s22 =	simm.s32 $0x80;
	[sflag:s16] =	ssyncset.done $0x0  }
0x12c: {  	s26 =	sadd.s32 $0x0, s4;
	s12 =	simm.s32 $0x300;
	[sflag:s16] =	ssyncadd.s32 $0xFFFFC000  }
.LBB2_28:
0x12d: {  	[hbm4b:s26+s9] =	stream.linear.scatter [tilespmem:s17], [sflag:$0x6], $0x80, $0x38;
	[tilespmem:$0x10080] =	vst v63  }
0x12e: {  	s26 =	smov.u32 s22;
	s17 =	smov.u32 s12;
	p1 =	sne.s32 s22, $0x3F80  }
.Ltmp15:
0x12f: {  	s22 =	sadd.s32 $0x80, s22;
	(pc) =	sbr.rel @p1 .LBB2_28-.Ltmp15, $2  }
0x130: {  	_ =	sdelay $0x2  }
0x131: {  	s12 =	sadd.s32 $0x200, s12;
	s26 =	sadd.s32 s26, s4  }
0x132: {  	v3 =	vxor.u32 $0x80000000, v3  }
0x133: {  	v3 =	vnsel vm7, $0x7FFFFFFF, v3  }
0x134: {  	(xrf0) =	vmax.scan.msk.u32 $0xffff, v3;
	_ =	sdelay $0x5  }
0x135: {  	v3, _, _ =	vpop (xrf0)  }
0x136: {  	(v2sf) =	vpush v3, $0xF;
	_ =	sdelay $0xd  }
0x137: {  	[hbm4b:s26+s9] =	stream.linear.scatter [tilespmem:s17], [sflag:$0x6], $0x80, $0x38;
	[tilespmem:$0x10080] =	vst v63  }
0x138: {  	s12 =	spop (v2sf)  }
0x139: {  	s26 =	sshll.u32 s12, $0xE;
	s12 =	sshll.u32 s12, $0x7  }
0x13a: {  	s17 =	sand.u32 $0xFFFE0000, s26;
	s12 =	sand.u32 $0x380, s12  }
0x13b: {  	s12 =	sor.u32 s12, s17  }
0x13c: {  	s12 =	sadd.s32 $0x480000, s12  }
0x13d: {  	s30 =	simm.s32 $0x80;
	_ =	swait.ge [sflag:s18], $0x4000;
	s12 =	sshrl.u32 s12, $0x3  }
0x13e: {  	s22 =	simm.s32 $0x80;
	[sflag:s18] =	ssyncset.done $0x0;
	s17 =	sadd.s32 s11, s12  }
0x13f: {  	[sflag:s18] =	ssyncadd.s32 $0xFFFFC000;
	s12 =	simm.s32 $0x280;
	s26 =	sadd.s32 $0x0, s17  }
.LBB2_30:
0x140: {  	[tilespmem:s30], [sflag:$0x1] =	stream.linear.gather [hbm4b:s26+s9], $0x80, $0x38;
	[tilespmem:$0x10080] =	vst v63  }
0x141: {  	s26 =	smov.u32 s22;
	s30 =	smov.u32 s12;
	p1 =	sne.s32 s22, $0x3F80  }
.Ltmp16:
0x142: {  	s22 =	sadd.s32 $0x80, s22;
	(pc) =	sbr.rel @p1 .LBB2_30-.Ltmp16, $2  }
0x143: {  	_ =	sdelay $0x2  }
0x144: {  	s12 =	sadd.s32 $0x200, s12;
	s26 =	sadd.s32 s26, s17  }
0x145: {  	[tilespmem:s30], [sflag:$0x1] =	stream.linear.gather [hbm4b:s26+s9], $0x80, $0x38;
	[tilespmem:$0x10080] =	vst v63  }
0x146: {  	_ =	swait.ge [sflag:s19], $0x4000  }
0x147: {  	s17 =	simm.s32 $0x180;
	s22 =	simm.s32 $0x80;
	[sflag:s19] =	ssyncset.done $0x0  }
0x148: {  	s26 =	sadd.s32 $0x0, s5;
	s12 =	simm.s32 $0x380;
	[sflag:s19] =	ssyncadd.s32 $0xFFFFC000  }
.LBB2_32:
0x149: {  	[hbm4b:s26+s9] =	stream.linear.scatter [tilespmem:s17], [sflag:$0x7], $0x80, $0x38;
	[tilespmem:$0x10080] =	vst v63  }
0x14a: {  	s26 =	smov.u32 s22;
	s17 =	smov.u32 s12;
	p1 =	sne.s32 s22, $0x3F80  }
.Ltmp17:
0x14b: {  	s22 =	sadd.s32 $0x80, s22;
	(pc) =	sbr.rel @p1 .LBB2_32-.Ltmp17, $2  }
0x14c: {  	_ =	sdelay $0x2  }
0x14d: {  	s12 =	sadd.s32 $0x200, s12;
	s26 =	sadd.s32 s26, s5  }
0x14e: {  	v2 =	vxor.u32 $0x80000000, v2  }
0x14f: {  	v2 =	vnsel vm8, $0x7FFFFFFF, v2  }
0x150: {  	(xrf0) =	vmax.scan.msk.u32 $0xffff, v2;
	_ =	sdelay $0x5  }
0x151: {  	v2, _, _ =	vpop (xrf0)  }
0x152: {  	(v2sf) =	vpush v2, $0xF;
	_ =	sdelay $0xd  }
0x153: {  	[hbm4b:s26+s9] =	stream.linear.scatter [tilespmem:s17], [sflag:$0x7], $0x80, $0x38;
	[tilespmem:$0x10080] =	vst v63  }
0x154: {  	s12 =	spop (v2sf)  }
0x155: {  	s26 =	sshll.u32 s12, $0xE;
	s12 =	sshll.u32 s12, $0x7  }
0x156: {  	s17 =	sand.u32 $0xFFFE0000, s26;
	s12 =	sand.u32 $0x380, s12  }
0x157: {  	s12 =	sor.u32 s12, s17  }
0x158: {  	s12 =	sadd.s32 $0x480000, s12  }
0x159: {  	s30 =	simm.s32 $0x100;
	_ =	swait.ge [sflag:s20], $0x4000;
	s12 =	sshrl.u32 s12, $0x3  }
0x15a: {  	s22 =	simm.s32 $0x80;
	[sflag:s20] =	ssyncset.done $0x0;
	s17 =	sadd.s32 s11, s12  }
0x15b: {  	[sflag:s20] =	ssyncadd.s32 $0xFFFFC000;
	s12 =	simm.s32 $0x300;
	s26 =	sadd.s32 $0x0, s17  }
.LBB2_34:
0x15c: {  	[tilespmem:s30], [sflag:$0x2] =	stream.linear.gather [hbm4b:s26+s9], $0x80, $0x38;
	[tilespmem:$0x10080] =	vst v63  }
0x15d: {  	s26 =	smov.u32 s22;
	s30 =	smov.u32 s12;
	p1 =	sne.s32 s22, $0x3F80  }
.Ltmp18:
0x15e: {  	s22 =	sadd.s32 $0x80, s22;
	(pc) =	sbr.rel @p1 .LBB2_34-.Ltmp18, $2  }
0x15f: {  	_ =	sdelay $0x2  }
0x160: {  	s12 =	sadd.s32 $0x200, s12;
	s26 =	sadd.s32 s26, s17  }
0x161: {  	[tilespmem:s30], [sflag:$0x2] =	stream.linear.gather [hbm4b:s26+s9], $0x80, $0x38;
	[tilespmem:$0x10080] =	vst v63  }
0x162: {  	_ =	swait.ge [sflag:s21], $0x4000  }
0x163: {  	s17 =	simm.s32 $0x200;
	s22 =	simm.s32 $0x80;
	[sflag:s21] =	ssyncset.done $0x0  }
0x164: {  	s26 =	sadd.s32 $0x0, s14;
	s12 =	simm.s32 $0x400;
	[sflag:s21] =	ssyncadd.s32 $0xFFFFC000  }
.LBB2_36:
0x165: {  	[hbm4b:s26+s9] =	stream.linear.scatter [tilespmem:s17], [sflag:$0x8], $0x80, $0x38;
	[tilespmem:$0x10080] =	vst v63  }
0x166: {  	s26 =	smov.u32 s22;
	s17 =	smov.u32 s12;
	p1 =	sne.s32 s22, $0x3F80  }
.Ltmp19:
0x167: {  	s22 =	sadd.s32 $0x80, s22;
	(pc) =	sbr.rel @p1 .LBB2_36-.Ltmp19, $2  }
0x168: {  	_ =	sdelay $0x2  }
0x169: {  	s12 =	sadd.s32 $0x200, s12;
	s26 =	sadd.s32 s26, s14  }
0x16a: {  	v1 =	vxor.u32 $0x80000000, v1  }
0x16b: {  	v1 =	vnsel vm9, $0x7FFFFFFF, v1  }
0x16c: {  	(xrf0) =	vmax.scan.msk.u32 $0xffff, v1;
	_ =	sdelay $0x5  }
0x16d: {  	v1, _, _ =	vpop (xrf0)  }
0x16e: {  	(v2sf) =	vpush v1, $0xF;
	_ =	sdelay $0xd  }
0x16f: {  	[hbm4b:s26+s9] =	stream.linear.scatter [tilespmem:s17], [sflag:$0x8], $0x80, $0x38;
	[tilespmem:$0x10080] =	vst v63  }
0x170: {  	s12 =	spop (v2sf)  }
0x171: {  	s26 =	sshll.u32 s12, $0xE;
	s12 =	sshll.u32 s12, $0x7  }
0x172: {  	s17 =	sand.u32 $0xFFFE0000, s26;
	s12 =	sand.u32 $0x380, s12  }
0x173: {  	s12 =	sor.u32 s12, s17  }
0x174: {  	s12 =	sadd.s32 $0x480000, s12  }
0x175: {  	s30 =	simm.s32 $0x180;
	_ =	swait.ge [sflag:s23], $0x4000;
	s12 =	sshrl.u32 s12, $0x3  }
0x176: {  	s22 =	simm.s32 $0x80;
	[sflag:s23] =	ssyncset.done $0x0;
	s17 =	sadd.s32 s11, s12  }
0x177: {  	[sflag:s23] =	ssyncadd.s32 $0xFFFFC000;
	s12 =	simm.s32 $0x380;
	s26 =	sadd.s32 $0x0, s17  }
.LBB2_38:
0x178: {  	[tilespmem:s30], [sflag:$0x3] =	stream.linear.gather [hbm4b:s26+s9], $0x80, $0x38;
	[tilespmem:$0x10080] =	vst v63  }
0x179: {  	s26 =	smov.u32 s22;
	s30 =	smov.u32 s12;
	p1 =	sne.s32 s22, $0x3F80  }
.Ltmp20:
0x17a: {  	s22 =	sadd.s32 $0x80, s22;
	(pc) =	sbr.rel @p1 .LBB2_38-.Ltmp20, $2  }
0x17b: {  	_ =	sdelay $0x2  }
0x17c: {  	s12 =	sadd.s32 $0x200, s12;
	s26 =	sadd.s32 s26, s17  }
0x17d: {  	[tilespmem:s30], [sflag:$0x3] =	stream.linear.gather [hbm4b:s26+s9], $0x80, $0x38;
	[tilespmem:$0x10080] =	vst v63  }
0x17e: {  	_ =	swait.ge [sflag:s31], $0x4000  }
0x17f: {  	s17 =	simm.s32 $0x80;
	s22 =	simm.s32 $0x80;
	[sflag:s31] =	ssyncset.done $0x0  }
0x180: {  	s26 =	sadd.s32 $0x0, s6;
	s12 =	simm.s32 $0x280;
	[sflag:s31] =	ssyncadd.s32 $0xFFFFC000  }
.LBB2_40:
0x181: {  	[hbm4b:s26+s9] =	stream.linear.scatter [tilespmem:s17], [sflag:$0x5], $0x80, $0x38;
	[tilespmem:$0x10080] =	vst v63  }
0x182: {  	s26 =	smov.u32 s22;
	s17 =	smov.u32 s12;
	p1 =	sne.s32 s22, $0x3F80  }
.Ltmp21:
0x183: {  	s22 =	sadd.s32 $0x80, s22;
	(pc) =	sbr.rel @p1 .LBB2_40-.Ltmp21, $2  }
0x184: {  	_ =	sdelay $0x2  }
0x185: {  	s12 =	sadd.s32 $0x200, s12;
	s26 =	sadd.s32 s26, s6  }
.Ltmp22:
0x186: {  	(pc) =	sbr.rel @p0 .LBB2_45-.Ltmp22, $4  }
0x187: {  	[hbm4b:s26+s9] =	stream.linear.scatter [tilespmem:s17], [sflag:$0x5], $0x80, $0x38;
	[tilespmem:$0x10080] =	vst v63  }
0x188: {  	_ =	swait.ge [sflag:s24], $0x4000  }
0x189: {  	[sflag:s24] =	ssyncset.done $0x0  }
0x18a: {  	[sflag:s24] =	ssyncadd.s32 $0xFFFFC000  }
0x18b: {  	v0 =	vxor.u32 $0x80000000, v0  }
0x18c: {  	v0 =	vnsel vm10, $0x7FFFFFFF, v0  }
0x18d: {  	(xrf0) =	vmax.scan.msk.u32 $0xffff, v0;
	_ =	sdelay $0x5  }
0x18e: {  	v0, _, _ =	vpop (xrf0)  }
0x18f: {  	(v2sf) =	vpush v0, $0xF;
	_ =	sdelay $0xe  }
0x190: {  	s12 =	spop (v2sf)  }
0x191: {  	s17 =	sshll.u32 s12, $0xE  }
0x192: {  	s22 =	rddreg [dreg:$0x10];
	s12 =	sshll.u32 s12, $0x7;
	s17 =	sand.u32 $0xFFFE0000, s17  }
0x193: {  	s12 =	sand.u32 $0x380, s12;
	s17 =	sadd.s32 s22, s17  }
0x194: {  	s12 =	sor.u32 s12, s17  }
0x195: {  	s12 =	sshrl.u32 s12, $0x3  }
0x196: {  	s30 =	simm.s32 $0x200;
	s17 =	sadd.s32 s11, s12  }
0x197: {  	s22 =	simm.s32 $0x80;
	s12 =	simm.s32 $0x400;
	s26 =	sadd.s32 $0x0, s17  }
.LBB2_43:
0x198: {  	[tilespmem:s30], [sflag:$0x4] =	stream.linear.gather [hbm4b:s26+s9], $0x80, $0x38;
	[tilespmem:$0x10080] =	vst v63  }
0x199: {  	s26 =	smov.u32 s22;
	s30 =	smov.u32 s12;
	p1 =	sne.s32 s22, $0x3F80  }
.Ltmp23:
0x19a: {  	s22 =	sadd.s32 $0x80, s22;
	(pc) =	sbr.rel @p1 .LBB2_43-.Ltmp23, $2  }
0x19b: {  	_ =	sdelay $0x2  }
0x19c: {  	s12 =	sadd.s32 $0x200, s12;
	s26 =	sadd.s32 s26, s17  }
0x19d: {  	[tilespmem:s30], [sflag:$0x4] =	stream.linear.gather [hbm4b:s26+s9], $0x80, $0x38;
	[tilespmem:$0x10080] =	vst v63  }
.LBB2_45:
0x19e: {  	_ =	swait.ge [sflag:s16], $0x4000  }
0x19f: {  	s17 =	simm.s32 $0x100;
	s22 =	simm.s32 $0x80;
	[sflag:s16] =	ssyncset.done $0x0  }
0x1a0: {  	s26 =	sadd.s32 $0x0, s7;
	s12 =	simm.s32 $0x300;
	[sflag:s16] =	ssyncadd.s32 $0xFFFFC000  }
.LBB2_46:
0x1a1: {  	[hbm4b:s26+s9] =	stream.linear.scatter [tilespmem:s17], [sflag:$0x6], $0x80, $0x38;
	[tilespmem:$0x10080] =	vst v63  }
0x1a2: {  	s26 =	smov.u32 s22;
	s17 =	smov.u32 s12;
	p1 =	sne.s32 s22, $0x3F80  }
.Ltmp24:
0x1a3: {  	s22 =	sadd.s32 $0x80, s22;
	(pc) =	sbr.rel @p1 .LBB2_46-.Ltmp24, $2  }
0x1a4: {  	_ =	sdelay $0x2  }
0x1a5: {  	s12 =	sadd.s32 $0x200, s12;
	s26 =	sadd.s32 s26, s7  }
0x1a6: {  	[hbm4b:s26+s9] =	stream.linear.scatter [tilespmem:s17], [sflag:$0x6], $0x80, $0x38;
	[tilespmem:$0x10080] =	vst v63  }
0x1a7: {  	_ =	swait.ge [sflag:s19], $0x4000  }
0x1a8: {  	s17 =	simm.s32 $0x180;
	s22 =	simm.s32 $0x80;
	[sflag:s19] =	ssyncset.done $0x0  }
0x1a9: {  	s26 =	sadd.s32 $0x0, s8;
	s12 =	simm.s32 $0x380;
	[sflag:s19] =	ssyncadd.s32 $0xFFFFC000  }
.LBB2_48:
0x1aa: {  	[hbm4b:s26+s9] =	stream.linear.scatter [tilespmem:s17], [sflag:$0x7], $0x80, $0x38;
	[tilespmem:$0x10080] =	vst v63  }
0x1ab: {  	s26 =	smov.u32 s22;
	s17 =	smov.u32 s12;
	p1 =	sne.s32 s22, $0x3F80  }
.Ltmp25:
0x1ac: {  	s22 =	sadd.s32 $0x80, s22;
	(pc) =	sbr.rel @p1 .LBB2_48-.Ltmp25, $2  }
0x1ad: {  	_ =	sdelay $0x2  }
0x1ae: {  	s12 =	sadd.s32 $0x200, s12;
	s26 =	sadd.s32 s26, s8  }
.Ltmp26:
0x1af: {  	(pc) =	sbr.rel @p0 .LBB2_50-.Ltmp26, $2  }
0x1b0: {  	_ =	sdelay $0x2  }
0x1b1: {  	[hbm4b:s26+s9] =	stream.linear.scatter [tilespmem:s17], [sflag:$0x7], $0x80, $0x38;
	[tilespmem:$0x10080] =	vst v63  }
0x1b2: {  	_ =	swait.ge [sflag:s21], $0x4000  }
0x1b3: {  	s17 =	simm.s32 $0x200;
	s22 =	simm.s32 $0x80;
	[sflag:s21] =	ssyncset.done $0x0  }
0x1b4: {  	s26 =	sadd.s32 $0x0, s15;
	s12 =	simm.s32 $0x400;
	[sflag:s21] =	ssyncadd.s32 $0xFFFFC000  }
.LBB2_52:
0x1b5: {  	[hbm4b:s26+s9] =	stream.linear.scatter [tilespmem:s17], [sflag:$0x8], $0x80, $0x38;
	[tilespmem:$0x10080] =	vst v63  }
0x1b6: {  	s26 =	smov.u32 s22;
	s17 =	smov.u32 s12;
	p1 =	sne.s32 s22, $0x3F80  }
.Ltmp27:
0x1b7: {  	s22 =	sadd.s32 $0x80, s22;
	(pc) =	sbr.rel @p1 .LBB2_52-.Ltmp27, $2  }
0x1b8: {  	_ =	sdelay $0x2  }
0x1b9: {  	s12 =	sadd.s32 $0x200, s12;
	s26 =	sadd.s32 s26, s15  }
.Ltmp28:
0x1ba: {  	(pc) =	sbr.rel .LBB2_54-.Ltmp28, $4  }
0x1bb: {  	[hbm4b:s26+s9] =	stream.linear.scatter [tilespmem:s17], [sflag:$0x8], $0x80, $0x38;
	[tilespmem:$0x10080] =	vst v63  }
0x1bc: {  	_ =	swait.ge [sflag:s18], $0x4000  }
0x1bd: {  	s17 =	simm.s32 $0x8;
	[sflag:s18] =	ssyncset.done $0x0  }
0x1be: {  	s12 =	simm.s32 $0x7;
	s22 =	simm.s32 $0x6;
	[sflag:s18] =	ssyncadd.s32 $0xFFFFC000  }
.LBB2_55:
0x1bf: {  	_ =	sfence.sel $0x180000  }
0x1c0: {  	[bflag:$0x0] =	sbarrier.arrive $0xFFFF  }
0x1c1: {  	_ =	strace $0x90000047  }
0x1c2: {  	[bflag:$0x2] =	sbarrier.arrive $0xFFFF  }
0x1c3: {  	s0 =	rddreg [dreg:$0x3]  }
0x1c4: {  	s0 =	sadd.s32 @!p0 $0x100000, s0  }
0x1c5: {  	[sflag:s0] =	ssyncadd.tile.s32 @!p0 $0x1;
	_ =	shalt  }
.Lfunc_end2:
_tile_overlayer_lowered:
.L_overlay_start_2:
0x1c6: {  	(tag) =	ssettag $0x2  }
0x1c7: {  	s0 =	rddreg [dreg:$0x0];
	s2 =	stileid.u32  }
0x1c8: {  	s1 =	rddreg [dreg:$0x1];
	p0 =	sne.s32 s2, $0x0  }
0x1c9: {  	s3 =	rddreg [dreg:$0x2];
	[bflag:$0x3] =	sbarrier.arrive $0xFFFF;
	s2 =	simm.s32 @!p0 $0x1C09  }
0x1ca: {  	[timem:s3], [sflag:s2] =	dma.local @!p0 [hbm:s0], s1  }
0x1cb: {  	s0 =	simm.s32 @!p0 $0x9  }
0x1cc: {  	_ =	swait.ge @!p0 [sflag:s0], s1  }
0x1cd: {  	s1 =	ssub.s32 @!p0 $0x0, s1;
	[sflag:s0] =	ssyncset.done @!p0 $0x0  }
0x1ce: {  	[sflag:s0] =	ssyncadd.s32 @!p0 s1  }
0x1cf: {  	[bflag:$0x3] =	sbarrier.arrive $0xFFFF  }
0x1d0: {  	_ =	shalt  }

</sc_bundles>
